<compile_context>
chip_gen: v7x
topology: tpu7x:2x2x1
jax: 0.10.2.dev20260603
libtpu: 0.0.44.dev20260713+nightly
codegen_flags: <defaults>
</compile_context>

<pallas_src>
import jax
import jax.numpy as jnp
from jax import lax
from jax.experimental import pallas as pl
from jax.experimental.pallas import tpu as pltpu
from jax.experimental.pallas import tpu_sc as plsc

N_EDGES = 160000
D_FEAT = 256
DIM_SIZE = 10000

NC = 2
NS = 16
L = 16
DH = D_FEAT // NC
EPW = N_EDGES // NS
B = 80
NB = EPW // B

SEG_PER_SC = 5120
GARBAGE = SEG_PER_SC
CNT_ROWS = SEG_PER_SC + 128
ZPW1 = CNT_ROWS // NS
CPW = SEG_PER_SC // NS

NSEG_PAD = 10240
ZPW2 = NSEG_PAD // NS
ZB = 64
DB = 16
NDB_PAD = NSEG_PAD // DB
DPW = NDB_PAD // NS


def _counts_body(idx_hbm, cnt_hbm, cnts_sh, idx_v, idx_b, idx2_v, ones_v,
                 zbuf, sem_a, sem_b):
    c = lax.axis_index("c")
    s = lax.axis_index("s")
    lo = c * SEG_PER_SC

    zero_v = jnp.zeros((L,), jnp.float32)
    one_v = jnp.ones((L,), jnp.float32)

    def _fill_ones(i, _):
        def _col(k, _):
            ones_v[i, pl.ds(k * L, L)] = one_v
            return 0
        lax.fori_loop(0, DH // L, _col, 0)
        return 0
    lax.fori_loop(0, B, _fill_ones, 0)

    def _fill(i, _):
        def _col(k, _):
            zbuf[i, pl.ds(k * L, L)] = zero_v
            return 0
        lax.fori_loop(0, DH // L, _col, 0)
        return 0
    lax.fori_loop(0, ZB, _fill, 0)

    z0 = s * ZPW1
    for t in range(ZPW1 // ZB):
        pltpu.sync_copy(zbuf, cnts_sh.at[pl.ds(z0 + t * ZB, ZB)])
    pltpu.sync_copy(zbuf.at[pl.ds(0, ZPW1 % ZB)],
                    cnts_sh.at[pl.ds(z0 + (ZPW1 // ZB) * ZB, ZPW1 % ZB)])
    plsc.subcore_barrier()

    e0 = s * EPW
    hi = lo + SEG_PER_SC

    def _loads(j, buf, sem):
        pltpu.async_copy(idx_hbm.at[pl.ds(e0 + j * B, B)], buf, sem)

    def _scatter(j, buf, sem):
        pltpu.make_async_copy(idx_hbm.at[pl.ds(e0 + j * B, B)], buf,
                              sem).wait()
        first = buf[pl.ds(0, L)][0]
        last = buf[pl.ds(B - L, L)][L - 1]

        @pl.when(jnp.logical_and(first < hi, last >= lo))
        def _():
            for k in range(B // L):
                v = buf[pl.ds(k * L, L)]
                t = v - lo
                valid = jnp.logical_and(t >= 0, t < SEG_PER_SC)
                idx2_v[pl.ds(k * L, L)] = jnp.where(valid, t, GARBAGE)
            pltpu.sync_copy(ones_v, cnts_sh.at[idx2_v], add=True)

    _loads(0, idx_v, sem_a)

    def _pair(j2, _):
        j = j2 * 2
        _loads(j + 1, idx_b, sem_b)
        _scatter(j, idx_v, sem_a)
        _loads(j + 2, idx_v, sem_a)
        _scatter(j + 1, idx_b, sem_b)
        return 0
    lax.fori_loop(0, NB // 2, _pair, 0)

    _scatter(NB - 1, idx_v, sem_a)
    plsc.subcore_barrier()

    g0 = c * SEG_PER_SC + s * CPW
    for t in range(CPW // ZB):
        pltpu.sync_copy(cnts_sh.at[pl.ds(s * CPW + t * ZB, ZB)],
                        zbuf)
        pltpu.sync_copy(zbuf, cnt_hbm.at[pl.ds(g0 + t * ZB, ZB)])


def _sums_body(x_hbm, idx_hbm, cnt_hbm, out_hbm, sums_sh, idx_v, idx_b,
               xbuf, xbuf_b, zbuf, rowbuf, rowbuf_b, cbuf, cbuf_b,
               sem_a, sem_b):
    c = lax.axis_index("c")
    s = lax.axis_index("s")

    zero_v = jnp.zeros((L,), jnp.float32)

    def _fill(i, _):
        def _col(k, _):
            zbuf[i, pl.ds(k * L, L)] = zero_v
            return 0
        lax.fori_loop(0, DH // L, _col, 0)
        return 0
    lax.fori_loop(0, ZB, _fill, 0)

    z0 = s * ZPW2
    for t in range(ZPW2 // ZB):
        pltpu.sync_copy(zbuf, sums_sh.at[pl.ds(z0 + t * ZB, ZB)])
    plsc.subcore_barrier()

    e0 = s * EPW
    col = c * DH

    def _loads(j, ibuf, xb, sem):
        pltpu.async_copy(idx_hbm.at[pl.ds(e0 + j * B, B)], ibuf, sem)
        pltpu.async_copy(x_hbm.at[pl.ds(e0 + j * B, B), pl.ds(col, DH)],
                         xb, sem)

    def _waits(j, ibuf, xb, sem):
        pltpu.make_async_copy(idx_hbm.at[pl.ds(e0 + j * B, B)], ibuf,
                              sem).wait()
        pltpu.make_async_copy(x_hbm.at[pl.ds(e0 + j * B, B),
                                       pl.ds(col, DH)], xb, sem).wait()

    _loads(0, idx_v, xbuf, sem_a)

    def _pair(j2, _):
        j = j2 * 2
        _waits(j, idx_v, xbuf, sem_a)
        _loads(j + 1, idx_b, xbuf_b, sem_b)
        pltpu.sync_copy(xbuf, sums_sh.at[idx_v], add=True)
        _waits(j + 1, idx_b, xbuf_b, sem_b)
        _loads(j + 2, idx_v, xbuf, sem_a)
        pltpu.sync_copy(xbuf_b, sums_sh.at[idx_b], add=True)
        return 0
    lax.fori_loop(0, NB // 2, _pair, 0)

    _waits(NB - 1, idx_v, xbuf, sem_a)
    pltpu.sync_copy(xbuf, sums_sh.at[idx_v], add=True)
    plsc.subcore_barrier()

    def _cnt_issue(m, cb, sem):
        r0 = (s + m * NS) * DB
        pltpu.async_copy(cnt_hbm.at[pl.ds(r0, DB)], cb, sem)

    def _div_finish(m, cb, sem):
        r0 = (s + m * NS) * DB
        pltpu.sync_copy(sums_sh.at[pl.ds(r0, DB)], rowbuf)
        pltpu.make_async_copy(cnt_hbm.at[pl.ds(r0, DB)], cb, sem).wait()

        def _row(i, _):
            inv = 1.0 / jnp.maximum(cb[i, pl.ds(0, L)], 1.0)

            def _col(k, _):
                rowbuf[i, pl.ds(k * L, L)] = rowbuf[i, pl.ds(k * L, L)] * inv
                return 0
            lax.fori_loop(0, DH // L, _col, 0)
            return 0
        lax.fori_loop(0, DB, _row, 0)

        pltpu.sync_copy(rowbuf,
                        out_hbm.at[pl.ds(r0, DB), pl.ds(c * DH, DH)])

    _cnt_issue(0, cbuf, sem_a)

    def _div_pair(m2, _):
        m = m2 * 2
        _cnt_issue(m + 1, cbuf_b, sem_b)
        _div_finish(m, cbuf, sem_a)
        _cnt_issue(m + 2, cbuf, sem_a)
        _div_finish(m + 1, cbuf_b, sem_b)
        return 0
    lax.fori_loop(0, DPW // 2 - 1, _div_pair, 0)

    _cnt_issue(DPW - 1, cbuf_b, sem_b)
    _div_finish(DPW - 2, cbuf, sem_a)
    _div_finish(DPW - 1, cbuf_b, sem_b)


def kernel(x, indices):
    idx = indices.astype(jnp.int32)
    mesh = plsc.VectorSubcoreMesh(
        core_axis_name="c", subcore_axis_name="s",
        num_cores=NC, num_subcores=NS)

    k1 = pl.kernel(
        _counts_body,
        out_type=jax.ShapeDtypeStruct((2 * SEG_PER_SC, DH), jnp.float32),
        mesh=mesh,
        scratch_types=[
            pltpu.VMEM_SHARED((CNT_ROWS, DH), jnp.float32),
            pltpu.VMEM((B,), jnp.int32),
            pltpu.VMEM((B,), jnp.int32),
            pltpu.VMEM((B,), jnp.int32),
            pltpu.VMEM((B, DH), jnp.float32),
            pltpu.VMEM((ZB, DH), jnp.float32),
            pltpu.SemaphoreType.DMA,
            pltpu.SemaphoreType.DMA,
        ],
    )
    counts = k1(idx)

    k2 = pl.kernel(
        _sums_body,
        out_type=jax.ShapeDtypeStruct((NSEG_PAD, D_FEAT), jnp.float32),
        mesh=mesh,
        scratch_types=[
            pltpu.VMEM_SHARED((NSEG_PAD, DH), jnp.float32),
            pltpu.VMEM((B,), jnp.int32),
            pltpu.VMEM((B,), jnp.int32),
            pltpu.VMEM((B, DH), jnp.float32),
            pltpu.VMEM((B, DH), jnp.float32),
            pltpu.VMEM((ZB, DH), jnp.float32),
            pltpu.VMEM((DB, DH), jnp.float32),
            pltpu.VMEM((DB, DH), jnp.float32),
            pltpu.VMEM((DB, DH), jnp.float32),
            pltpu.VMEM((DB, DH), jnp.float32),
            pltpu.SemaphoreType.DMA,
            pltpu.SemaphoreType.DMA,
        ],
    )
    return k2(x, idx, counts)[:DIM_SIZE]

# --- scband reference (transcript-rebuilt; emitter-appended) ---
"""Pipeline reference for scband-aggregator-26895085207564 (READ-ONLY COPY).

The authoritative reference and input builder live on the scoring server;
editing this copy changes nothing except your own understanding.
"""

import jax, jax.numpy as jnp
import numpy as np

N_EDGES = 160000
D_FEAT = 256
DIM_SIZE = 10000

def setup_inputs(seed: int = 0) -> dict:
    key = jax.random.key(seed)
    k1, k2 = jax.random.split(key)
    x = jax.random.normal(k1, (N_EDGES, D_FEAT), dtype=jnp.float32)
    indices = jnp.sort(jax.random.randint(k2, (N_EDGES,), 0, DIM_SIZE, dtype=jnp.int64))
    return {"x": x, "indices": indices}

def reference(x, indices):
    # torch_scatter.scatter_mean(x, indices, dim=0, dim_size=DIM_SIZE)
    sums = jax.ops.segment_sum(x, indices, num_segments=DIM_SIZE)
    counts = jax.ops.segment_sum(jnp.ones((x.shape[0],), dtype=x.dtype), indices, num_segments=DIM_SIZE)
    counts = jnp.clip(counts, 1.0, None)
    return sums / counts[:, None]

if __name__ == "__main__":
    import jax
    _d = setup_inputs()
    print(jax.jit(kernel)(*tuple(_d.values())))

</pallas_src>

<mosaic_0001>
#map = affine_map<(d0, d1) -> (0, 0)>
#map1 = affine_map<(d0, d1) -> (0)>
module attributes {stable_mosaic.version = 14 : i64} {
  func.func @_sums_body(%arg0: i32, %arg1: i32, %arg2: memref<160000x256xf32, #tpu.memory_space<hbm>>, %arg3: memref<160000xi32, #tpu.memory_space<hbm>>, %arg4: memref<10240x128xf32, #tpu.memory_space<hbm>>, %arg5: memref<10240x256xf32, #tpu.memory_space<hbm>>, %arg6: memref<10240x128xf32, #tpu.memory_space<vmem_shared>>, %arg7: memref<80xi32, #tpu.memory_space<vmem>>, %arg8: memref<80xi32, #tpu.memory_space<vmem>>, %arg9: memref<80x128xf32, #tpu.memory_space<vmem>>, %arg10: memref<80x128xf32, #tpu.memory_space<vmem>>, %arg11: memref<64x128xf32, #tpu.memory_space<vmem>>, %arg12: memref<16x128xf32, #tpu.memory_space<vmem>>, %arg13: memref<16x128xf32, #tpu.memory_space<vmem>>, %arg14: memref<16x128xf32, #tpu.memory_space<vmem>>, %arg15: memref<16x128xf32, #tpu.memory_space<vmem>>, %arg16: memref<!tpu.dma_semaphore, #tpu.memory_space<semaphore_mem>>, %arg17: memref<!tpu.dma_semaphore, #tpu.memory_space<semaphore_mem>>) attributes {dimension_semantics = [#tpu.dimension_semantics<core_parallel>, #tpu.dimension_semantics<subcore_parallel>], iteration_bounds = array<i64: 2, 16>, scalar_prefetch = 0 : i64, scratch_operands = 12 : i64, tpu.core_type = #tpu.core_type<sc_vector_subcore>, window_params = [{transform_indices = #map}, {transform_indices = #map1}, {transform_indices = #map}, {transform_indices = #map}]} {
    %broadcast_in_dim3A = arith.constant 0.000000e+00 : f32
    %broadcast_in_dim3A_0 = vector.broadcast %broadcast_in_dim3A : f32 to vector<16xf32>
    %scan3A = arith.constant 0 : i32
    %scan3A_1 = arith.constant 0 : i32
    %scan3A_2 = arith.constant 64 : i32
    %scan3A_3 = arith.addi %scan3A_1, %scan3A_2 : i32
    %scan3A_4 = arith.constant 1 : i32
    %scan3A_5 = scf.for %scan3A_110 = %scan3A_1 to %scan3A_3 step %scan3A_4 iter_args(%scan3A_111 = %scan3A) -> (i32)  : i32 {
      %scan3A_112 = arith.constant 0 : i32
      %scan3A_113 = arith.constant 0 : i32
      %scan3A_114 = arith.constant 8 : i32
      %scan3A_115 = arith.addi %scan3A_113, %scan3A_114 : i32
      %scan3A_116 = arith.constant 1 : i32
      %scan3A_117 = scf.for %scan3A_120 = %scan3A_113 to %scan3A_115 step %scan3A_116 iter_args(%scan3A_121 = %scan3A_112) -> (i32)  : i32 {
        %mul3A_122 = arith.constant 16 : i32
        %mul3A_123 = arith.muli %scan3A_120, %mul3A_122 : i32
        %swap3A = arith.index_cast %scan3A_110 : i32 to index
        %swap3A_124 = arith.index_cast %mul3A_123 : i32 to index
        %swap3A_125 = tpu.vector_load %arg11[%swap3A, %swap3A_124] {strides = array<i32>} : memref<64x128xf32, #tpu.memory_space<vmem>>, vector<1x16xf32>,
        %swap3A_126 = vector.shape_cast %swap3A_125 : vector<1x16xf32> to vector<16xf32>
        %swap3A_127 = vector.shape_cast %broadcast_in_dim3A_0 : vector<16xf32> to vector<1x16xf32>
        tpu.vector_store %arg11[%swap3A, %swap3A_124], %swap3A_127 {strides = array<i32>} : memref<64x128xf32, #tpu.memory_space<vmem>>, vector<1x16xf32>,
        %scan3A_128 = arith.constant 0 : i32
        scf.yield %scan3A_128 : i32
      }
      %scan3A_118 = arith.constant 8 : i32
      %scan3A_119 = arith.constant 0 : i32
      scf.yield %scan3A_119 : i32
    }
    %scan3A_6 = arith.constant 64 : i32
    %mul3A = arith.constant 640 : i32
    %mul3A_7 = arith.muli %arg1, %mul3A : i32
    %add3A = arith.constant 0 : i32
    %add3A_8 = arith.addi %mul3A_7, %add3A : i32
    "tpu.region"() ({
      %run_scoped3A = tpu.sem_alloc : memref<!tpu.dma_semaphore, #tpu.memory_space<semaphore_mem>>
      %dma_start3A_110 = arith.constant 0 : i32
      %dma_start3A_111 = tpu.memref_slice %arg6[%add3A_8, %dma_start3A_110] : memref<10240x128xf32, #tpu.memory_space<vmem_shared>> -> memref<64x128xf32, #tpu.memory_space<vmem_shared>>
      %dma_start3A_112 = arith.constant 0 : i32
      %dma_start3A_113 = tpu.memref_slice %arg6[%add3A_8, %dma_start3A_112] : memref<10240x128xf32, #tpu.memory_space<vmem_shared>> -> memref<64x128xf32, #tpu.memory_space<vmem_shared>>
      tpu.enqueue_dma source(%arg11 : memref<64x128xf32, #tpu.memory_space<vmem>>) target(%dma_start3A_113 : memref<64x128xf32, #tpu.memory_space<vmem_shared>>) target_semaphore(%run_scoped3A : memref<!tpu.dma_semaphore, #tpu.memory_space<semaphore_mem>>)
      %dma_wait3A_114 = arith.constant 0 : i32
      %dma_wait3A_115 = tpu.memref_slice %arg6[%add3A_8, %dma_wait3A_114] : memref<10240x128xf32, #tpu.memory_space<vmem_shared>> -> memref<64x128xf32, #tpu.memory_space<vmem_shared>>
      %dma_wait3A_116 = arith.constant 0 : i32
      %dma_wait3A_117 = tpu.memref_slice %arg6[%add3A_8, %dma_wait3A_116] : memref<10240x128xf32, #tpu.memory_space<vmem_shared>> -> memref<64x128xf32, #tpu.memory_space<vmem_shared>>
      tpu.wait_dma2 semaphore(%run_scoped3A : memref<!tpu.dma_semaphore, #tpu.memory_space<semaphore_mem>>) src(%arg11 : memref<64x128xf32, #tpu.memory_space<vmem>>) dst(%dma_wait3A_117 : memref<64x128xf32, #tpu.memory_space<vmem_shared>>)
      tpu.yield
    }) : () -> ()
    %add3A_9 = arith.constant 64 : i32
    %add3A_10 = arith.addi %mul3A_7, %add3A_9 : i32
    "tpu.region"() ({
      %run_scoped3A = tpu.sem_alloc : memref<!tpu.dma_semaphore, #tpu.memory_space<semaphore_mem>>
      %dma_start3A_110 = arith.constant 0 : i32
      %dma_start3A_111 = tpu.memref_slice %arg6[%add3A_10, %dma_start3A_110] : memref<10240x128xf32, #tpu.memory_space<vmem_shared>> -> memref<64x128xf32, #tpu.memory_space<vmem_shared>>
      %dma_start3A_112 = arith.constant 0 : i32
      %dma_start3A_113 = tpu.memref_slice %arg6[%add3A_10, %dma_start3A_112] : memref<10240x128xf32, #tpu.memory_space<vmem_shared>> -> memref<64x128xf32, #tpu.memory_space<vmem_shared>>
      tpu.enqueue_dma source(%arg11 : memref<64x128xf32, #tpu.memory_space<vmem>>) target(%dma_start3A_113 : memref<64x128xf32, #tpu.memory_space<vmem_shared>>) target_semaphore(%run_scoped3A : memref<!tpu.dma_semaphore, #tpu.memory_space<semaphore_mem>>)
      %dma_wait3A_114 = arith.constant 0 : i32
      %dma_wait3A_115 = tpu.memref_slice %arg6[%add3A_10, %dma_wait3A_114] : memref<10240x128xf32, #tpu.memory_space<vmem_shared>> -> memref<64x128xf32, #tpu.memory_space<vmem_shared>>
      %dma_wait3A_116 = arith.constant 0 : i32
      %dma_wait3A_117 = tpu.memref_slice %arg6[%add3A_10, %dma_wait3A_116] : memref<10240x128xf32, #tpu.memory_space<vmem_shared>> -> memref<64x128xf32, #tpu.memory_space<vmem_shared>>
      tpu.wait_dma2 semaphore(%run_scoped3A : memref<!tpu.dma_semaphore, #tpu.memory_space<semaphore_mem>>) src(%arg11 : memref<64x128xf32, #tpu.memory_space<vmem>>) dst(%dma_wait3A_117 : memref<64x128xf32, #tpu.memory_space<vmem_shared>>)
      tpu.yield
    }) : () -> ()
    %add3A_11 = arith.constant 128 : i32
    %add3A_12 = arith.addi %mul3A_7, %add3A_11 : i32
    "tpu.region"() ({
      %run_scoped3A = tpu.sem_alloc : memref<!tpu.dma_semaphore, #tpu.memory_space<semaphore_mem>>
      %dma_start3A_110 = arith.constant 0 : i32
      %dma_start3A_111 = tpu.memref_slice %arg6[%add3A_12, %dma_start3A_110] : memref<10240x128xf32, #tpu.memory_space<vmem_shared>> -> memref<64x128xf32, #tpu.memory_space<vmem_shared>>
      %dma_start3A_112 = arith.constant 0 : i32
      %dma_start3A_113 = tpu.memref_slice %arg6[%add3A_12, %dma_start3A_112] : memref<10240x128xf32, #tpu.memory_space<vmem_shared>> -> memref<64x128xf32, #tpu.memory_space<vmem_shared>>
      tpu.enqueue_dma source(%arg11 : memref<64x128xf32, #tpu.memory_space<vmem>>) target(%dma_start3A_113 : memref<64x128xf32, #tpu.memory_space<vmem_shared>>) target_semaphore(%run_scoped3A : memref<!tpu.dma_semaphore, #tpu.memory_space<semaphore_mem>>)
      %dma_wait3A_114 = arith.constant 0 : i32
      %dma_wait3A_115 = tpu.memref_slice %arg6[%add3A_12, %dma_wait3A_114] : memref<10240x128xf32, #tpu.memory_space<vmem_shared>> -> memref<64x128xf32, #tpu.memory_space<vmem_shared>>
      %dma_wait3A_116 = arith.constant 0 : i32
      %dma_wait3A_117 = tpu.memref_slice %arg6[%add3A_12, %dma_wait3A_116] : memref<10240x128xf32, #tpu.memory_space<vmem_shared>> -> memref<64x128xf32, #tpu.memory_space<vmem_shared>>
      tpu.wait_dma2 semaphore(%run_scoped3A : memref<!tpu.dma_semaphore, #tpu.memory_space<semaphore_mem>>) src(%arg11 : memref<64x128xf32, #tpu.memory_space<vmem>>) dst(%dma_wait3A_117 : memref<64x128xf32, #tpu.memory_space<vmem_shared>>)
      tpu.yield
    }) : () -> ()
    %add3A_13 = arith.constant 192 : i32
    %add3A_14 = arith.addi %mul3A_7, %add3A_13 : i32
    "tpu.region"() ({
      %run_scoped3A = tpu.sem_alloc : memref<!tpu.dma_semaphore, #tpu.memory_space<semaphore_mem>>
      %dma_start3A_110 = arith.constant 0 : i32
      %dma_start3A_111 = tpu.memref_slice %arg6[%add3A_14, %dma_start3A_110] : memref<10240x128xf32, #tpu.memory_space<vmem_shared>> -> memref<64x128xf32, #tpu.memory_space<vmem_shared>>
      %dma_start3A_112 = arith.constant 0 : i32
      %dma_start3A_113 = tpu.memref_slice %arg6[%add3A_14, %dma_start3A_112] : memref<10240x128xf32, #tpu.memory_space<vmem_shared>> -> memref<64x128xf32, #tpu.memory_space<vmem_shared>>
      tpu.enqueue_dma source(%arg11 : memref<64x128xf32, #tpu.memory_space<vmem>>) target(%dma_start3A_113 : memref<64x128xf32, #tpu.memory_space<vmem_shared>>) target_semaphore(%run_scoped3A : memref<!tpu.dma_semaphore, #tpu.memory_space<semaphore_mem>>)
      %dma_wait3A_114 = arith.constant 0 : i32
      %dma_wait3A_115 = tpu.memref_slice %arg6[%add3A_14, %dma_wait3A_114] : memref<10240x128xf32, #tpu.memory_space<vmem_shared>> -> memref<64x128xf32, #tpu.memory_space<vmem_shared>>
      %dma_wait3A_116 = arith.constant 0 : i32
      %dma_wait3A_117 = tpu.memref_slice %arg6[%add3A_14, %dma_wait3A_116] : memref<10240x128xf32, #tpu.memory_space<vmem_shared>> -> memref<64x128xf32, #tpu.memory_space<vmem_shared>>
      tpu.wait_dma2 semaphore(%run_scoped3A : memref<!tpu.dma_semaphore, #tpu.memory_space<semaphore_mem>>) src(%arg11 : memref<64x128xf32, #tpu.memory_space<vmem>>) dst(%dma_wait3A_117 : memref<64x128xf32, #tpu.memory_space<vmem_shared>>)
      tpu.yield
    }) : () -> ()
    %add3A_15 = arith.constant 256 : i32
    %add3A_16 = arith.addi %mul3A_7, %add3A_15 : i32
    "tpu.region"() ({
      %run_scoped3A = tpu.sem_alloc : memref<!tpu.dma_semaphore, #tpu.memory_space<semaphore_mem>>
      %dma_start3A_110 = arith.constant 0 : i32
      %dma_start3A_111 = tpu.memref_slice %arg6[%add3A_16, %dma_start3A_110] : memref<10240x128xf32, #tpu.memory_space<vmem_shared>> -> memref<64x128xf32, #tpu.memory_space<vmem_shared>>
      %dma_start3A_112 = arith.constant 0 : i32
      %dma_start3A_113 = tpu.memref_slice %arg6[%add3A_16, %dma_start3A_112] : memref<10240x128xf32, #tpu.memory_space<vmem_shared>> -> memref<64x128xf32, #tpu.memory_space<vmem_shared>>
      tpu.enqueue_dma source(%arg11 : memref<64x128xf32, #tpu.memory_space<vmem>>) target(%dma_start3A_113 : memref<64x128xf32, #tpu.memory_space<vmem_shared>>) target_semaphore(%run_scoped3A : memref<!tpu.dma_semaphore, #tpu.memory_space<semaphore_mem>>)
      %dma_wait3A_114 = arith.constant 0 : i32
      %dma_wait3A_115 = tpu.memref_slice %arg6[%add3A_16, %dma_wait3A_114] : memref<10240x128xf32, #tpu.memory_space<vmem_shared>> -> memref<64x128xf32, #tpu.memory_space<vmem_shared>>
      %dma_wait3A_116 = arith.constant 0 : i32
      %dma_wait3A_117 = tpu.memref_slice %arg6[%add3A_16, %dma_wait3A_116] : memref<10240x128xf32, #tpu.memory_space<vmem_shared>> -> memref<64x128xf32, #tpu.memory_space<vmem_shared>>
      tpu.wait_dma2 semaphore(%run_scoped3A : memref<!tpu.dma_semaphore, #tpu.memory_space<semaphore_mem>>) src(%arg11 : memref<64x128xf32, #tpu.memory_space<vmem>>) dst(%dma_wait3A_117 : memref<64x128xf32, #tpu.memory_space<vmem_shared>>)
      tpu.yield
    }) : () -> ()
    %add3A_17 = arith.constant 320 : i32
    %add3A_18 = arith.addi %mul3A_7, %add3A_17 : i32
    "tpu.region"() ({
      %run_scoped3A = tpu.sem_alloc : memref<!tpu.dma_semaphore, #tpu.memory_space<semaphore_mem>>
      %dma_start3A_110 = arith.constant 0 : i32
      %dma_start3A_111 = tpu.memref_slice %arg6[%add3A_18, %dma_start3A_110] : memref<10240x128xf32, #tpu.memory_space<vmem_shared>> -> memref<64x128xf32, #tpu.memory_space<vmem_shared>>
      %dma_start3A_112 = arith.constant 0 : i32
      %dma_start3A_113 = tpu.memref_slice %arg6[%add3A_18, %dma_start3A_112] : memref<10240x128xf32, #tpu.memory_space<vmem_shared>> -> memref<64x128xf32, #tpu.memory_space<vmem_shared>>
      tpu.enqueue_dma source(%arg11 : memref<64x128xf32, #tpu.memory_space<vmem>>) target(%dma_start3A_113 : memref<64x128xf32, #tpu.memory_space<vmem_shared>>) target_semaphore(%run_scoped3A : memref<!tpu.dma_semaphore, #tpu.memory_space<semaphore_mem>>)
      %dma_wait3A_114 = arith.constant 0 : i32
      %dma_wait3A_115 = tpu.memref_slice %arg6[%add3A_18, %dma_wait3A_114] : memref<10240x128xf32, #tpu.memory_space<vmem_shared>> -> memref<64x128xf32, #tpu.memory_space<vmem_shared>>
      %dma_wait3A_116 = arith.constant 0 : i32
      %dma_wait3A_117 = tpu.memref_slice %arg6[%add3A_18, %dma_wait3A_116] : memref<10240x128xf32, #tpu.memory_space<vmem_shared>> -> memref<64x128xf32, #tpu.memory_space<vmem_shared>>
      tpu.wait_dma2 semaphore(%run_scoped3A : memref<!tpu.dma_semaphore, #tpu.memory_space<semaphore_mem>>) src(%arg11 : memref<64x128xf32, #tpu.memory_space<vmem>>) dst(%dma_wait3A_117 : memref<64x128xf32, #tpu.memory_space<vmem_shared>>)
      tpu.yield
    }) : () -> ()
    %add3A_19 = arith.constant 384 : i32
    %add3A_20 = arith.addi %mul3A_7, %add3A_19 : i32
    "tpu.region"() ({
      %run_scoped3A = tpu.sem_alloc : memref<!tpu.dma_semaphore, #tpu.memory_space<semaphore_mem>>
      %dma_start3A_110 = arith.constant 0 : i32
      %dma_start3A_111 = tpu.memref_slice %arg6[%add3A_20, %dma_start3A_110] : memref<10240x128xf32, #tpu.memory_space<vmem_shared>> -> memref<64x128xf32, #tpu.memory_space<vmem_shared>>
      %dma_start3A_112 = arith.constant 0 : i32
      %dma_start3A_113 = tpu.memref_slice %arg6[%add3A_20, %dma_start3A_112] : memref<10240x128xf32, #tpu.memory_space<vmem_shared>> -> memref<64x128xf32, #tpu.memory_space<vmem_shared>>
      tpu.enqueue_dma source(%arg11 : memref<64x128xf32, #tpu.memory_space<vmem>>) target(%dma_start3A_113 : memref<64x128xf32, #tpu.memory_space<vmem_shared>>) target_semaphore(%run_scoped3A : memref<!tpu.dma_semaphore, #tpu.memory_space<semaphore_mem>>)
      %dma_wait3A_114 = arith.constant 0 : i32
      %dma_wait3A_115 = tpu.memref_slice %arg6[%add3A_20, %dma_wait3A_114] : memref<10240x128xf32, #tpu.memory_space<vmem_shared>> -> memref<64x128xf32, #tpu.memory_space<vmem_shared>>
      %dma_wait3A_116 = arith.constant 0 : i32
      %dma_wait3A_117 = tpu.memref_slice %arg6[%add3A_20, %dma_wait3A_116] : memref<10240x128xf32, #tpu.memory_space<vmem_shared>> -> memref<64x128xf32, #tpu.memory_space<vmem_shared>>
      tpu.wait_dma2 semaphore(%run_scoped3A : memref<!tpu.dma_semaphore, #tpu.memory_space<semaphore_mem>>) src(%arg11 : memref<64x128xf32, #tpu.memory_space<vmem>>) dst(%dma_wait3A_117 : memref<64x128xf32, #tpu.memory_space<vmem_shared>>)
      tpu.yield
    }) : () -> ()
    %add3A_21 = arith.constant 448 : i32
    %add3A_22 = arith.addi %mul3A_7, %add3A_21 : i32
    "tpu.region"() ({
      %run_scoped3A = tpu.sem_alloc : memref<!tpu.dma_semaphore, #tpu.memory_space<semaphore_mem>>
      %dma_start3A_110 = arith.constant 0 : i32
      %dma_start3A_111 = tpu.memref_slice %arg6[%add3A_22, %dma_start3A_110] : memref<10240x128xf32, #tpu.memory_space<vmem_shared>> -> memref<64x128xf32, #tpu.memory_space<vmem_shared>>
      %dma_start3A_112 = arith.constant 0 : i32
      %dma_start3A_113 = tpu.memref_slice %arg6[%add3A_22, %dma_start3A_112] : memref<10240x128xf32, #tpu.memory_space<vmem_shared>> -> memref<64x128xf32, #tpu.memory_space<vmem_shared>>
      tpu.enqueue_dma source(%arg11 : memref<64x128xf32, #tpu.memory_space<vmem>>) target(%dma_start3A_113 : memref<64x128xf32, #tpu.memory_space<vmem_shared>>) target_semaphore(%run_scoped3A : memref<!tpu.dma_semaphore, #tpu.memory_space<semaphore_mem>>)
      %dma_wait3A_114 = arith.constant 0 : i32
      %dma_wait3A_115 = tpu.memref_slice %arg6[%add3A_22, %dma_wait3A_114] : memref<10240x128xf32, #tpu.memory_space<vmem_shared>> -> memref<64x128xf32, #tpu.memory_space<vmem_shared>>
      %dma_wait3A_116 = arith.constant 0 : i32
      %dma_wait3A_117 = tpu.memref_slice %arg6[%add3A_22, %dma_wait3A_116] : memref<10240x128xf32, #tpu.memory_space<vmem_shared>> -> memref<64x128xf32, #tpu.memory_space<vmem_shared>>
      tpu.wait_dma2 semaphore(%run_scoped3A : memref<!tpu.dma_semaphore, #tpu.memory_space<semaphore_mem>>) src(%arg11 : memref<64x128xf32, #tpu.memory_space<vmem>>) dst(%dma_wait3A_117 : memref<64x128xf32, #tpu.memory_space<vmem_shared>>)
      tpu.yield
    }) : () -> ()
    %add3A_23 = arith.constant 512 : i32
    %add3A_24 = arith.addi %mul3A_7, %add3A_23 : i32
    "tpu.region"() ({
      %run_scoped3A = tpu.sem_alloc : memref<!tpu.dma_semaphore, #tpu.memory_space<semaphore_mem>>
      %dma_start3A_110 = arith.constant 0 : i32
      %dma_start3A_111 = tpu.memref_slice %arg6[%add3A_24, %dma_start3A_110] : memref<10240x128xf32, #tpu.memory_space<vmem_shared>> -> memref<64x128xf32, #tpu.memory_space<vmem_shared>>
      %dma_start3A_112 = arith.constant 0 : i32
      %dma_start3A_113 = tpu.memref_slice %arg6[%add3A_24, %dma_start3A_112] : memref<10240x128xf32, #tpu.memory_space<vmem_shared>> -> memref<64x128xf32, #tpu.memory_space<vmem_shared>>
      tpu.enqueue_dma source(%arg11 : memref<64x128xf32, #tpu.memory_space<vmem>>) target(%dma_start3A_113 : memref<64x128xf32, #tpu.memory_space<vmem_shared>>) target_semaphore(%run_scoped3A : memref<!tpu.dma_semaphore, #tpu.memory_space<semaphore_mem>>)
      %dma_wait3A_114 = arith.constant 0 : i32
      %dma_wait3A_115 = tpu.memref_slice %arg6[%add3A_24, %dma_wait3A_114] : memref<10240x128xf32, #tpu.memory_space<vmem_shared>> -> memref<64x128xf32, #tpu.memory_space<vmem_shared>>
      %dma_wait3A_116 = arith.constant 0 : i32
      %dma_wait3A_117 = tpu.memref_slice %arg6[%add3A_24, %dma_wait3A_116] : memref<10240x128xf32, #tpu.memory_space<vmem_shared>> -> memref<64x128xf32, #tpu.memory_space<vmem_shared>>
      tpu.wait_dma2 semaphore(%run_scoped3A : memref<!tpu.dma_semaphore, #tpu.memory_space<semaphore_mem>>) src(%arg11 : memref<64x128xf32, #tpu.memory_space<vmem>>) dst(%dma_wait3A_117 : memref<64x128xf32, #tpu.memory_space<vmem_shared>>)
      tpu.yield
    }) : () -> ()
    %add3A_25 = arith.constant 576 : i32
    %add3A_26 = arith.addi %mul3A_7, %add3A_25 : i32
    "tpu.region"() ({
      %run_scoped3A = tpu.sem_alloc : memref<!tpu.dma_semaphore, #tpu.memory_space<semaphore_mem>>
      %dma_start3A_110 = arith.constant 0 : i32
      %dma_start3A_111 = tpu.memref_slice %arg6[%add3A_26, %dma_start3A_110] : memref<10240x128xf32, #tpu.memory_space<vmem_shared>> -> memref<64x128xf32, #tpu.memory_space<vmem_shared>>
      %dma_start3A_112 = arith.constant 0 : i32
      %dma_start3A_113 = tpu.memref_slice %arg6[%add3A_26, %dma_start3A_112] : memref<10240x128xf32, #tpu.memory_space<vmem_shared>> -> memref<64x128xf32, #tpu.memory_space<vmem_shared>>
      tpu.enqueue_dma source(%arg11 : memref<64x128xf32, #tpu.memory_space<vmem>>) target(%dma_start3A_113 : memref<64x128xf32, #tpu.memory_space<vmem_shared>>) target_semaphore(%run_scoped3A : memref<!tpu.dma_semaphore, #tpu.memory_space<semaphore_mem>>)
      %dma_wait3A_114 = arith.constant 0 : i32
      %dma_wait3A_115 = tpu.memref_slice %arg6[%add3A_26, %dma_wait3A_114] : memref<10240x128xf32, #tpu.memory_space<vmem_shared>> -> memref<64x128xf32, #tpu.memory_space<vmem_shared>>
      %dma_wait3A_116 = arith.constant 0 : i32
      %dma_wait3A_117 = tpu.memref_slice %arg6[%add3A_26, %dma_wait3A_116] : memref<10240x128xf32, #tpu.memory_space<vmem_shared>> -> memref<64x128xf32, #tpu.memory_space<vmem_shared>>
      tpu.wait_dma2 semaphore(%run_scoped3A : memref<!tpu.dma_semaphore, #tpu.memory_space<semaphore_mem>>) src(%arg11 : memref<64x128xf32, #tpu.memory_space<vmem>>) dst(%dma_wait3A_117 : memref<64x128xf32, #tpu.memory_space<vmem_shared>>)
      tpu.yield
    }) : () -> ()
    %barrier3A = arith.constant 0 : index
    tpu.barrier barrier_id(%barrier3A)
    %mul3A_27 = arith.constant 10000 : i32
    %mul3A_28 = arith.muli %arg1, %mul3A_27 : i32
    %mul3A_29 = arith.constant 128 : i32
    %mul3A_30 = arith.muli %arg0, %mul3A_29 : i32
    %add3A_31 = arith.constant 0 : i32
    %add3A_32 = arith.addi %mul3A_28, %add3A_31 : i32
    %dma_start3A = tpu.memref_slice %arg3[%add3A_32] : memref<160000xi32, #tpu.memory_space<hbm>> -> memref<80xi32, #tpu.memory_space<hbm>>
    %dma_start3A_33 = tpu.memref_slice %arg3[%add3A_32] : memref<160000xi32, #tpu.memory_space<hbm>> -> memref<80xi32, #tpu.memory_space<hbm>>
    tpu.enqueue_dma source(%dma_start3A_33 : memref<80xi32, #tpu.memory_space<hbm>>) target(%arg7 : memref<80xi32, #tpu.memory_space<vmem>>) target_semaphore(%arg16 : memref<!tpu.dma_semaphore, #tpu.memory_space<semaphore_mem>>)
    %add3A_34 = arith.constant 0 : i32
    %add3A_35 = arith.addi %mul3A_28, %add3A_34 : i32
    %dma_start3A_36 = tpu.memref_slice %arg2[%add3A_35, %mul3A_30] : memref<160000x256xf32, #tpu.memory_space<hbm>> -> memref<80x128xf32, #tpu.memory_space<hbm>>
    %dma_start3A_37 = tpu.memref_slice %arg2[%add3A_35, %mul3A_30] : memref<160000x256xf32, #tpu.memory_space<hbm>> -> memref<80x128xf32, #tpu.memory_space<hbm>>
    tpu.enqueue_dma source(%dma_start3A_37 : memref<80x128xf32, #tpu.memory_space<hbm>>) target(%arg9 : memref<80x128xf32, #tpu.memory_space<vmem>>) target_semaphore(%arg16 : memref<!tpu.dma_semaphore, #tpu.memory_space<semaphore_mem>>)
    %scan3A_38 = arith.constant 0 : i32
    %scan3A_39 = arith.constant 0 : i32
    %scan3A_40 = arith.constant 62 : i32
    %scan3A_41 = arith.addi %scan3A_39, %scan3A_40 : i32
    %scan3A_42 = arith.constant 1 : i32
    %scan3A_43 = scf.for %scan3A_110 = %scan3A_39 to %scan3A_41 step %scan3A_42 iter_args(%scan3A_111 = %scan3A_38) -> (i32)  : i32 {
      %mul3A_112 = arith.constant 2 : i32
      %mul3A_113 = arith.muli %scan3A_110, %mul3A_112 : i32
      %mul3A_114 = arith.constant 80 : i32
      %mul3A_115 = arith.muli %mul3A_113, %mul3A_114 : i32
      %add3A_116 = arith.addi %mul3A_28, %mul3A_115 : i32
      %dma_wait3A_117 = tpu.memref_slice %arg3[%add3A_116] : memref<160000xi32, #tpu.memory_space<hbm>> -> memref<80xi32, #tpu.memory_space<hbm>>
      %dma_wait3A_118 = tpu.memref_slice %arg3[%add3A_116] : memref<160000xi32, #tpu.memory_space<hbm>> -> memref<80xi32, #tpu.memory_space<hbm>>
      tpu.wait_dma2 semaphore(%arg16 : memref<!tpu.dma_semaphore, #tpu.memory_space<semaphore_mem>>) src(%dma_wait3A_118 : memref<80xi32, #tpu.memory_space<hbm>>) dst(%arg7 : memref<80xi32, #tpu.memory_space<vmem>>)
      %mul3A_119 = arith.constant 80 : i32
      %mul3A_120 = arith.muli %mul3A_113, %mul3A_119 : i32
      %add3A_121 = arith.addi %mul3A_28, %mul3A_120 : i32
      %dma_wait3A_122 = tpu.memref_slice %arg2[%add3A_121, %mul3A_30] : memref<160000x256xf32, #tpu.memory_space<hbm>> -> memref<80x128xf32, #tpu.memory_space<hbm>>
      %dma_wait3A_123 = tpu.memref_slice %arg2[%add3A_121, %mul3A_30] : memref<160000x256xf32, #tpu.memory_space<hbm>> -> memref<80x128xf32, #tpu.memory_space<hbm>>
      tpu.wait_dma2 semaphore(%arg16 : memref<!tpu.dma_semaphore, #tpu.memory_space<semaphore_mem>>) src(%dma_wait3A_123 : memref<80x128xf32, #tpu.memory_space<hbm>>) dst(%arg9 : memref<80x128xf32, #tpu.memory_space<vmem>>)
      %add3A_124 = arith.constant 1 : i32
      %add3A_125 = arith.addi %mul3A_113, %add3A_124 : i32
      %mul3A_126 = arith.constant 80 : i32
      %mul3A_127 = arith.muli %add3A_125, %mul3A_126 : i32
      %add3A_128 = arith.addi %mul3A_28, %mul3A_127 : i32
      %dma_start3A_129 = tpu.memref_slice %arg3[%add3A_128] : memref<160000xi32, #tpu.memory_space<hbm>> -> memref<80xi32, #tpu.memory_space<hbm>>
      %dma_start3A_130 = tpu.memref_slice %arg3[%add3A_128] : memref<160000xi32, #tpu.memory_space<hbm>> -> memref<80xi32, #tpu.memory_space<hbm>>
      tpu.enqueue_dma source(%dma_start3A_130 : memref<80xi32, #tpu.memory_space<hbm>>) target(%arg8 : memref<80xi32, #tpu.memory_space<vmem>>) target_semaphore(%arg17 : memref<!tpu.dma_semaphore, #tpu.memory_space<semaphore_mem>>)
      %mul3A_131 = arith.constant 80 : i32
      %mul3A_132 = arith.muli %add3A_125, %mul3A_131 : i32
      %add3A_133 = arith.addi %mul3A_28, %mul3A_132 : i32
      %dma_start3A_134 = tpu.memref_slice %arg2[%add3A_133, %mul3A_30] : memref<160000x256xf32, #tpu.memory_space<hbm>> -> memref<80x128xf32, #tpu.memory_space<hbm>>
      %dma_start3A_135 = tpu.memref_slice %arg2[%add3A_133, %mul3A_30] : memref<160000x256xf32, #tpu.memory_space<hbm>> -> memref<80x128xf32, #tpu.memory_space<hbm>>
      tpu.enqueue_dma source(%dma_start3A_135 : memref<80x128xf32, #tpu.memory_space<hbm>>) target(%arg10 : memref<80x128xf32, #tpu.memory_space<vmem>>) target_semaphore(%arg17 : memref<!tpu.dma_semaphore, #tpu.memory_space<semaphore_mem>>)
      "tpu.region"() ({
        %run_scoped3A = tpu.sem_alloc : memref<!tpu.dma_semaphore, #tpu.memory_space<semaphore_mem>>
        %dma_start3A_161 = arith.constant 0 : i32
        %dma_start3A_162 = arith.constant 0 : i32
        %dma_start3A_163 = tpu.memref_slice %arg6[%dma_start3A_161, %dma_start3A_162] : memref<10240x128xf32, #tpu.memory_space<vmem_shared>> -> memref<10240x128xf32, #tpu.memory_space<vmem_shared>>
        tpu.enqueue_indirect_dma source(%arg9 : memref<80x128xf32, #tpu.memory_space<vmem>>) target(%dma_start3A_163 : memref<10240x128xf32, #tpu.memory_space<vmem_shared>>) offsets(%arg7 : memref<80xi32, #tpu.memory_space<vmem>>) semaphore(%run_scoped3A : memref<!tpu.dma_semaphore, #tpu.memory_space<semaphore_mem>>) {add = true}
        %dma_wait3A_164 = arith.constant 0 : i32
        %dma_wait3A_165 = arith.constant 0 : i32
        %dma_wait3A_166 = tpu.memref_slice %arg6[%dma_wait3A_164, %dma_wait3A_165] : memref<10240x128xf32, #tpu.memory_space<vmem_shared>> -> memref<10240x128xf32, #tpu.memory_space<vmem_shared>>
        tpu.wait_indirect_dma semaphore(%run_scoped3A : memref<!tpu.dma_semaphore, #tpu.memory_space<semaphore_mem>>) src(%arg9 : memref<80x128xf32, #tpu.memory_space<vmem>>) dst(%dma_wait3A_166 : memref<10240x128xf32, #tpu.memory_space<vmem_shared>>)
        tpu.yield
      }) : () -> ()
      %add3A_136 = arith.constant 1 : i32
      %add3A_137 = arith.addi %mul3A_113, %add3A_136 : i32
      %mul3A_138 = arith.constant 80 : i32
      %mul3A_139 = arith.muli %add3A_137, %mul3A_138 : i32
      %add3A_140 = arith.addi %mul3A_28, %mul3A_139 : i32
      %dma_wait3A_141 = tpu.memref_slice %arg3[%add3A_140] : memref<160000xi32, #tpu.memory_space<hbm>> -> memref<80xi32, #tpu.memory_space<hbm>>
      %dma_wait3A_142 = tpu.memref_slice %arg3[%add3A_140] : memref<160000xi32, #tpu.memory_space<hbm>> -> memref<80xi32, #tpu.memory_space<hbm>>
      tpu.wait_dma2 semaphore(%arg17 : memref<!tpu.dma_semaphore, #tpu.memory_space<semaphore_mem>>) src(%dma_wait3A_142 : memref<80xi32, #tpu.memory_space<hbm>>) dst(%arg8 : memref<80xi32, #tpu.memory_space<vmem>>)
      %mul3A_143 = arith.constant 80 : i32
      %mul3A_144 = arith.muli %add3A_137, %mul3A_143 : i32
      %add3A_145 = arith.addi %mul3A_28, %mul3A_144 : i32
      %dma_wait3A_146 = tpu.memref_slice %arg2[%add3A_145, %mul3A_30] : memref<160000x256xf32, #tpu.memory_space<hbm>> -> memref<80x128xf32, #tpu.memory_space<hbm>>
      %dma_wait3A_147 = tpu.memref_slice %arg2[%add3A_145, %mul3A_30] : memref<160000x256xf32, #tpu.memory_space<hbm>> -> memref<80x128xf32, #tpu.memory_space<hbm>>
      tpu.wait_dma2 semaphore(%arg17 : memref<!tpu.dma_semaphore, #tpu.memory_space<semaphore_mem>>) src(%dma_wait3A_147 : memref<80x128xf32, #tpu.memory_space<hbm>>) dst(%arg10 : memref<80x128xf32, #tpu.memory_space<vmem>>)
      %add3A_148 = arith.constant 2 : i32
      %add3A_149 = arith.addi %mul3A_113, %add3A_148 : i32
      %mul3A_150 = arith.constant 80 : i32
      %mul3A_151 = arith.muli %add3A_149, %mul3A_150 : i32
      %add3A_152 = arith.addi %mul3A_28, %mul3A_151 : i32
      %dma_start3A_153 = tpu.memref_slice %arg3[%add3A_152] : memref<160000xi32, #tpu.memory_space<hbm>> -> memref<80xi32, #tpu.memory_space<hbm>>
      %dma_start3A_154 = tpu.memref_slice %arg3[%add3A_152] : memref<160000xi32, #tpu.memory_space<hbm>> -> memref<80xi32, #tpu.memory_space<hbm>>
      tpu.enqueue_dma source(%dma_start3A_154 : memref<80xi32, #tpu.memory_space<hbm>>) target(%arg7 : memref<80xi32, #tpu.memory_space<vmem>>) target_semaphore(%arg16 : memref<!tpu.dma_semaphore, #tpu.memory_space<semaphore_mem>>)
      %mul3A_155 = arith.constant 80 : i32
      %mul3A_156 = arith.muli %add3A_149, %mul3A_155 : i32
      %add3A_157 = arith.addi %mul3A_28, %mul3A_156 : i32
      %dma_start3A_158 = tpu.memref_slice %arg2[%add3A_157, %mul3A_30] : memref<160000x256xf32, #tpu.memory_space<hbm>> -> memref<80x128xf32, #tpu.memory_space<hbm>>
      %dma_start3A_159 = tpu.memref_slice %arg2[%add3A_157, %mul3A_30] : memref<160000x256xf32, #tpu.memory_space<hbm>> -> memref<80x128xf32, #tpu.memory_space<hbm>>
      tpu.enqueue_dma source(%dma_start3A_159 : memref<80x128xf32, #tpu.memory_space<hbm>>) target(%arg9 : memref<80x128xf32, #tpu.memory_space<vmem>>) target_semaphore(%arg16 : memref<!tpu.dma_semaphore, #tpu.memory_space<semaphore_mem>>)
      "tpu.region"() ({
        %run_scoped3A = tpu.sem_alloc : memref<!tpu.dma_semaphore, #tpu.memory_space<semaphore_mem>>
        %dma_start3A_161 = arith.constant 0 : i32
        %dma_start3A_162 = arith.constant 0 : i32
        %dma_start3A_163 = tpu.memref_slice %arg6[%dma_start3A_161, %dma_start3A_162] : memref<10240x128xf32, #tpu.memory_space<vmem_shared>> -> memref<10240x128xf32, #tpu.memory_space<vmem_shared>>
        tpu.enqueue_indirect_dma source(%arg10 : memref<80x128xf32, #tpu.memory_space<vmem>>) target(%dma_start3A_163 : memref<10240x128xf32, #tpu.memory_space<vmem_shared>>) offsets(%arg8 : memref<80xi32, #tpu.memory_space<vmem>>) semaphore(%run_scoped3A : memref<!tpu.dma_semaphore, #tpu.memory_space<semaphore_mem>>) {add = true}
        %dma_wait3A_164 = arith.constant 0 : i32
        %dma_wait3A_165 = arith.constant 0 : i32
        %dma_wait3A_166 = tpu.memref_slice %arg6[%dma_wait3A_164, %dma_wait3A_165] : memref<10240x128xf32, #tpu.memory_space<vmem_shared>> -> memref<10240x128xf32, #tpu.memory_space<vmem_shared>>
        tpu.wait_indirect_dma semaphore(%run_scoped3A : memref<!tpu.dma_semaphore, #tpu.memory_space<semaphore_mem>>) src(%arg10 : memref<80x128xf32, #tpu.memory_space<vmem>>) dst(%dma_wait3A_166 : memref<10240x128xf32, #tpu.memory_space<vmem_shared>>)
        tpu.yield
      }) : () -> ()
      %scan3A_160 = arith.constant 0 : i32
      scf.yield %scan3A_160 : i32
    }
    %scan3A_44 = arith.constant 62 : i32
    %add3A_45 = arith.constant 9920 : i32
    %add3A_46 = arith.addi %mul3A_28, %add3A_45 : i32
    %dma_wait3A = tpu.memref_slice %arg3[%add3A_46] : memref<160000xi32, #tpu.memory_space<hbm>> -> memref<80xi32, #tpu.memory_space<hbm>>
    %dma_wait3A_47 = tpu.memref_slice %arg3[%add3A_46] : memref<160000xi32, #tpu.memory_space<hbm>> -> memref<80xi32, #tpu.memory_space<hbm>>
    tpu.wait_dma2 semaphore(%arg16 : memref<!tpu.dma_semaphore, #tpu.memory_space<semaphore_mem>>) src(%dma_wait3A_47 : memref<80xi32, #tpu.memory_space<hbm>>) dst(%arg7 : memref<80xi32, #tpu.memory_space<vmem>>)
    %add3A_48 = arith.constant 9920 : i32
    %add3A_49 = arith.addi %mul3A_28, %add3A_48 : i32
    %dma_wait3A_50 = tpu.memref_slice %arg2[%add3A_49, %mul3A_30] : memref<160000x256xf32, #tpu.memory_space<hbm>> -> memref<80x128xf32, #tpu.memory_space<hbm>>
    %dma_wait3A_51 = tpu.memref_slice %arg2[%add3A_49, %mul3A_30] : memref<160000x256xf32, #tpu.memory_space<hbm>> -> memref<80x128xf32, #tpu.memory_space<hbm>>
    tpu.wait_dma2 semaphore(%arg16 : memref<!tpu.dma_semaphore, #tpu.memory_space<semaphore_mem>>) src(%dma_wait3A_51 : memref<80x128xf32, #tpu.memory_space<hbm>>) dst(%arg9 : memref<80x128xf32, #tpu.memory_space<vmem>>)
    "tpu.region"() ({
      %run_scoped3A = tpu.sem_alloc : memref<!tpu.dma_semaphore, #tpu.memory_space<semaphore_mem>>
      %dma_start3A_110 = arith.constant 0 : i32
      %dma_start3A_111 = arith.constant 0 : i32
      %dma_start3A_112 = tpu.memref_slice %arg6[%dma_start3A_110, %dma_start3A_111] : memref<10240x128xf32, #tpu.memory_space<vmem_shared>> -> memref<10240x128xf32, #tpu.memory_space<vmem_shared>>
      tpu.enqueue_indirect_dma source(%arg9 : memref<80x128xf32, #tpu.memory_space<vmem>>) target(%dma_start3A_112 : memref<10240x128xf32, #tpu.memory_space<vmem_shared>>) offsets(%arg7 : memref<80xi32, #tpu.memory_space<vmem>>) semaphore(%run_scoped3A : memref<!tpu.dma_semaphore, #tpu.memory_space<semaphore_mem>>) {add = true}
      %dma_wait3A_113 = arith.constant 0 : i32
      %dma_wait3A_114 = arith.constant 0 : i32
      %dma_wait3A_115 = tpu.memref_slice %arg6[%dma_wait3A_113, %dma_wait3A_114] : memref<10240x128xf32, #tpu.memory_space<vmem_shared>> -> memref<10240x128xf32, #tpu.memory_space<vmem_shared>>
      tpu.wait_indirect_dma semaphore(%run_scoped3A : memref<!tpu.dma_semaphore, #tpu.memory_space<semaphore_mem>>) src(%arg9 : memref<80x128xf32, #tpu.memory_space<vmem>>) dst(%dma_wait3A_115 : memref<10240x128xf32, #tpu.memory_space<vmem_shared>>)
      tpu.yield
    }) : () -> ()
    %barrier3A_52 = arith.constant 0 : index
    tpu.barrier barrier_id(%barrier3A_52)
    %add3A_53 = arith.constant 0 : i32
    %add3A_54 = arith.addi %arg1, %add3A_53 : i32
    %mul3A_55 = arith.constant 16 : i32
    %mul3A_56 = arith.muli %add3A_54, %mul3A_55 : i32
    %dma_start3A_57 = arith.constant 0 : i32
    %dma_start3A_58 = tpu.memref_slice %arg4[%mul3A_56, %dma_start3A_57] : memref<10240x128xf32, #tpu.memory_space<hbm>> -> memref<16x128xf32, #tpu.memory_space<hbm>>
    %dma_start3A_59 = arith.constant 0 : i32
    %dma_start3A_60 = tpu.memref_slice %arg4[%mul3A_56, %dma_start3A_59] : memref<10240x128xf32, #tpu.memory_space<hbm>> -> memref<16x128xf32, #tpu.memory_space<hbm>>
    tpu.enqueue_dma source(%dma_start3A_60 : memref<16x128xf32, #tpu.memory_space<hbm>>) target(%arg14 : memref<16x128xf32, #tpu.memory_space<vmem>>) target_semaphore(%arg16 : memref<!tpu.dma_semaphore, #tpu.memory_space<semaphore_mem>>)
    %scan3A_61 = arith.constant 0 : i32
    %scan3A_62 = arith.constant 0 : i32
    %scan3A_63 = arith.constant 19 : i32
    %scan3A_64 = arith.addi %scan3A_62, %scan3A_63 : i32
    %scan3A_65 = arith.constant 1 : i32
    %scan3A_66 = scf.for %scan3A_110 = %scan3A_62 to %scan3A_64 step %scan3A_65 iter_args(%scan3A_111 = %scan3A_61) -> (i32)  : i32 {
      %mul3A_112 = arith.constant 2 : i32
      %mul3A_113 = arith.muli %scan3A_110, %mul3A_112 : i32
      %add3A_114 = arith.constant 1 : i32
      %add3A_115 = arith.addi %mul3A_113, %add3A_114 : i32
      %mul3A_116 = arith.constant 16 : i32
      %mul3A_117 = arith.muli %add3A_115, %mul3A_116 : i32
      %add3A_118 = arith.addi %arg1, %mul3A_117 : i32
      %mul3A_119 = arith.constant 16 : i32
      %mul3A_120 = arith.muli %add3A_118, %mul3A_119 : i32
      %dma_start3A_121 = arith.constant 0 : i32
      %dma_start3A_122 = tpu.memref_slice %arg4[%mul3A_120, %dma_start3A_121] : memref<10240x128xf32, #tpu.memory_space<hbm>> -> memref<16x128xf32, #tpu.memory_space<hbm>>
      %dma_start3A_123 = arith.constant 0 : i32
      %dma_start3A_124 = tpu.memref_slice %arg4[%mul3A_120, %dma_start3A_123] : memref<10240x128xf32, #tpu.memory_space<hbm>> -> memref<16x128xf32, #tpu.memory_space<hbm>>
      tpu.enqueue_dma source(%dma_start3A_124 : memref<16x128xf32, #tpu.memory_space<hbm>>) target(%arg15 : memref<16x128xf32, #tpu.memory_space<vmem>>) target_semaphore(%arg17 : memref<!tpu.dma_semaphore, #tpu.memory_space<semaphore_mem>>)
      %mul3A_125 = arith.constant 16 : i32
      %mul3A_126 = arith.muli %mul3A_113, %mul3A_125 : i32
      %add3A_127 = arith.addi %arg1, %mul3A_126 : i32
      %mul3A_128 = arith.constant 16 : i32
      %mul3A_129 = arith.muli %add3A_127, %mul3A_128 : i32
      "tpu.region"() ({
        %run_scoped3A = tpu.sem_alloc : memref<!tpu.dma_semaphore, #tpu.memory_space<semaphore_mem>>
        %dma_start3A_175 = arith.constant 0 : i32
        %dma_start3A_176 = tpu.memref_slice %arg6[%mul3A_129, %dma_start3A_175] : memref<10240x128xf32, #tpu.memory_space<vmem_shared>> -> memref<16x128xf32, #tpu.memory_space<vmem_shared>>
        %dma_start3A_177 = arith.constant 0 : i32
        %dma_start3A_178 = tpu.memref_slice %arg6[%mul3A_129, %dma_start3A_177] : memref<10240x128xf32, #tpu.memory_space<vmem_shared>> -> memref<16x128xf32, #tpu.memory_space<vmem_shared>>
        tpu.enqueue_dma source(%dma_start3A_178 : memref<16x128xf32, #tpu.memory_space<vmem_shared>>) target(%arg12 : memref<16x128xf32, #tpu.memory_space<vmem>>) target_semaphore(%run_scoped3A : memref<!tpu.dma_semaphore, #tpu.memory_space<semaphore_mem>>)
        %dma_wait3A_179 = arith.constant 0 : i32
        %dma_wait3A_180 = tpu.memref_slice %arg6[%mul3A_129, %dma_wait3A_179] : memref<10240x128xf32, #tpu.memory_space<vmem_shared>> -> memref<16x128xf32, #tpu.memory_space<vmem_shared>>
        %dma_wait3A_181 = arith.constant 0 : i32
        %dma_wait3A_182 = tpu.memref_slice %arg6[%mul3A_129, %dma_wait3A_181] : memref<10240x128xf32, #tpu.memory_space<vmem_shared>> -> memref<16x128xf32, #tpu.memory_space<vmem_shared>>
        tpu.wait_dma2 semaphore(%run_scoped3A : memref<!tpu.dma_semaphore, #tpu.memory_space<semaphore_mem>>) src(%dma_wait3A_182 : memref<16x128xf32, #tpu.memory_space<vmem_shared>>) dst(%arg12 : memref<16x128xf32, #tpu.memory_space<vmem>>)
        tpu.yield
      }) : () -> ()
      %dma_wait3A_130 = arith.constant 0 : i32
      %dma_wait3A_131 = tpu.memref_slice %arg4[%mul3A_129, %dma_wait3A_130] : memref<10240x128xf32, #tpu.memory_space<hbm>> -> memref<16x128xf32, #tpu.memory_space<hbm>>
      %dma_wait3A_132 = arith.constant 0 : i32
      %dma_wait3A_133 = tpu.memref_slice %arg4[%mul3A_129, %dma_wait3A_132] : memref<10240x128xf32, #tpu.memory_space<hbm>> -> memref<16x128xf32, #tpu.memory_space<hbm>>
      tpu.wait_dma2 semaphore(%arg16 : memref<!tpu.dma_semaphore, #tpu.memory_space<semaphore_mem>>) src(%dma_wait3A_133 : memref<16x128xf32, #tpu.memory_space<hbm>>) dst(%arg14 : memref<16x128xf32, #tpu.memory_space<vmem>>)
      %scan3A_134 = arith.constant 0 : i32
      %scan3A_135 = arith.constant 0 : i32
      %scan3A_136 = arith.constant 16 : i32
      %scan3A_137 = arith.addi %scan3A_135, %scan3A_136 : i32
      %scan3A_138 = arith.constant 1 : i32
      %scan3A_139 = scf.for %scan3A_175 = %scan3A_135 to %scan3A_137 step %scan3A_138 iter_args(%scan3A_176 = %scan3A_134) -> (i32)  : i32 {
        %get3A = arith.index_cast %scan3A_175 : i32 to index
        %get3A_177 = arith.constant 0 : index
        %get3A_178 = tpu.vector_load %arg14[%get3A, %get3A_177] {strides = array<i32>} : memref<16x128xf32, #tpu.memory_space<vmem>>, vector<1x16xf32>,
        %get3A_179 = vector.shape_cast %get3A_178 : vector<1x16xf32> to vector<16xf32>
        %max3A = arith.constant 1.000000e+00 : f32
        %max3A_180 = vector.broadcast %max3A : f32 to vector<16xf32>
        %max3A_181 = arith.maximumf %get3A_179, %max3A_180 : vector<16xf32>
        %div3A = arith.constant 1.000000e+00 : f32
        %div3A_182 = vector.broadcast %div3A : f32 to vector<16xf32>
        %div3A_183 = arith.divf %div3A_182, %max3A_181 : vector<16xf32>
        %scan3A_184 = arith.constant 0 : i32
        %scan3A_185 = arith.constant 0 : i32
        %scan3A_186 = arith.constant 8 : i32
        %scan3A_187 = arith.addi %scan3A_185, %scan3A_186 : i32
        %scan3A_188 = arith.constant 1 : i32
        %scan3A_189 = scf.for %scan3A_192 = %scan3A_185 to %scan3A_187 step %scan3A_188 iter_args(%scan3A_193 = %scan3A_184) -> (i32)  : i32 {
          %mul3A_194 = arith.constant 16 : i32
          %mul3A_195 = arith.muli %scan3A_192, %mul3A_194 : i32
          %get3A_196 = arith.index_cast %scan3A_175 : i32 to index
          %get3A_197 = arith.index_cast %mul3A_195 : i32 to index
          %get3A_198 = tpu.vector_load %arg12[%get3A_196, %get3A_197] {strides = array<i32>} : memref<16x128xf32, #tpu.memory_space<vmem>>, vector<1x16xf32>,
          %get3A_199 = vector.shape_cast %get3A_198 : vector<1x16xf32> to vector<16xf32>
          %mul3A_200 = arith.mulf %get3A_199, %div3A_183 : vector<16xf32>
          %mul3A_201 = arith.constant 16 : i32
          %mul3A_202 = arith.muli %scan3A_192, %mul3A_201 : i32
          %swap3A = arith.index_cast %scan3A_175 : i32 to index
          %swap3A_203 = arith.index_cast %mul3A_202 : i32 to index
          %swap3A_204 = tpu.vector_load %arg12[%swap3A, %swap3A_203] {strides = array<i32>} : memref<16x128xf32, #tpu.memory_space<vmem>>, vector<1x16xf32>,
          %swap3A_205 = vector.shape_cast %swap3A_204 : vector<1x16xf32> to vector<16xf32>
          %swap3A_206 = vector.shape_cast %mul3A_200 : vector<16xf32> to vector<1x16xf32>
          tpu.vector_store %arg12[%swap3A, %swap3A_203], %swap3A_206 {strides = array<i32>} : memref<16x128xf32, #tpu.memory_space<vmem>>, vector<1x16xf32>,
          %scan3A_207 = arith.constant 0 : i32
          scf.yield %scan3A_207 : i32
        }
        %scan3A_190 = arith.constant 8 : i32
        %scan3A_191 = arith.constant 0 : i32
        scf.yield %scan3A_191 : i32
      }
      %scan3A_140 = arith.constant 16 : i32
      %mul3A_141 = arith.constant 128 : i32
      %mul3A_142 = arith.muli %arg0, %mul3A_141 : i32
      "tpu.region"() ({
        %run_scoped3A = tpu.sem_alloc : memref<!tpu.dma_semaphore, #tpu.memory_space<semaphore_mem>>
        %dma_start3A_175 = tpu.memref_slice %arg5[%mul3A_129, %mul3A_142] : memref<10240x256xf32, #tpu.memory_space<hbm>> -> memref<16x128xf32, #tpu.memory_space<hbm>>
        %dma_start3A_176 = tpu.memref_slice %arg5[%mul3A_129, %mul3A_142] : memref<10240x256xf32, #tpu.memory_space<hbm>> -> memref<16x128xf32, #tpu.memory_space<hbm>>
        tpu.enqueue_dma source(%arg12 : memref<16x128xf32, #tpu.memory_space<vmem>>) target(%dma_start3A_176 : memref<16x128xf32, #tpu.memory_space<hbm>>) target_semaphore(%run_scoped3A : memref<!tpu.dma_semaphore, #tpu.memory_space<semaphore_mem>>)
        %dma_wait3A_177 = tpu.memref_slice %arg5[%mul3A_129, %mul3A_142] : memref<10240x256xf32, #tpu.memory_space<hbm>> -> memref<16x128xf32, #tpu.memory_space<hbm>>
        %dma_wait3A_178 = tpu.memref_slice %arg5[%mul3A_129, %mul3A_142] : memref<10240x256xf32, #tpu.memory_space<hbm>> -> memref<16x128xf32, #tpu.memory_space<hbm>>
        tpu.wait_dma2 semaphore(%run_scoped3A : memref<!tpu.dma_semaphore, #tpu.memory_space<semaphore_mem>>) src(%arg12 : memref<16x128xf32, #tpu.memory_space<vmem>>) dst(%dma_wait3A_178 : memref<16x128xf32, #tpu.memory_space<hbm>>)
        tpu.yield
      }) : () -> ()
      %add3A_143 = arith.constant 2 : i32
      %add3A_144 = arith.addi %mul3A_113, %add3A_143 : i32
      %mul3A_145 = arith.constant 16 : i32
      %mul3A_146 = arith.muli %add3A_144, %mul3A_145 : i32
      %add3A_147 = arith.addi %arg1, %mul3A_146 : i32
      %mul3A_148 = arith.constant 16 : i32
      %mul3A_149 = arith.muli %add3A_147, %mul3A_148 : i32
      %dma_start3A_150 = arith.constant 0 : i32
      %dma_start3A_151 = tpu.memref_slice %arg4[%mul3A_149, %dma_start3A_150] : memref<10240x128xf32, #tpu.memory_space<hbm>> -> memref<16x128xf32, #tpu.memory_space<hbm>>
      %dma_start3A_152 = arith.constant 0 : i32
      %dma_start3A_153 = tpu.memref_slice %arg4[%mul3A_149, %dma_start3A_152] : memref<10240x128xf32, #tpu.memory_space<hbm>> -> memref<16x128xf32, #tpu.memory_space<hbm>>
      tpu.enqueue_dma source(%dma_start3A_153 : memref<16x128xf32, #tpu.memory_space<hbm>>) target(%arg14 : memref<16x128xf32, #tpu.memory_space<vmem>>) target_semaphore(%arg16 : memref<!tpu.dma_semaphore, #tpu.memory_space<semaphore_mem>>)
      %add3A_154 = arith.constant 1 : i32
      %add3A_155 = arith.addi %mul3A_113, %add3A_154 : i32
      %mul3A_156 = arith.constant 16 : i32
      %mul3A_157 = arith.muli %add3A_155, %mul3A_156 : i32
      %add3A_158 = arith.addi %arg1, %mul3A_157 : i32
      %mul3A_159 = arith.constant 16 : i32
      %mul3A_160 = arith.muli %add3A_158, %mul3A_159 : i32
      "tpu.region"() ({
        %run_scoped3A = tpu.sem_alloc : memref<!tpu.dma_semaphore, #tpu.memory_space<semaphore_mem>>
        %dma_start3A_175 = arith.constant 0 : i32
        %dma_start3A_176 = tpu.memref_slice %arg6[%mul3A_160, %dma_start3A_175] : memref<10240x128xf32, #tpu.memory_space<vmem_shared>> -> memref<16x128xf32, #tpu.memory_space<vmem_shared>>
        %dma_start3A_177 = arith.constant 0 : i32
        %dma_start3A_178 = tpu.memref_slice %arg6[%mul3A_160, %dma_start3A_177] : memref<10240x128xf32, #tpu.memory_space<vmem_shared>> -> memref<16x128xf32, #tpu.memory_space<vmem_shared>>
        tpu.enqueue_dma source(%dma_start3A_178 : memref<16x128xf32, #tpu.memory_space<vmem_shared>>) target(%arg12 : memref<16x128xf32, #tpu.memory_space<vmem>>) target_semaphore(%run_scoped3A : memref<!tpu.dma_semaphore, #tpu.memory_space<semaphore_mem>>)
        %dma_wait3A_179 = arith.constant 0 : i32
        %dma_wait3A_180 = tpu.memref_slice %arg6[%mul3A_160, %dma_wait3A_179] : memref<10240x128xf32, #tpu.memory_space<vmem_shared>> -> memref<16x128xf32, #tpu.memory_space<vmem_shared>>
        %dma_wait3A_181 = arith.constant 0 : i32
        %dma_wait3A_182 = tpu.memref_slice %arg6[%mul3A_160, %dma_wait3A_181] : memref<10240x128xf32, #tpu.memory_space<vmem_shared>> -> memref<16x128xf32, #tpu.memory_space<vmem_shared>>
        tpu.wait_dma2 semaphore(%run_scoped3A : memref<!tpu.dma_semaphore, #tpu.memory_space<semaphore_mem>>) src(%dma_wait3A_182 : memref<16x128xf32, #tpu.memory_space<vmem_shared>>) dst(%arg12 : memref<16x128xf32, #tpu.memory_space<vmem>>)
        tpu.yield
      }) : () -> ()
      %dma_wait3A_161 = arith.constant 0 : i32
      %dma_wait3A_162 = tpu.memref_slice %arg4[%mul3A_160, %dma_wait3A_161] : memref<10240x128xf32, #tpu.memory_space<hbm>> -> memref<16x128xf32, #tpu.memory_space<hbm>>
      %dma_wait3A_163 = arith.constant 0 : i32
      %dma_wait3A_164 = tpu.memref_slice %arg4[%mul3A_160, %dma_wait3A_163] : memref<10240x128xf32, #tpu.memory_space<hbm>> -> memref<16x128xf32, #tpu.memory_space<hbm>>
      tpu.wait_dma2 semaphore(%arg17 : memref<!tpu.dma_semaphore, #tpu.memory_space<semaphore_mem>>) src(%dma_wait3A_164 : memref<16x128xf32, #tpu.memory_space<hbm>>) dst(%arg15 : memref<16x128xf32, #tpu.memory_space<vmem>>)
      %scan3A_165 = arith.constant 0 : i32
      %scan3A_166 = arith.constant 0 : i32
      %scan3A_167 = arith.constant 16 : i32
      %scan3A_168 = arith.addi %scan3A_166, %scan3A_167 : i32
      %scan3A_169 = arith.constant 1 : i32
      %scan3A_170 = scf.for %scan3A_175 = %scan3A_166 to %scan3A_168 step %scan3A_169 iter_args(%scan3A_176 = %scan3A_165) -> (i32)  : i32 {
        %get3A = arith.index_cast %scan3A_175 : i32 to index
        %get3A_177 = arith.constant 0 : index
        %get3A_178 = tpu.vector_load %arg15[%get3A, %get3A_177] {strides = array<i32>} : memref<16x128xf32, #tpu.memory_space<vmem>>, vector<1x16xf32>,
        %get3A_179 = vector.shape_cast %get3A_178 : vector<1x16xf32> to vector<16xf32>
        %max3A = arith.constant 1.000000e+00 : f32
        %max3A_180 = vector.broadcast %max3A : f32 to vector<16xf32>
        %max3A_181 = arith.maximumf %get3A_179, %max3A_180 : vector<16xf32>
        %div3A = arith.constant 1.000000e+00 : f32
        %div3A_182 = vector.broadcast %div3A : f32 to vector<16xf32>
        %div3A_183 = arith.divf %div3A_182, %max3A_181 : vector<16xf32>
        %scan3A_184 = arith.constant 0 : i32
        %scan3A_185 = arith.constant 0 : i32
        %scan3A_186 = arith.constant 8 : i32
        %scan3A_187 = arith.addi %scan3A_185, %scan3A_186 : i32
        %scan3A_188 = arith.constant 1 : i32
        %scan3A_189 = scf.for %scan3A_192 = %scan3A_185 to %scan3A_187 step %scan3A_188 iter_args(%scan3A_193 = %scan3A_184) -> (i32)  : i32 {
          %mul3A_194 = arith.constant 16 : i32
          %mul3A_195 = arith.muli %scan3A_192, %mul3A_194 : i32
          %get3A_196 = arith.index_cast %scan3A_175 : i32 to index
          %get3A_197 = arith.index_cast %mul3A_195 : i32 to index
          %get3A_198 = tpu.vector_load %arg12[%get3A_196, %get3A_197] {strides = array<i32>} : memref<16x128xf32, #tpu.memory_space<vmem>>, vector<1x16xf32>,
          %get3A_199 = vector.shape_cast %get3A_198 : vector<1x16xf32> to vector<16xf32>
          %mul3A_200 = arith.mulf %get3A_199, %div3A_183 : vector<16xf32>
          %mul3A_201 = arith.constant 16 : i32
          %mul3A_202 = arith.muli %scan3A_192, %mul3A_201 : i32
          %swap3A = arith.index_cast %scan3A_175 : i32 to index
          %swap3A_203 = arith.index_cast %mul3A_202 : i32 to index
          %swap3A_204 = tpu.vector_load %arg12[%swap3A, %swap3A_203] {strides = array<i32>} : memref<16x128xf32, #tpu.memory_space<vmem>>, vector<1x16xf32>,
          %swap3A_205 = vector.shape_cast %swap3A_204 : vector<1x16xf32> to vector<16xf32>
          %swap3A_206 = vector.shape_cast %mul3A_200 : vector<16xf32> to vector<1x16xf32>
          tpu.vector_store %arg12[%swap3A, %swap3A_203], %swap3A_206 {strides = array<i32>} : memref<16x128xf32, #tpu.memory_space<vmem>>, vector<1x16xf32>,
          %scan3A_207 = arith.constant 0 : i32
          scf.yield %scan3A_207 : i32
        }
        %scan3A_190 = arith.constant 8 : i32
        %scan3A_191 = arith.constant 0 : i32
        scf.yield %scan3A_191 : i32
      }
      %scan3A_171 = arith.constant 16 : i32
      %mul3A_172 = arith.constant 128 : i32
      %mul3A_173 = arith.muli %arg0, %mul3A_172 : i32
      "tpu.region"() ({
        %run_scoped3A = tpu.sem_alloc : memref<!tpu.dma_semaphore, #tpu.memory_space<semaphore_mem>>
        %dma_start3A_175 = tpu.memref_slice %arg5[%mul3A_160, %mul3A_173] : memref<10240x256xf32, #tpu.memory_space<hbm>> -> memref<16x128xf32, #tpu.memory_space<hbm>>
        %dma_start3A_176 = tpu.memref_slice %arg5[%mul3A_160, %mul3A_173] : memref<10240x256xf32, #tpu.memory_space<hbm>> -> memref<16x128xf32, #tpu.memory_space<hbm>>
        tpu.enqueue_dma source(%arg12 : memref<16x128xf32, #tpu.memory_space<vmem>>) target(%dma_start3A_176 : memref<16x128xf32, #tpu.memory_space<hbm>>) target_semaphore(%run_scoped3A : memref<!tpu.dma_semaphore, #tpu.memory_space<semaphore_mem>>)
        %dma_wait3A_177 = tpu.memref_slice %arg5[%mul3A_160, %mul3A_173] : memref<10240x256xf32, #tpu.memory_space<hbm>> -> memref<16x128xf32, #tpu.memory_space<hbm>>
        %dma_wait3A_178 = tpu.memref_slice %arg5[%mul3A_160, %mul3A_173] : memref<10240x256xf32, #tpu.memory_space<hbm>> -> memref<16x128xf32, #tpu.memory_space<hbm>>
        tpu.wait_dma2 semaphore(%run_scoped3A : memref<!tpu.dma_semaphore, #tpu.memory_space<semaphore_mem>>) src(%arg12 : memref<16x128xf32, #tpu.memory_space<vmem>>) dst(%dma_wait3A_178 : memref<16x128xf32, #tpu.memory_space<hbm>>)
        tpu.yield
      }) : () -> ()
      %scan3A_174 = arith.constant 0 : i32
      scf.yield %scan3A_174 : i32
    }
    %scan3A_67 = arith.constant 19 : i32
    %add3A_68 = arith.constant 624 : i32
    %add3A_69 = arith.addi %arg1, %add3A_68 : i32
    %mul3A_70 = arith.constant 16 : i32
    %mul3A_71 = arith.muli %add3A_69, %mul3A_70 : i32
    %dma_start3A_72 = arith.constant 0 : i32
    %dma_start3A_73 = tpu.memref_slice %arg4[%mul3A_71, %dma_start3A_72] : memref<10240x128xf32, #tpu.memory_space<hbm>> -> memref<16x128xf32, #tpu.memory_space<hbm>>
    %dma_start3A_74 = arith.constant 0 : i32
    %dma_start3A_75 = tpu.memref_slice %arg4[%mul3A_71, %dma_start3A_74] : memref<10240x128xf32, #tpu.memory_space<hbm>> -> memref<16x128xf32, #tpu.memory_space<hbm>>
    tpu.enqueue_dma source(%dma_start3A_75 : memref<16x128xf32, #tpu.memory_space<hbm>>) target(%arg15 : memref<16x128xf32, #tpu.memory_space<vmem>>) target_semaphore(%arg17 : memref<!tpu.dma_semaphore, #tpu.memory_space<semaphore_mem>>)
    %add3A_76 = arith.constant 608 : i32
    %add3A_77 = arith.addi %arg1, %add3A_76 : i32
    %mul3A_78 = arith.constant 16 : i32
    %mul3A_79 = arith.muli %add3A_77, %mul3A_78 : i32
    "tpu.region"() ({
      %run_scoped3A = tpu.sem_alloc : memref<!tpu.dma_semaphore, #tpu.memory_space<semaphore_mem>>
      %dma_start3A_110 = arith.constant 0 : i32
      %dma_start3A_111 = tpu.memref_slice %arg6[%mul3A_79, %dma_start3A_110] : memref<10240x128xf32, #tpu.memory_space<vmem_shared>> -> memref<16x128xf32, #tpu.memory_space<vmem_shared>>
      %dma_start3A_112 = arith.constant 0 : i32
      %dma_start3A_113 = tpu.memref_slice %arg6[%mul3A_79, %dma_start3A_112] : memref<10240x128xf32, #tpu.memory_space<vmem_shared>> -> memref<16x128xf32, #tpu.memory_space<vmem_shared>>
      tpu.enqueue_dma source(%dma_start3A_113 : memref<16x128xf32, #tpu.memory_space<vmem_shared>>) target(%arg12 : memref<16x128xf32, #tpu.memory_space<vmem>>) target_semaphore(%run_scoped3A : memref<!tpu.dma_semaphore, #tpu.memory_space<semaphore_mem>>)
      %dma_wait3A_114 = arith.constant 0 : i32
      %dma_wait3A_115 = tpu.memref_slice %arg6[%mul3A_79, %dma_wait3A_114] : memref<10240x128xf32, #tpu.memory_space<vmem_shared>> -> memref<16x128xf32, #tpu.memory_space<vmem_shared>>
      %dma_wait3A_116 = arith.constant 0 : i32
      %dma_wait3A_117 = tpu.memref_slice %arg6[%mul3A_79, %dma_wait3A_116] : memref<10240x128xf32, #tpu.memory_space<vmem_shared>> -> memref<16x128xf32, #tpu.memory_space<vmem_shared>>
      tpu.wait_dma2 semaphore(%run_scoped3A : memref<!tpu.dma_semaphore, #tpu.memory_space<semaphore_mem>>) src(%dma_wait3A_117 : memref<16x128xf32, #tpu.memory_space<vmem_shared>>) dst(%arg12 : memref<16x128xf32, #tpu.memory_space<vmem>>)
      tpu.yield
    }) : () -> ()
    %dma_wait3A_80 = arith.constant 0 : i32
    %dma_wait3A_81 = tpu.memref_slice %arg4[%mul3A_79, %dma_wait3A_80] : memref<10240x128xf32, #tpu.memory_space<hbm>> -> memref<16x128xf32, #tpu.memory_space<hbm>>
    %dma_wait3A_82 = arith.constant 0 : i32
    %dma_wait3A_83 = tpu.memref_slice %arg4[%mul3A_79, %dma_wait3A_82] : memref<10240x128xf32, #tpu.memory_space<hbm>> -> memref<16x128xf32, #tpu.memory_space<hbm>>
    tpu.wait_dma2 semaphore(%arg16 : memref<!tpu.dma_semaphore, #tpu.memory_space<semaphore_mem>>) src(%dma_wait3A_83 : memref<16x128xf32, #tpu.memory_space<hbm>>) dst(%arg14 : memref<16x128xf32, #tpu.memory_space<vmem>>)
    %scan3A_84 = arith.constant 0 : i32
    %scan3A_85 = arith.constant 0 : i32
    %scan3A_86 = arith.constant 16 : i32
    %scan3A_87 = arith.addi %scan3A_85, %scan3A_86 : i32
    %scan3A_88 = arith.constant 1 : i32
    %scan3A_89 = scf.for %scan3A_110 = %scan3A_85 to %scan3A_87 step %scan3A_88 iter_args(%scan3A_111 = %scan3A_84) -> (i32)  : i32 {
      %get3A = arith.index_cast %scan3A_110 : i32 to index
      %get3A_112 = arith.constant 0 : index
      %get3A_113 = tpu.vector_load %arg14[%get3A, %get3A_112] {strides = array<i32>} : memref<16x128xf32, #tpu.memory_space<vmem>>, vector<1x16xf32>,
      %get3A_114 = vector.shape_cast %get3A_113 : vector<1x16xf32> to vector<16xf32>
      %max3A = arith.constant 1.000000e+00 : f32
      %max3A_115 = vector.broadcast %max3A : f32 to vector<16xf32>
      %max3A_116 = arith.maximumf %get3A_114, %max3A_115 : vector<16xf32>
      %div3A = arith.constant 1.000000e+00 : f32
      %div3A_117 = vector.broadcast %div3A : f32 to vector<16xf32>
      %div3A_118 = arith.divf %div3A_117, %max3A_116 : vector<16xf32>
      %scan3A_119 = arith.constant 0 : i32
      %scan3A_120 = arith.constant 0 : i32
      %scan3A_121 = arith.constant 8 : i32
      %scan3A_122 = arith.addi %scan3A_120, %scan3A_121 : i32
      %scan3A_123 = arith.constant 1 : i32
      %scan3A_124 = scf.for %scan3A_127 = %scan3A_120 to %scan3A_122 step %scan3A_123 iter_args(%scan3A_128 = %scan3A_119) -> (i32)  : i32 {
        %mul3A_129 = arith.constant 16 : i32
        %mul3A_130 = arith.muli %scan3A_127, %mul3A_129 : i32
        %get3A_131 = arith.index_cast %scan3A_110 : i32 to index
        %get3A_132 = arith.index_cast %mul3A_130 : i32 to index
        %get3A_133 = tpu.vector_load %arg12[%get3A_131, %get3A_132] {strides = array<i32>} : memref<16x128xf32, #tpu.memory_space<vmem>>, vector<1x16xf32>,
        %get3A_134 = vector.shape_cast %get3A_133 : vector<1x16xf32> to vector<16xf32>
        %mul3A_135 = arith.mulf %get3A_134, %div3A_118 : vector<16xf32>
        %mul3A_136 = arith.constant 16 : i32
        %mul3A_137 = arith.muli %scan3A_127, %mul3A_136 : i32
        %swap3A = arith.index_cast %scan3A_110 : i32 to index
        %swap3A_138 = arith.index_cast %mul3A_137 : i32 to index
        %swap3A_139 = tpu.vector_load %arg12[%swap3A, %swap3A_138] {strides = array<i32>} : memref<16x128xf32, #tpu.memory_space<vmem>>, vector<1x16xf32>,
        %swap3A_140 = vector.shape_cast %swap3A_139 : vector<1x16xf32> to vector<16xf32>
        %swap3A_141 = vector.shape_cast %mul3A_135 : vector<16xf32> to vector<1x16xf32>
        tpu.vector_store %arg12[%swap3A, %swap3A_138], %swap3A_141 {strides = array<i32>} : memref<16x128xf32, #tpu.memory_space<vmem>>, vector<1x16xf32>,
        %scan3A_142 = arith.constant 0 : i32
        scf.yield %scan3A_142 : i32
      }
      %scan3A_125 = arith.constant 8 : i32
      %scan3A_126 = arith.constant 0 : i32
      scf.yield %scan3A_126 : i32
    }
    %scan3A_90 = arith.constant 16 : i32
    %mul3A_91 = arith.constant 128 : i32
    %mul3A_92 = arith.muli %arg0, %mul3A_91 : i32
    "tpu.region"() ({
      %run_scoped3A = tpu.sem_alloc : memref<!tpu.dma_semaphore, #tpu.memory_space<semaphore_mem>>
      %dma_start3A_110 = tpu.memref_slice %arg5[%mul3A_79, %mul3A_92] : memref<10240x256xf32, #tpu.memory_space<hbm>> -> memref<16x128xf32, #tpu.memory_space<hbm>>
      %dma_start3A_111 = tpu.memref_slice %arg5[%mul3A_79, %mul3A_92] : memref<10240x256xf32, #tpu.memory_space<hbm>> -> memref<16x128xf32, #tpu.memory_space<hbm>>
      tpu.enqueue_dma source(%arg12 : memref<16x128xf32, #tpu.memory_space<vmem>>) target(%dma_start3A_111 : memref<16x128xf32, #tpu.memory_space<hbm>>) target_semaphore(%run_scoped3A : memref<!tpu.dma_semaphore, #tpu.memory_space<semaphore_mem>>)
      %dma_wait3A_112 = tpu.memref_slice %arg5[%mul3A_79, %mul3A_92] : memref<10240x256xf32, #tpu.memory_space<hbm>> -> memref<16x128xf32, #tpu.memory_space<hbm>>
      %dma_wait3A_113 = tpu.memref_slice %arg5[%mul3A_79, %mul3A_92] : memref<10240x256xf32, #tpu.memory_space<hbm>> -> memref<16x128xf32, #tpu.memory_space<hbm>>
      tpu.wait_dma2 semaphore(%run_scoped3A : memref<!tpu.dma_semaphore, #tpu.memory_space<semaphore_mem>>) src(%arg12 : memref<16x128xf32, #tpu.memory_space<vmem>>) dst(%dma_wait3A_113 : memref<16x128xf32, #tpu.memory_space<hbm>>)
      tpu.yield
    }) : () -> ()
    %add3A_93 = arith.constant 624 : i32
    %add3A_94 = arith.addi %arg1, %add3A_93 : i32
    %mul3A_95 = arith.constant 16 : i32
    %mul3A_96 = arith.muli %add3A_94, %mul3A_95 : i32
    "tpu.region"() ({
      %run_scoped3A = tpu.sem_alloc : memref<!tpu.dma_semaphore, #tpu.memory_space<semaphore_mem>>
      %dma_start3A_110 = arith.constant 0 : i32
      %dma_start3A_111 = tpu.memref_slice %arg6[%mul3A_96, %dma_start3A_110] : memref<10240x128xf32, #tpu.memory_space<vmem_shared>> -> memref<16x128xf32, #tpu.memory_space<vmem_shared>>
      %dma_start3A_112 = arith.constant 0 : i32
      %dma_start3A_113 = tpu.memref_slice %arg6[%mul3A_96, %dma_start3A_112] : memref<10240x128xf32, #tpu.memory_space<vmem_shared>> -> memref<16x128xf32, #tpu.memory_space<vmem_shared>>
      tpu.enqueue_dma source(%dma_start3A_113 : memref<16x128xf32, #tpu.memory_space<vmem_shared>>) target(%arg12 : memref<16x128xf32, #tpu.memory_space<vmem>>) target_semaphore(%run_scoped3A : memref<!tpu.dma_semaphore, #tpu.memory_space<semaphore_mem>>)
      %dma_wait3A_114 = arith.constant 0 : i32
      %dma_wait3A_115 = tpu.memref_slice %arg6[%mul3A_96, %dma_wait3A_114] : memref<10240x128xf32, #tpu.memory_space<vmem_shared>> -> memref<16x128xf32, #tpu.memory_space<vmem_shared>>
      %dma_wait3A_116 = arith.constant 0 : i32
      %dma_wait3A_117 = tpu.memref_slice %arg6[%mul3A_96, %dma_wait3A_116] : memref<10240x128xf32, #tpu.memory_space<vmem_shared>> -> memref<16x128xf32, #tpu.memory_space<vmem_shared>>
      tpu.wait_dma2 semaphore(%run_scoped3A : memref<!tpu.dma_semaphore, #tpu.memory_space<semaphore_mem>>) src(%dma_wait3A_117 : memref<16x128xf32, #tpu.memory_space<vmem_shared>>) dst(%arg12 : memref<16x128xf32, #tpu.memory_space<vmem>>)
      tpu.yield
    }) : () -> ()
    %dma_wait3A_97 = arith.constant 0 : i32
    %dma_wait3A_98 = tpu.memref_slice %arg4[%mul3A_96, %dma_wait3A_97] : memref<10240x128xf32, #tpu.memory_space<hbm>> -> memref<16x128xf32, #tpu.memory_space<hbm>>
    %dma_wait3A_99 = arith.constant 0 : i32
    %dma_wait3A_100 = tpu.memref_slice %arg4[%mul3A_96, %dma_wait3A_99] : memref<10240x128xf32, #tpu.memory_space<hbm>> -> memref<16x128xf32, #tpu.memory_space<hbm>>
    tpu.wait_dma2 semaphore(%arg17 : memref<!tpu.dma_semaphore, #tpu.memory_space<semaphore_mem>>) src(%dma_wait3A_100 : memref<16x128xf32, #tpu.memory_space<hbm>>) dst(%arg15 : memref<16x128xf32, #tpu.memory_space<vmem>>)
    %scan3A_101 = arith.constant 0 : i32
    %scan3A_102 = arith.constant 0 : i32
    %scan3A_103 = arith.constant 16 : i32
    %scan3A_104 = arith.addi %scan3A_102, %scan3A_103 : i32
    %scan3A_105 = arith.constant 1 : i32
    %scan3A_106 = scf.for %scan3A_110 = %scan3A_102 to %scan3A_104 step %scan3A_105 iter_args(%scan3A_111 = %scan3A_101) -> (i32)  : i32 {
      %get3A = arith.index_cast %scan3A_110 : i32 to index
      %get3A_112 = arith.constant 0 : index
      %get3A_113 = tpu.vector_load %arg15[%get3A, %get3A_112] {strides = array<i32>} : memref<16x128xf32, #tpu.memory_space<vmem>>, vector<1x16xf32>,
      %get3A_114 = vector.shape_cast %get3A_113 : vector<1x16xf32> to vector<16xf32>
      %max3A = arith.constant 1.000000e+00 : f32
      %max3A_115 = vector.broadcast %max3A : f32 to vector<16xf32>
      %max3A_116 = arith.maximumf %get3A_114, %max3A_115 : vector<16xf32>
      %div3A = arith.constant 1.000000e+00 : f32
      %div3A_117 = vector.broadcast %div3A : f32 to vector<16xf32>
      %div3A_118 = arith.divf %div3A_117, %max3A_116 : vector<16xf32>
      %scan3A_119 = arith.constant 0 : i32
      %scan3A_120 = arith.constant 0 : i32
      %scan3A_121 = arith.constant 8 : i32
      %scan3A_122 = arith.addi %scan3A_120, %scan3A_121 : i32
      %scan3A_123 = arith.constant 1 : i32
      %scan3A_124 = scf.for %scan3A_127 = %scan3A_120 to %scan3A_122 step %scan3A_123 iter_args(%scan3A_128 = %scan3A_119) -> (i32)  : i32 {
        %mul3A_129 = arith.constant 16 : i32
        %mul3A_130 = arith.muli %scan3A_127, %mul3A_129 : i32
        %get3A_131 = arith.index_cast %scan3A_110 : i32 to index
        %get3A_132 = arith.index_cast %mul3A_130 : i32 to index
        %get3A_133 = tpu.vector_load %arg12[%get3A_131, %get3A_132] {strides = array<i32>} : memref<16x128xf32, #tpu.memory_space<vmem>>, vector<1x16xf32>,
        %get3A_134 = vector.shape_cast %get3A_133 : vector<1x16xf32> to vector<16xf32>
        %mul3A_135 = arith.mulf %get3A_134, %div3A_118 : vector<16xf32>
        %mul3A_136 = arith.constant 16 : i32
        %mul3A_137 = arith.muli %scan3A_127, %mul3A_136 : i32
        %swap3A = arith.index_cast %scan3A_110 : i32 to index
        %swap3A_138 = arith.index_cast %mul3A_137 : i32 to index
        %swap3A_139 = tpu.vector_load %arg12[%swap3A, %swap3A_138] {strides = array<i32>} : memref<16x128xf32, #tpu.memory_space<vmem>>, vector<1x16xf32>,
        %swap3A_140 = vector.shape_cast %swap3A_139 : vector<1x16xf32> to vector<16xf32>
        %swap3A_141 = vector.shape_cast %mul3A_135 : vector<16xf32> to vector<1x16xf32>
        tpu.vector_store %arg12[%swap3A, %swap3A_138], %swap3A_141 {strides = array<i32>} : memref<16x128xf32, #tpu.memory_space<vmem>>, vector<1x16xf32>,
        %scan3A_142 = arith.constant 0 : i32
        scf.yield %scan3A_142 : i32
      }
      %scan3A_125 = arith.constant 8 : i32
      %scan3A_126 = arith.constant 0 : i32
      scf.yield %scan3A_126 : i32
    }
    %scan3A_107 = arith.constant 16 : i32
    %mul3A_108 = arith.constant 128 : i32
    %mul3A_109 = arith.muli %arg0, %mul3A_108 : i32
    "tpu.region"() ({
      %run_scoped3A = tpu.sem_alloc : memref<!tpu.dma_semaphore, #tpu.memory_space<semaphore_mem>>
      %dma_start3A_110 = tpu.memref_slice %arg5[%mul3A_96, %mul3A_109] : memref<10240x256xf32, #tpu.memory_space<hbm>> -> memref<16x128xf32, #tpu.memory_space<hbm>>
      %dma_start3A_111 = tpu.memref_slice %arg5[%mul3A_96, %mul3A_109] : memref<10240x256xf32, #tpu.memory_space<hbm>> -> memref<16x128xf32, #tpu.memory_space<hbm>>
      tpu.enqueue_dma source(%arg12 : memref<16x128xf32, #tpu.memory_space<vmem>>) target(%dma_start3A_111 : memref<16x128xf32, #tpu.memory_space<hbm>>) target_semaphore(%run_scoped3A : memref<!tpu.dma_semaphore, #tpu.memory_space<semaphore_mem>>)
      %dma_wait3A_112 = tpu.memref_slice %arg5[%mul3A_96, %mul3A_109] : memref<10240x256xf32, #tpu.memory_space<hbm>> -> memref<16x128xf32, #tpu.memory_space<hbm>>
      %dma_wait3A_113 = tpu.memref_slice %arg5[%mul3A_96, %mul3A_109] : memref<10240x256xf32, #tpu.memory_space<hbm>> -> memref<16x128xf32, #tpu.memory_space<hbm>>
      tpu.wait_dma2 semaphore(%run_scoped3A : memref<!tpu.dma_semaphore, #tpu.memory_space<semaphore_mem>>) src(%arg12 : memref<16x128xf32, #tpu.memory_space<vmem>>) dst(%dma_wait3A_113 : memref<16x128xf32, #tpu.memory_space<hbm>>)
      tpu.yield
    }) : () -> ()
    return
  }
}

#map = affine_map<(d0, d1) -> (0)>
#map1 = affine_map<(d0, d1) -> (0, 0)>
module attributes {stable_mosaic.version = 14 : i64} {
  func.func @_counts_body(%arg0: i32, %arg1: i32, %arg2: memref<160000xi32, #tpu.memory_space<hbm>>, %arg3: memref<10240x128xf32, #tpu.memory_space<hbm>>, %arg4: memref<5248x128xf32, #tpu.memory_space<vmem_shared>>, %arg5: memref<80xi32, #tpu.memory_space<vmem>>, %arg6: memref<80xi32, #tpu.memory_space<vmem>>, %arg7: memref<80xi32, #tpu.memory_space<vmem>>, %arg8: memref<80x128xf32, #tpu.memory_space<vmem>>, %arg9: memref<64x128xf32, #tpu.memory_space<vmem>>, %arg10: memref<!tpu.dma_semaphore, #tpu.memory_space<semaphore_mem>>, %arg11: memref<!tpu.dma_semaphore, #tpu.memory_space<semaphore_mem>>) attributes {dimension_semantics = [#tpu.dimension_semantics<core_parallel>, #tpu.dimension_semantics<subcore_parallel>], iteration_bounds = array<i64: 2, 16>, scalar_prefetch = 0 : i64, scratch_operands = 8 : i64, tpu.core_type = #tpu.core_type<sc_vector_subcore>, window_params = [{transform_indices = #map}, {transform_indices = #map1}]} {
    %mul3A = arith.constant 5120 : i32
    %mul3A_0 = arith.muli %arg0, %mul3A : i32
    %broadcast_in_dim3A = arith.constant 0.000000e+00 : f32
    %broadcast_in_dim3A_1 = vector.broadcast %broadcast_in_dim3A : f32 to vector<16xf32>
    %broadcast_in_dim3A_2 = arith.constant 1.000000e+00 : f32
    %broadcast_in_dim3A_3 = vector.broadcast %broadcast_in_dim3A_2 : f32 to vector<16xf32>
    %scan3A = arith.constant 0 : i32
    %scan3A_4 = arith.constant 0 : i32
    %scan3A_5 = arith.constant 80 : i32
    %scan3A_6 = arith.addi %scan3A_4, %scan3A_5 : i32
    %scan3A_7 = arith.constant 1 : i32
    %scan3A_8 = scf.for %scan3A_91 = %scan3A_4 to %scan3A_6 step %scan3A_7 iter_args(%scan3A_92 = %scan3A) -> (i32)  : i32 {
      %scan3A_93 = arith.constant 0 : i32
      %scan3A_94 = arith.constant 0 : i32
      %scan3A_95 = arith.constant 8 : i32
      %scan3A_96 = arith.addi %scan3A_94, %scan3A_95 : i32
      %scan3A_97 = arith.constant 1 : i32
      %scan3A_98 = scf.for %scan3A_101 = %scan3A_94 to %scan3A_96 step %scan3A_97 iter_args(%scan3A_102 = %scan3A_93) -> (i32)  : i32 {
        %mul3A_103 = arith.constant 16 : i32
        %mul3A_104 = arith.muli %scan3A_101, %mul3A_103 : i32
        %swap3A = arith.index_cast %scan3A_91 : i32 to index
        %swap3A_105 = arith.index_cast %mul3A_104 : i32 to index
        %swap3A_106 = tpu.vector_load %arg8[%swap3A, %swap3A_105] {strides = array<i32>} : memref<80x128xf32, #tpu.memory_space<vmem>>, vector<1x16xf32>,
        %swap3A_107 = vector.shape_cast %swap3A_106 : vector<1x16xf32> to vector<16xf32>
        %swap3A_108 = vector.shape_cast %broadcast_in_dim3A_3 : vector<16xf32> to vector<1x16xf32>
        tpu.vector_store %arg8[%swap3A, %swap3A_105], %swap3A_108 {strides = array<i32>} : memref<80x128xf32, #tpu.memory_space<vmem>>, vector<1x16xf32>,
        %scan3A_109 = arith.constant 0 : i32
        scf.yield %scan3A_109 : i32
      }
      %scan3A_99 = arith.constant 8 : i32
      %scan3A_100 = arith.constant 0 : i32
      scf.yield %scan3A_100 : i32
    }
    %scan3A_9 = arith.constant 80 : i32
    %scan3A_10 = arith.constant 0 : i32
    %scan3A_11 = arith.constant 0 : i32
    %scan3A_12 = arith.constant 64 : i32
    %scan3A_13 = arith.addi %scan3A_11, %scan3A_12 : i32
    %scan3A_14 = arith.constant 1 : i32
    %scan3A_15 = scf.for %scan3A_91 = %scan3A_11 to %scan3A_13 step %scan3A_14 iter_args(%scan3A_92 = %scan3A_10) -> (i32)  : i32 {
      %scan3A_93 = arith.constant 0 : i32
      %scan3A_94 = arith.constant 0 : i32
      %scan3A_95 = arith.constant 8 : i32
      %scan3A_96 = arith.addi %scan3A_94, %scan3A_95 : i32
      %scan3A_97 = arith.constant 1 : i32
      %scan3A_98 = scf.for %scan3A_101 = %scan3A_94 to %scan3A_96 step %scan3A_97 iter_args(%scan3A_102 = %scan3A_93) -> (i32)  : i32 {
        %mul3A_103 = arith.constant 16 : i32
        %mul3A_104 = arith.muli %scan3A_101, %mul3A_103 : i32
        %swap3A = arith.index_cast %scan3A_91 : i32 to index
        %swap3A_105 = arith.index_cast %mul3A_104 : i32 to index
        %swap3A_106 = tpu.vector_load %arg9[%swap3A, %swap3A_105] {strides = array<i32>} : memref<64x128xf32, #tpu.memory_space<vmem>>, vector<1x16xf32>,
        %swap3A_107 = vector.shape_cast %swap3A_106 : vector<1x16xf32> to vector<16xf32>
        %swap3A_108 = vector.shape_cast %broadcast_in_dim3A_1 : vector<16xf32> to vector<1x16xf32>
        tpu.vector_store %arg9[%swap3A, %swap3A_105], %swap3A_108 {strides = array<i32>} : memref<64x128xf32, #tpu.memory_space<vmem>>, vector<1x16xf32>,
        %scan3A_109 = arith.constant 0 : i32
        scf.yield %scan3A_109 : i32
      }
      %scan3A_99 = arith.constant 8 : i32
      %scan3A_100 = arith.constant 0 : i32
      scf.yield %scan3A_100 : i32
    }
    %scan3A_16 = arith.constant 64 : i32
    %mul3A_17 = arith.constant 328 : i32
    %mul3A_18 = arith.muli %arg1, %mul3A_17 : i32
    %add3A = arith.constant 0 : i32
    %add3A_19 = arith.addi %mul3A_18, %add3A : i32
    "tpu.region"() ({
      %run_scoped3A = tpu.sem_alloc : memref<!tpu.dma_semaphore, #tpu.memory_space<semaphore_mem>>
      %dma_start3A_91 = arith.constant 0 : i32
      %dma_start3A_92 = tpu.memref_slice %arg4[%add3A_19, %dma_start3A_91] : memref<5248x128xf32, #tpu.memory_space<vmem_shared>> -> memref<64x128xf32, #tpu.memory_space<vmem_shared>>
      %dma_start3A_93 = arith.constant 0 : i32
      %dma_start3A_94 = tpu.memref_slice %arg4[%add3A_19, %dma_start3A_93] : memref<5248x128xf32, #tpu.memory_space<vmem_shared>> -> memref<64x128xf32, #tpu.memory_space<vmem_shared>>
      tpu.enqueue_dma source(%arg9 : memref<64x128xf32, #tpu.memory_space<vmem>>) target(%dma_start3A_94 : memref<64x128xf32, #tpu.memory_space<vmem_shared>>) target_semaphore(%run_scoped3A : memref<!tpu.dma_semaphore, #tpu.memory_space<semaphore_mem>>)
      %dma_wait3A_95 = arith.constant 0 : i32
      %dma_wait3A_96 = tpu.memref_slice %arg4[%add3A_19, %dma_wait3A_95] : memref<5248x128xf32, #tpu.memory_space<vmem_shared>> -> memref<64x128xf32, #tpu.memory_space<vmem_shared>>
      %dma_wait3A_97 = arith.constant 0 : i32
      %dma_wait3A_98 = tpu.memref_slice %arg4[%add3A_19, %dma_wait3A_97] : memref<5248x128xf32, #tpu.memory_space<vmem_shared>> -> memref<64x128xf32, #tpu.memory_space<vmem_shared>>
      tpu.wait_dma2 semaphore(%run_scoped3A : memref<!tpu.dma_semaphore, #tpu.memory_space<semaphore_mem>>) src(%arg9 : memref<64x128xf32, #tpu.memory_space<vmem>>) dst(%dma_wait3A_98 : memref<64x128xf32, #tpu.memory_space<vmem_shared>>)
      tpu.yield
    }) : () -> ()
    %add3A_20 = arith.constant 64 : i32
    %add3A_21 = arith.addi %mul3A_18, %add3A_20 : i32
    "tpu.region"() ({
      %run_scoped3A = tpu.sem_alloc : memref<!tpu.dma_semaphore, #tpu.memory_space<semaphore_mem>>
      %dma_start3A_91 = arith.constant 0 : i32
      %dma_start3A_92 = tpu.memref_slice %arg4[%add3A_21, %dma_start3A_91] : memref<5248x128xf32, #tpu.memory_space<vmem_shared>> -> memref<64x128xf32, #tpu.memory_space<vmem_shared>>
      %dma_start3A_93 = arith.constant 0 : i32
      %dma_start3A_94 = tpu.memref_slice %arg4[%add3A_21, %dma_start3A_93] : memref<5248x128xf32, #tpu.memory_space<vmem_shared>> -> memref<64x128xf32, #tpu.memory_space<vmem_shared>>
      tpu.enqueue_dma source(%arg9 : memref<64x128xf32, #tpu.memory_space<vmem>>) target(%dma_start3A_94 : memref<64x128xf32, #tpu.memory_space<vmem_shared>>) target_semaphore(%run_scoped3A : memref<!tpu.dma_semaphore, #tpu.memory_space<semaphore_mem>>)
      %dma_wait3A_95 = arith.constant 0 : i32
      %dma_wait3A_96 = tpu.memref_slice %arg4[%add3A_21, %dma_wait3A_95] : memref<5248x128xf32, #tpu.memory_space<vmem_shared>> -> memref<64x128xf32, #tpu.memory_space<vmem_shared>>
      %dma_wait3A_97 = arith.constant 0 : i32
      %dma_wait3A_98 = tpu.memref_slice %arg4[%add3A_21, %dma_wait3A_97] : memref<5248x128xf32, #tpu.memory_space<vmem_shared>> -> memref<64x128xf32, #tpu.memory_space<vmem_shared>>
      tpu.wait_dma2 semaphore(%run_scoped3A : memref<!tpu.dma_semaphore, #tpu.memory_space<semaphore_mem>>) src(%arg9 : memref<64x128xf32, #tpu.memory_space<vmem>>) dst(%dma_wait3A_98 : memref<64x128xf32, #tpu.memory_space<vmem_shared>>)
      tpu.yield
    }) : () -> ()
    %add3A_22 = arith.constant 128 : i32
    %add3A_23 = arith.addi %mul3A_18, %add3A_22 : i32
    "tpu.region"() ({
      %run_scoped3A = tpu.sem_alloc : memref<!tpu.dma_semaphore, #tpu.memory_space<semaphore_mem>>
      %dma_start3A_91 = arith.constant 0 : i32
      %dma_start3A_92 = tpu.memref_slice %arg4[%add3A_23, %dma_start3A_91] : memref<5248x128xf32, #tpu.memory_space<vmem_shared>> -> memref<64x128xf32, #tpu.memory_space<vmem_shared>>
      %dma_start3A_93 = arith.constant 0 : i32
      %dma_start3A_94 = tpu.memref_slice %arg4[%add3A_23, %dma_start3A_93] : memref<5248x128xf32, #tpu.memory_space<vmem_shared>> -> memref<64x128xf32, #tpu.memory_space<vmem_shared>>
      tpu.enqueue_dma source(%arg9 : memref<64x128xf32, #tpu.memory_space<vmem>>) target(%dma_start3A_94 : memref<64x128xf32, #tpu.memory_space<vmem_shared>>) target_semaphore(%run_scoped3A : memref<!tpu.dma_semaphore, #tpu.memory_space<semaphore_mem>>)
      %dma_wait3A_95 = arith.constant 0 : i32
      %dma_wait3A_96 = tpu.memref_slice %arg4[%add3A_23, %dma_wait3A_95] : memref<5248x128xf32, #tpu.memory_space<vmem_shared>> -> memref<64x128xf32, #tpu.memory_space<vmem_shared>>
      %dma_wait3A_97 = arith.constant 0 : i32
      %dma_wait3A_98 = tpu.memref_slice %arg4[%add3A_23, %dma_wait3A_97] : memref<5248x128xf32, #tpu.memory_space<vmem_shared>> -> memref<64x128xf32, #tpu.memory_space<vmem_shared>>
      tpu.wait_dma2 semaphore(%run_scoped3A : memref<!tpu.dma_semaphore, #tpu.memory_space<semaphore_mem>>) src(%arg9 : memref<64x128xf32, #tpu.memory_space<vmem>>) dst(%dma_wait3A_98 : memref<64x128xf32, #tpu.memory_space<vmem_shared>>)
      tpu.yield
    }) : () -> ()
    %add3A_24 = arith.constant 192 : i32
    %add3A_25 = arith.addi %mul3A_18, %add3A_24 : i32
    "tpu.region"() ({
      %run_scoped3A = tpu.sem_alloc : memref<!tpu.dma_semaphore, #tpu.memory_space<semaphore_mem>>
      %dma_start3A_91 = arith.constant 0 : i32
      %dma_start3A_92 = tpu.memref_slice %arg4[%add3A_25, %dma_start3A_91] : memref<5248x128xf32, #tpu.memory_space<vmem_shared>> -> memref<64x128xf32, #tpu.memory_space<vmem_shared>>
      %dma_start3A_93 = arith.constant 0 : i32
      %dma_start3A_94 = tpu.memref_slice %arg4[%add3A_25, %dma_start3A_93] : memref<5248x128xf32, #tpu.memory_space<vmem_shared>> -> memref<64x128xf32, #tpu.memory_space<vmem_shared>>
      tpu.enqueue_dma source(%arg9 : memref<64x128xf32, #tpu.memory_space<vmem>>) target(%dma_start3A_94 : memref<64x128xf32, #tpu.memory_space<vmem_shared>>) target_semaphore(%run_scoped3A : memref<!tpu.dma_semaphore, #tpu.memory_space<semaphore_mem>>)
      %dma_wait3A_95 = arith.constant 0 : i32
      %dma_wait3A_96 = tpu.memref_slice %arg4[%add3A_25, %dma_wait3A_95] : memref<5248x128xf32, #tpu.memory_space<vmem_shared>> -> memref<64x128xf32, #tpu.memory_space<vmem_shared>>
      %dma_wait3A_97 = arith.constant 0 : i32
      %dma_wait3A_98 = tpu.memref_slice %arg4[%add3A_25, %dma_wait3A_97] : memref<5248x128xf32, #tpu.memory_space<vmem_shared>> -> memref<64x128xf32, #tpu.memory_space<vmem_shared>>
      tpu.wait_dma2 semaphore(%run_scoped3A : memref<!tpu.dma_semaphore, #tpu.memory_space<semaphore_mem>>) src(%arg9 : memref<64x128xf32, #tpu.memory_space<vmem>>) dst(%dma_wait3A_98 : memref<64x128xf32, #tpu.memory_space<vmem_shared>>)
      tpu.yield
    }) : () -> ()
    %add3A_26 = arith.constant 256 : i32
    %add3A_27 = arith.addi %mul3A_18, %add3A_26 : i32
    "tpu.region"() ({
      %run_scoped3A = tpu.sem_alloc : memref<!tpu.dma_semaphore, #tpu.memory_space<semaphore_mem>>
      %dma_start3A_91 = arith.constant 0 : i32
      %dma_start3A_92 = tpu.memref_slice %arg4[%add3A_27, %dma_start3A_91] : memref<5248x128xf32, #tpu.memory_space<vmem_shared>> -> memref<64x128xf32, #tpu.memory_space<vmem_shared>>
      %dma_start3A_93 = arith.constant 0 : i32
      %dma_start3A_94 = tpu.memref_slice %arg4[%add3A_27, %dma_start3A_93] : memref<5248x128xf32, #tpu.memory_space<vmem_shared>> -> memref<64x128xf32, #tpu.memory_space<vmem_shared>>
      tpu.enqueue_dma source(%arg9 : memref<64x128xf32, #tpu.memory_space<vmem>>) target(%dma_start3A_94 : memref<64x128xf32, #tpu.memory_space<vmem_shared>>) target_semaphore(%run_scoped3A : memref<!tpu.dma_semaphore, #tpu.memory_space<semaphore_mem>>)
      %dma_wait3A_95 = arith.constant 0 : i32
      %dma_wait3A_96 = tpu.memref_slice %arg4[%add3A_27, %dma_wait3A_95] : memref<5248x128xf32, #tpu.memory_space<vmem_shared>> -> memref<64x128xf32, #tpu.memory_space<vmem_shared>>
      %dma_wait3A_97 = arith.constant 0 : i32
      %dma_wait3A_98 = tpu.memref_slice %arg4[%add3A_27, %dma_wait3A_97] : memref<5248x128xf32, #tpu.memory_space<vmem_shared>> -> memref<64x128xf32, #tpu.memory_space<vmem_shared>>
      tpu.wait_dma2 semaphore(%run_scoped3A : memref<!tpu.dma_semaphore, #tpu.memory_space<semaphore_mem>>) src(%arg9 : memref<64x128xf32, #tpu.memory_space<vmem>>) dst(%dma_wait3A_98 : memref<64x128xf32, #tpu.memory_space<vmem_shared>>)
      tpu.yield
    }) : () -> ()
    %add3A_28 = arith.constant 320 : i32
    %add3A_29 = arith.addi %mul3A_18, %add3A_28 : i32
    "tpu.region"() ({
      %run_scoped3A = tpu.sem_alloc : memref<!tpu.dma_semaphore, #tpu.memory_space<semaphore_mem>>
      %dma_start3A_91 = arith.constant 0 : i32
      %dma_start3A_92 = arith.constant 0 : i32
      %dma_start3A_93 = tpu.memref_slice %arg9[%dma_start3A_91, %dma_start3A_92] : memref<64x128xf32, #tpu.memory_space<vmem>> -> memref<8x128xf32, #tpu.memory_space<vmem>>
      %dma_start3A_94 = arith.constant 0 : i32
      %dma_start3A_95 = tpu.memref_slice %arg4[%add3A_29, %dma_start3A_94] : memref<5248x128xf32, #tpu.memory_space<vmem_shared>> -> memref<8x128xf32, #tpu.memory_space<vmem_shared>>
      %dma_start3A_96 = arith.constant 0 : i32
      %dma_start3A_97 = tpu.memref_slice %arg4[%add3A_29, %dma_start3A_96] : memref<5248x128xf32, #tpu.memory_space<vmem_shared>> -> memref<8x128xf32, #tpu.memory_space<vmem_shared>>
      %dma_start3A_98 = arith.constant 0 : i32
      %dma_start3A_99 = arith.constant 0 : i32
      %dma_start3A_100 = tpu.memref_slice %arg9[%dma_start3A_98, %dma_start3A_99] : memref<64x128xf32, #tpu.memory_space<vmem>> -> memref<8x128xf32, #tpu.memory_space<vmem>>
      tpu.enqueue_dma source(%dma_start3A_100 : memref<8x128xf32, #tpu.memory_space<vmem>>) target(%dma_start3A_97 : memref<8x128xf32, #tpu.memory_space<vmem_shared>>) target_semaphore(%run_scoped3A : memref<!tpu.dma_semaphore, #tpu.memory_space<semaphore_mem>>)
      %dma_wait3A_101 = arith.constant 0 : i32
      %dma_wait3A_102 = arith.constant 0 : i32
      %dma_wait3A_103 = tpu.memref_slice %arg9[%dma_wait3A_101, %dma_wait3A_102] : memref<64x128xf32, #tpu.memory_space<vmem>> -> memref<8x128xf32, #tpu.memory_space<vmem>>
      %dma_wait3A_104 = arith.constant 0 : i32
      %dma_wait3A_105 = tpu.memref_slice %arg4[%add3A_29, %dma_wait3A_104] : memref<5248x128xf32, #tpu.memory_space<vmem_shared>> -> memref<8x128xf32, #tpu.memory_space<vmem_shared>>
      %dma_wait3A_106 = arith.constant 0 : i32
      %dma_wait3A_107 = tpu.memref_slice %arg4[%add3A_29, %dma_wait3A_106] : memref<5248x128xf32, #tpu.memory_space<vmem_shared>> -> memref<8x128xf32, #tpu.memory_space<vmem_shared>>
      %dma_wait3A_108 = arith.constant 0 : i32
      %dma_wait3A_109 = arith.constant 0 : i32
      %dma_wait3A_110 = tpu.memref_slice %arg9[%dma_wait3A_108, %dma_wait3A_109] : memref<64x128xf32, #tpu.memory_space<vmem>> -> memref<8x128xf32, #tpu.memory_space<vmem>>
      tpu.wait_dma2 semaphore(%run_scoped3A : memref<!tpu.dma_semaphore, #tpu.memory_space<semaphore_mem>>) src(%dma_wait3A_110 : memref<8x128xf32, #tpu.memory_space<vmem>>) dst(%dma_wait3A_107 : memref<8x128xf32, #tpu.memory_space<vmem_shared>>)
      tpu.yield
    }) : () -> ()
    %barrier3A = arith.constant 0 : index
    tpu.barrier barrier_id(%barrier3A)
    %mul3A_30 = arith.constant 10000 : i32
    %mul3A_31 = arith.muli %arg1, %mul3A_30 : i32
    %add3A_32 = arith.constant 5120 : i32
    %add3A_33 = arith.addi %mul3A_0, %add3A_32 : i32
    %add3A_34 = arith.constant 0 : i32
    %add3A_35 = arith.addi %mul3A_31, %add3A_34 : i32
    %dma_start3A = tpu.memref_slice %arg2[%add3A_35] : memref<160000xi32, #tpu.memory_space<hbm>> -> memref<80xi32, #tpu.memory_space<hbm>>
    %dma_start3A_36 = tpu.memref_slice %arg2[%add3A_35] : memref<160000xi32, #tpu.memory_space<hbm>> -> memref<80xi32, #tpu.memory_space<hbm>>
    tpu.enqueue_dma source(%dma_start3A_36 : memref<80xi32, #tpu.memory_space<hbm>>) target(%arg5 : memref<80xi32, #tpu.memory_space<vmem>>) target_semaphore(%arg10 : memref<!tpu.dma_semaphore, #tpu.memory_space<semaphore_mem>>)
    %scan3A_37 = arith.constant 0 : i32
    %scan3A_38 = arith.constant 0 : i32
    %scan3A_39 = arith.constant 62 : i32
    %scan3A_40 = arith.addi %scan3A_38, %scan3A_39 : i32
    %scan3A_41 = arith.constant 1 : i32
    %scan3A_42 = scf.for %scan3A_91 = %scan3A_38 to %scan3A_40 step %scan3A_41 iter_args(%scan3A_92 = %scan3A_37) -> (i32)  : i32 {
      %mul3A_93 = arith.constant 2 : i32
      %mul3A_94 = arith.muli %scan3A_91, %mul3A_93 : i32
      %add3A_95 = arith.constant 1 : i32
      %add3A_96 = arith.addi %mul3A_94, %add3A_95 : i32
      %mul3A_97 = arith.constant 80 : i32
      %mul3A_98 = arith.muli %add3A_96, %mul3A_97 : i32
      %add3A_99 = arith.addi %mul3A_31, %mul3A_98 : i32
      %dma_start3A_100 = tpu.memref_slice %arg2[%add3A_99] : memref<160000xi32, #tpu.memory_space<hbm>> -> memref<80xi32, #tpu.memory_space<hbm>>
      %dma_start3A_101 = tpu.memref_slice %arg2[%add3A_99] : memref<160000xi32, #tpu.memory_space<hbm>> -> memref<80xi32, #tpu.memory_space<hbm>>
      tpu.enqueue_dma source(%dma_start3A_101 : memref<80xi32, #tpu.memory_space<hbm>>) target(%arg6 : memref<80xi32, #tpu.memory_space<vmem>>) target_semaphore(%arg11 : memref<!tpu.dma_semaphore, #tpu.memory_space<semaphore_mem>>)
      %mul3A_102 = arith.constant 80 : i32
      %mul3A_103 = arith.muli %mul3A_94, %mul3A_102 : i32
      %add3A_104 = arith.addi %mul3A_31, %mul3A_103 : i32
      %dma_wait3A_105 = tpu.memref_slice %arg2[%add3A_104] : memref<160000xi32, #tpu.memory_space<hbm>> -> memref<80xi32, #tpu.memory_space<hbm>>
      %dma_wait3A_106 = tpu.memref_slice %arg2[%add3A_104] : memref<160000xi32, #tpu.memory_space<hbm>> -> memref<80xi32, #tpu.memory_space<hbm>>
      tpu.wait_dma2 semaphore(%arg10 : memref<!tpu.dma_semaphore, #tpu.memory_space<semaphore_mem>>) src(%dma_wait3A_106 : memref<80xi32, #tpu.memory_space<hbm>>) dst(%arg5 : memref<80xi32, #tpu.memory_space<vmem>>)
      %get3A_107 = arith.constant 0 : index
      %get3A_108 = tpu.vector_load %arg5[%get3A_107] {strides = array<i32>} : memref<80xi32, #tpu.memory_space<vmem>>, vector<16xi32>,
      %get3A_109 = vector.shape_cast %get3A_108 : vector<16xi32> to vector<16xi32>
      %slice3A_110 = vector.extract_strided_slice %get3A_109 {offsets = [0], sizes = [1], strides = [1]} : vector<16xi32> to vector<1xi32>
      %squeeze3A_111 = vector.extract %slice3A_110[0] : i32 from vector<1xi32>
      %get3A_112 = arith.constant 64 : index
      %get3A_113 = tpu.vector_load %arg5[%get3A_112] {strides = array<i32>} : memref<80xi32, #tpu.memory_space<vmem>>, vector<16xi32>,
      %get3A_114 = vector.shape_cast %get3A_113 : vector<16xi32> to vector<16xi32>
      %slice3A_115 = vector.extract_strided_slice %get3A_114 {offsets = [15], sizes = [1], strides = [1]} : vector<16xi32> to vector<1xi32>
      %squeeze3A_116 = vector.extract %slice3A_115[0] : i32 from vector<1xi32>
      %lt3A_117 = arith.cmpi slt, %squeeze3A_111, %add3A_33 : i32
      %ge3A_118 = arith.cmpi sge, %squeeze3A_116, %mul3A_0 : i32
      %and3A_119 = arith.andi %lt3A_117, %ge3A_118 : i1
      %convert_element_type3A_120 = arith.extui %and3A_119 : i1 to i32
      %cond3A_121 = arith.constant 0 : i32
      %cond3A_122 = arith.cmpi ne, %convert_element_type3A_120, %cond3A_121 : i32
      scf.if %cond3A_122 {
        %get3A_154 = arith.constant 0 : index
        %get3A_155 = tpu.vector_load %arg5[%get3A_154] {strides = array<i32>} : memref<80xi32, #tpu.memory_space<vmem>>, vector<16xi32>,
        %get3A_156 = vector.shape_cast %get3A_155 : vector<16xi32> to vector<16xi32>
        %sub3A = vector.broadcast %mul3A_0 : i32 to vector<16xi32>
        %sub3A_157 = arith.subi %get3A_156, %sub3A : vector<16xi32>
        %ge3A_158 = arith.constant 0 : i32
        %ge3A_159 = vector.broadcast %ge3A_158 : i32 to vector<16xi32>
        %ge3A_160 = arith.cmpi sge, %sub3A_157, %ge3A_159 : vector<16xi32>
        %lt3A_161 = arith.constant 5120 : i32
        %lt3A_162 = vector.broadcast %lt3A_161 : i32 to vector<16xi32>
        %lt3A_163 = arith.cmpi slt, %sub3A_157, %lt3A_162 : vector<16xi32>
        %and3A_164 = arith.andi %ge3A_160, %lt3A_163 : vector<16xi1>
        %jit3A = arith.constant 5120 : i32
        %broadcast_in_dim3A_165 = vector.broadcast %jit3A : i32 to vector<16xi32>
        %select_n3A = arith.select %and3A_164, %sub3A_157, %broadcast_in_dim3A_165 : vector<16xi1>, vector<16xi32>
        %swap3A = arith.constant 0 : index
        %swap3A_166 = tpu.vector_load %arg7[%swap3A] {strides = array<i32>} : memref<80xi32, #tpu.memory_space<vmem>>, vector<16xi32>,
        %swap3A_167 = vector.shape_cast %swap3A_166 : vector<16xi32> to vector<16xi32>
        %swap3A_168 = vector.shape_cast %select_n3A : vector<16xi32> to vector<16xi32>
        tpu.vector_store %arg7[%swap3A], %swap3A_168 {strides = array<i32>} : memref<80xi32, #tpu.memory_space<vmem>>, vector<16xi32>,
        %get3A_169 = arith.constant 16 : index
        %get3A_170 = tpu.vector_load %arg5[%get3A_169] {strides = array<i32>} : memref<80xi32, #tpu.memory_space<vmem>>, vector<16xi32>,
        %get3A_171 = vector.shape_cast %get3A_170 : vector<16xi32> to vector<16xi32>
        %sub3A_172 = vector.broadcast %mul3A_0 : i32 to vector<16xi32>
        %sub3A_173 = arith.subi %get3A_171, %sub3A_172 : vector<16xi32>
        %ge3A_174 = arith.constant 0 : i32
        %ge3A_175 = vector.broadcast %ge3A_174 : i32 to vector<16xi32>
        %ge3A_176 = arith.cmpi sge, %sub3A_173, %ge3A_175 : vector<16xi32>
        %lt3A_177 = arith.constant 5120 : i32
        %lt3A_178 = vector.broadcast %lt3A_177 : i32 to vector<16xi32>
        %lt3A_179 = arith.cmpi slt, %sub3A_173, %lt3A_178 : vector<16xi32>
        %and3A_180 = arith.andi %ge3A_176, %lt3A_179 : vector<16xi1>
        %jit3A_181 = arith.constant 5120 : i32
        %broadcast_in_dim3A_182 = vector.broadcast %jit3A_181 : i32 to vector<16xi32>
        %select_n3A_183 = arith.select %and3A_180, %sub3A_173, %broadcast_in_dim3A_182 : vector<16xi1>, vector<16xi32>
        %swap3A_184 = arith.constant 16 : index
        %swap3A_185 = tpu.vector_load %arg7[%swap3A_184] {strides = array<i32>} : memref<80xi32, #tpu.memory_space<vmem>>, vector<16xi32>,
        %swap3A_186 = vector.shape_cast %swap3A_185 : vector<16xi32> to vector<16xi32>
        %swap3A_187 = vector.shape_cast %select_n3A_183 : vector<16xi32> to vector<16xi32>
        tpu.vector_store %arg7[%swap3A_184], %swap3A_187 {strides = array<i32>} : memref<80xi32, #tpu.memory_space<vmem>>, vector<16xi32>,
        %get3A_188 = arith.constant 32 : index
        %get3A_189 = tpu.vector_load %arg5[%get3A_188] {strides = array<i32>} : memref<80xi32, #tpu.memory_space<vmem>>, vector<16xi32>,
        %get3A_190 = vector.shape_cast %get3A_189 : vector<16xi32> to vector<16xi32>
        %sub3A_191 = vector.broadcast %mul3A_0 : i32 to vector<16xi32>
        %sub3A_192 = arith.subi %get3A_190, %sub3A_191 : vector<16xi32>
        %ge3A_193 = arith.constant 0 : i32
        %ge3A_194 = vector.broadcast %ge3A_193 : i32 to vector<16xi32>
        %ge3A_195 = arith.cmpi sge, %sub3A_192, %ge3A_194 : vector<16xi32>
        %lt3A_196 = arith.constant 5120 : i32
        %lt3A_197 = vector.broadcast %lt3A_196 : i32 to vector<16xi32>
        %lt3A_198 = arith.cmpi slt, %sub3A_192, %lt3A_197 : vector<16xi32>
        %and3A_199 = arith.andi %ge3A_195, %lt3A_198 : vector<16xi1>
        %jit3A_200 = arith.constant 5120 : i32
        %broadcast_in_dim3A_201 = vector.broadcast %jit3A_200 : i32 to vector<16xi32>
        %select_n3A_202 = arith.select %and3A_199, %sub3A_192, %broadcast_in_dim3A_201 : vector<16xi1>, vector<16xi32>
        %swap3A_203 = arith.constant 32 : index
        %swap3A_204 = tpu.vector_load %arg7[%swap3A_203] {strides = array<i32>} : memref<80xi32, #tpu.memory_space<vmem>>, vector<16xi32>,
        %swap3A_205 = vector.shape_cast %swap3A_204 : vector<16xi32> to vector<16xi32>
        %swap3A_206 = vector.shape_cast %select_n3A_202 : vector<16xi32> to vector<16xi32>
        tpu.vector_store %arg7[%swap3A_203], %swap3A_206 {strides = array<i32>} : memref<80xi32, #tpu.memory_space<vmem>>, vector<16xi32>,
        %get3A_207 = arith.constant 48 : index
        %get3A_208 = tpu.vector_load %arg5[%get3A_207] {strides = array<i32>} : memref<80xi32, #tpu.memory_space<vmem>>, vector<16xi32>,
        %get3A_209 = vector.shape_cast %get3A_208 : vector<16xi32> to vector<16xi32>
        %sub3A_210 = vector.broadcast %mul3A_0 : i32 to vector<16xi32>
        %sub3A_211 = arith.subi %get3A_209, %sub3A_210 : vector<16xi32>
        %ge3A_212 = arith.constant 0 : i32
        %ge3A_213 = vector.broadcast %ge3A_212 : i32 to vector<16xi32>
        %ge3A_214 = arith.cmpi sge, %sub3A_211, %ge3A_213 : vector<16xi32>
        %lt3A_215 = arith.constant 5120 : i32
        %lt3A_216 = vector.broadcast %lt3A_215 : i32 to vector<16xi32>
        %lt3A_217 = arith.cmpi slt, %sub3A_211, %lt3A_216 : vector<16xi32>
        %and3A_218 = arith.andi %ge3A_214, %lt3A_217 : vector<16xi1>
        %jit3A_219 = arith.constant 5120 : i32
        %broadcast_in_dim3A_220 = vector.broadcast %jit3A_219 : i32 to vector<16xi32>
        %select_n3A_221 = arith.select %and3A_218, %sub3A_211, %broadcast_in_dim3A_220 : vector<16xi1>, vector<16xi32>
        %swap3A_222 = arith.constant 48 : index
        %swap3A_223 = tpu.vector_load %arg7[%swap3A_222] {strides = array<i32>} : memref<80xi32, #tpu.memory_space<vmem>>, vector<16xi32>,
        %swap3A_224 = vector.shape_cast %swap3A_223 : vector<16xi32> to vector<16xi32>
        %swap3A_225 = vector.shape_cast %select_n3A_221 : vector<16xi32> to vector<16xi32>
        tpu.vector_store %arg7[%swap3A_222], %swap3A_225 {strides = array<i32>} : memref<80xi32, #tpu.memory_space<vmem>>, vector<16xi32>,
        %get3A_226 = arith.constant 64 : index
        %get3A_227 = tpu.vector_load %arg5[%get3A_226] {strides = array<i32>} : memref<80xi32, #tpu.memory_space<vmem>>, vector<16xi32>,
        %get3A_228 = vector.shape_cast %get3A_227 : vector<16xi32> to vector<16xi32>
        %sub3A_229 = vector.broadcast %mul3A_0 : i32 to vector<16xi32>
        %sub3A_230 = arith.subi %get3A_228, %sub3A_229 : vector<16xi32>
        %ge3A_231 = arith.constant 0 : i32
        %ge3A_232 = vector.broadcast %ge3A_231 : i32 to vector<16xi32>
        %ge3A_233 = arith.cmpi sge, %sub3A_230, %ge3A_232 : vector<16xi32>
        %lt3A_234 = arith.constant 5120 : i32
        %lt3A_235 = vector.broadcast %lt3A_234 : i32 to vector<16xi32>
        %lt3A_236 = arith.cmpi slt, %sub3A_230, %lt3A_235 : vector<16xi32>
        %and3A_237 = arith.andi %ge3A_233, %lt3A_236 : vector<16xi1>
        %jit3A_238 = arith.constant 5120 : i32
        %broadcast_in_dim3A_239 = vector.broadcast %jit3A_238 : i32 to vector<16xi32>
        %select_n3A_240 = arith.select %and3A_237, %sub3A_230, %broadcast_in_dim3A_239 : vector<16xi1>, vector<16xi32>
        %swap3A_241 = arith.constant 64 : index
        %swap3A_242 = tpu.vector_load %arg7[%swap3A_241] {strides = array<i32>} : memref<80xi32, #tpu.memory_space<vmem>>, vector<16xi32>,
        %swap3A_243 = vector.shape_cast %swap3A_242 : vector<16xi32> to vector<16xi32>
        %swap3A_244 = vector.shape_cast %select_n3A_240 : vector<16xi32> to vector<16xi32>
        tpu.vector_store %arg7[%swap3A_241], %swap3A_244 {strides = array<i32>} : memref<80xi32, #tpu.memory_space<vmem>>, vector<16xi32>,
        "tpu.region"() ({
          %run_scoped3A = tpu.sem_alloc : memref<!tpu.dma_semaphore, #tpu.memory_space<semaphore_mem>>
          %dma_start3A_245 = arith.constant 0 : i32
          %dma_start3A_246 = arith.constant 0 : i32
          %dma_start3A_247 = tpu.memref_slice %arg4[%dma_start3A_245, %dma_start3A_246] : memref<5248x128xf32, #tpu.memory_space<vmem_shared>> -> memref<5248x128xf32, #tpu.memory_space<vmem_shared>>
          tpu.enqueue_indirect_dma source(%arg8 : memref<80x128xf32, #tpu.memory_space<vmem>>) target(%dma_start3A_247 : memref<5248x128xf32, #tpu.memory_space<vmem_shared>>) offsets(%arg7 : memref<80xi32, #tpu.memory_space<vmem>>) semaphore(%run_scoped3A : memref<!tpu.dma_semaphore, #tpu.memory_space<semaphore_mem>>) {add = true}
          %dma_wait3A_248 = arith.constant 0 : i32
          %dma_wait3A_249 = arith.constant 0 : i32
          %dma_wait3A_250 = tpu.memref_slice %arg4[%dma_wait3A_248, %dma_wait3A_249] : memref<5248x128xf32, #tpu.memory_space<vmem_shared>> -> memref<5248x128xf32, #tpu.memory_space<vmem_shared>>
          tpu.wait_indirect_dma semaphore(%run_scoped3A : memref<!tpu.dma_semaphore, #tpu.memory_space<semaphore_mem>>) src(%arg8 : memref<80x128xf32, #tpu.memory_space<vmem>>) dst(%dma_wait3A_250 : memref<5248x128xf32, #tpu.memory_space<vmem_shared>>)
          tpu.yield
        }) : () -> ()
      } else {
      }
      %add3A_123 = arith.constant 2 : i32
      %add3A_124 = arith.addi %mul3A_94, %add3A_123 : i32
      %mul3A_125 = arith.constant 80 : i32
      %mul3A_126 = arith.muli %add3A_124, %mul3A_125 : i32
      %add3A_127 = arith.addi %mul3A_31, %mul3A_126 : i32
      %dma_start3A_128 = tpu.memref_slice %arg2[%add3A_127] : memref<160000xi32, #tpu.memory_space<hbm>> -> memref<80xi32, #tpu.memory_space<hbm>>
      %dma_start3A_129 = tpu.memref_slice %arg2[%add3A_127] : memref<160000xi32, #tpu.memory_space<hbm>> -> memref<80xi32, #tpu.memory_space<hbm>>
      tpu.enqueue_dma source(%dma_start3A_129 : memref<80xi32, #tpu.memory_space<hbm>>) target(%arg5 : memref<80xi32, #tpu.memory_space<vmem>>) target_semaphore(%arg10 : memref<!tpu.dma_semaphore, #tpu.memory_space<semaphore_mem>>)
      %add3A_130 = arith.constant 1 : i32
      %add3A_131 = arith.addi %mul3A_94, %add3A_130 : i32
      %mul3A_132 = arith.constant 80 : i32
      %mul3A_133 = arith.muli %add3A_131, %mul3A_132 : i32
      %add3A_134 = arith.addi %mul3A_31, %mul3A_133 : i32
      %dma_wait3A_135 = tpu.memref_slice %arg2[%add3A_134] : memref<160000xi32, #tpu.memory_space<hbm>> -> memref<80xi32, #tpu.memory_space<hbm>>
      %dma_wait3A_136 = tpu.memref_slice %arg2[%add3A_134] : memref<160000xi32, #tpu.memory_space<hbm>> -> memref<80xi32, #tpu.memory_space<hbm>>
      tpu.wait_dma2 semaphore(%arg11 : memref<!tpu.dma_semaphore, #tpu.memory_space<semaphore_mem>>) src(%dma_wait3A_136 : memref<80xi32, #tpu.memory_space<hbm>>) dst(%arg6 : memref<80xi32, #tpu.memory_space<vmem>>)
      %get3A_137 = arith.constant 0 : index
      %get3A_138 = tpu.vector_load %arg6[%get3A_137] {strides = array<i32>} : memref<80xi32, #tpu.memory_space<vmem>>, vector<16xi32>,
      %get3A_139 = vector.shape_cast %get3A_138 : vector<16xi32> to vector<16xi32>
      %slice3A_140 = vector.extract_strided_slice %get3A_139 {offsets = [0], sizes = [1], strides = [1]} : vector<16xi32> to vector<1xi32>
      %squeeze3A_141 = vector.extract %slice3A_140[0] : i32 from vector<1xi32>
      %get3A_142 = arith.constant 64 : index
      %get3A_143 = tpu.vector_load %arg6[%get3A_142] {strides = array<i32>} : memref<80xi32, #tpu.memory_space<vmem>>, vector<16xi32>,
      %get3A_144 = vector.shape_cast %get3A_143 : vector<16xi32> to vector<16xi32>
      %slice3A_145 = vector.extract_strided_slice %get3A_144 {offsets = [15], sizes = [1], strides = [1]} : vector<16xi32> to vector<1xi32>
      %squeeze3A_146 = vector.extract %slice3A_145[0] : i32 from vector<1xi32>
      %lt3A_147 = arith.cmpi slt, %squeeze3A_141, %add3A_33 : i32
      %ge3A_148 = arith.cmpi sge, %squeeze3A_146, %mul3A_0 : i32
      %and3A_149 = arith.andi %lt3A_147, %ge3A_148 : i1
      %convert_element_type3A_150 = arith.extui %and3A_149 : i1 to i32
      %cond3A_151 = arith.constant 0 : i32
      %cond3A_152 = arith.cmpi ne, %convert_element_type3A_150, %cond3A_151 : i32
      scf.if %cond3A_152 {
        %get3A_154 = arith.constant 0 : index
        %get3A_155 = tpu.vector_load %arg6[%get3A_154] {strides = array<i32>} : memref<80xi32, #tpu.memory_space<vmem>>, vector<16xi32>,
        %get3A_156 = vector.shape_cast %get3A_155 : vector<16xi32> to vector<16xi32>
        %sub3A = vector.broadcast %mul3A_0 : i32 to vector<16xi32>
        %sub3A_157 = arith.subi %get3A_156, %sub3A : vector<16xi32>
        %ge3A_158 = arith.constant 0 : i32
        %ge3A_159 = vector.broadcast %ge3A_158 : i32 to vector<16xi32>
        %ge3A_160 = arith.cmpi sge, %sub3A_157, %ge3A_159 : vector<16xi32>
        %lt3A_161 = arith.constant 5120 : i32
        %lt3A_162 = vector.broadcast %lt3A_161 : i32 to vector<16xi32>
        %lt3A_163 = arith.cmpi slt, %sub3A_157, %lt3A_162 : vector<16xi32>
        %and3A_164 = arith.andi %ge3A_160, %lt3A_163 : vector<16xi1>
        %jit3A = arith.constant 5120 : i32
        %broadcast_in_dim3A_165 = vector.broadcast %jit3A : i32 to vector<16xi32>
        %select_n3A = arith.select %and3A_164, %sub3A_157, %broadcast_in_dim3A_165 : vector<16xi1>, vector<16xi32>
        %swap3A = arith.constant 0 : index
        %swap3A_166 = tpu.vector_load %arg7[%swap3A] {strides = array<i32>} : memref<80xi32, #tpu.memory_space<vmem>>, vector<16xi32>,
        %swap3A_167 = vector.shape_cast %swap3A_166 : vector<16xi32> to vector<16xi32>
        %swap3A_168 = vector.shape_cast %select_n3A : vector<16xi32> to vector<16xi32>
        tpu.vector_store %arg7[%swap3A], %swap3A_168 {strides = array<i32>} : memref<80xi32, #tpu.memory_space<vmem>>, vector<16xi32>,
        %get3A_169 = arith.constant 16 : index
        %get3A_170 = tpu.vector_load %arg6[%get3A_169] {strides = array<i32>} : memref<80xi32, #tpu.memory_space<vmem>>, vector<16xi32>,
        %get3A_171 = vector.shape_cast %get3A_170 : vector<16xi32> to vector<16xi32>
        %sub3A_172 = vector.broadcast %mul3A_0 : i32 to vector<16xi32>
        %sub3A_173 = arith.subi %get3A_171, %sub3A_172 : vector<16xi32>
        %ge3A_174 = arith.constant 0 : i32
        %ge3A_175 = vector.broadcast %ge3A_174 : i32 to vector<16xi32>
        %ge3A_176 = arith.cmpi sge, %sub3A_173, %ge3A_175 : vector<16xi32>
        %lt3A_177 = arith.constant 5120 : i32
        %lt3A_178 = vector.broadcast %lt3A_177 : i32 to vector<16xi32>
        %lt3A_179 = arith.cmpi slt, %sub3A_173, %lt3A_178 : vector<16xi32>
        %and3A_180 = arith.andi %ge3A_176, %lt3A_179 : vector<16xi1>
        %jit3A_181 = arith.constant 5120 : i32
        %broadcast_in_dim3A_182 = vector.broadcast %jit3A_181 : i32 to vector<16xi32>
        %select_n3A_183 = arith.select %and3A_180, %sub3A_173, %broadcast_in_dim3A_182 : vector<16xi1>, vector<16xi32>
        %swap3A_184 = arith.constant 16 : index
        %swap3A_185 = tpu.vector_load %arg7[%swap3A_184] {strides = array<i32>} : memref<80xi32, #tpu.memory_space<vmem>>, vector<16xi32>,
        %swap3A_186 = vector.shape_cast %swap3A_185 : vector<16xi32> to vector<16xi32>
        %swap3A_187 = vector.shape_cast %select_n3A_183 : vector<16xi32> to vector<16xi32>
        tpu.vector_store %arg7[%swap3A_184], %swap3A_187 {strides = array<i32>} : memref<80xi32, #tpu.memory_space<vmem>>, vector<16xi32>,
        %get3A_188 = arith.constant 32 : index
        %get3A_189 = tpu.vector_load %arg6[%get3A_188] {strides = array<i32>} : memref<80xi32, #tpu.memory_space<vmem>>, vector<16xi32>,
        %get3A_190 = vector.shape_cast %get3A_189 : vector<16xi32> to vector<16xi32>
        %sub3A_191 = vector.broadcast %mul3A_0 : i32 to vector<16xi32>
        %sub3A_192 = arith.subi %get3A_190, %sub3A_191 : vector<16xi32>
        %ge3A_193 = arith.constant 0 : i32
        %ge3A_194 = vector.broadcast %ge3A_193 : i32 to vector<16xi32>
        %ge3A_195 = arith.cmpi sge, %sub3A_192, %ge3A_194 : vector<16xi32>
        %lt3A_196 = arith.constant 5120 : i32
        %lt3A_197 = vector.broadcast %lt3A_196 : i32 to vector<16xi32>
        %lt3A_198 = arith.cmpi slt, %sub3A_192, %lt3A_197 : vector<16xi32>
        %and3A_199 = arith.andi %ge3A_195, %lt3A_198 : vector<16xi1>
        %jit3A_200 = arith.constant 5120 : i32
        %broadcast_in_dim3A_201 = vector.broadcast %jit3A_200 : i32 to vector<16xi32>
        %select_n3A_202 = arith.select %and3A_199, %sub3A_192, %broadcast_in_dim3A_201 : vector<16xi1>, vector<16xi32>
        %swap3A_203 = arith.constant 32 : index
        %swap3A_204 = tpu.vector_load %arg7[%swap3A_203] {strides = array<i32>} : memref<80xi32, #tpu.memory_space<vmem>>, vector<16xi32>,
        %swap3A_205 = vector.shape_cast %swap3A_204 : vector<16xi32> to vector<16xi32>
        %swap3A_206 = vector.shape_cast %select_n3A_202 : vector<16xi32> to vector<16xi32>
        tpu.vector_store %arg7[%swap3A_203], %swap3A_206 {strides = array<i32>} : memref<80xi32, #tpu.memory_space<vmem>>, vector<16xi32>,
        %get3A_207 = arith.constant 48 : index
        %get3A_208 = tpu.vector_load %arg6[%get3A_207] {strides = array<i32>} : memref<80xi32, #tpu.memory_space<vmem>>, vector<16xi32>,
        %get3A_209 = vector.shape_cast %get3A_208 : vector<16xi32> to vector<16xi32>
        %sub3A_210 = vector.broadcast %mul3A_0 : i32 to vector<16xi32>
        %sub3A_211 = arith.subi %get3A_209, %sub3A_210 : vector<16xi32>
        %ge3A_212 = arith.constant 0 : i32
        %ge3A_213 = vector.broadcast %ge3A_212 : i32 to vector<16xi32>
        %ge3A_214 = arith.cmpi sge, %sub3A_211, %ge3A_213 : vector<16xi32>
        %lt3A_215 = arith.constant 5120 : i32
        %lt3A_216 = vector.broadcast %lt3A_215 : i32 to vector<16xi32>
        %lt3A_217 = arith.cmpi slt, %sub3A_211, %lt3A_216 : vector<16xi32>
        %and3A_218 = arith.andi %ge3A_214, %lt3A_217 : vector<16xi1>
        %jit3A_219 = arith.constant 5120 : i32
        %broadcast_in_dim3A_220 = vector.broadcast %jit3A_219 : i32 to vector<16xi32>
        %select_n3A_221 = arith.select %and3A_218, %sub3A_211, %broadcast_in_dim3A_220 : vector<16xi1>, vector<16xi32>
        %swap3A_222 = arith.constant 48 : index
        %swap3A_223 = tpu.vector_load %arg7[%swap3A_222] {strides = array<i32>} : memref<80xi32, #tpu.memory_space<vmem>>, vector<16xi32>,
        %swap3A_224 = vector.shape_cast %swap3A_223 : vector<16xi32> to vector<16xi32>
        %swap3A_225 = vector.shape_cast %select_n3A_221 : vector<16xi32> to vector<16xi32>
        tpu.vector_store %arg7[%swap3A_222], %swap3A_225 {strides = array<i32>} : memref<80xi32, #tpu.memory_space<vmem>>, vector<16xi32>,
        %get3A_226 = arith.constant 64 : index
        %get3A_227 = tpu.vector_load %arg6[%get3A_226] {strides = array<i32>} : memref<80xi32, #tpu.memory_space<vmem>>, vector<16xi32>,
        %get3A_228 = vector.shape_cast %get3A_227 : vector<16xi32> to vector<16xi32>
        %sub3A_229 = vector.broadcast %mul3A_0 : i32 to vector<16xi32>
        %sub3A_230 = arith.subi %get3A_228, %sub3A_229 : vector<16xi32>
        %ge3A_231 = arith.constant 0 : i32
        %ge3A_232 = vector.broadcast %ge3A_231 : i32 to vector<16xi32>
        %ge3A_233 = arith.cmpi sge, %sub3A_230, %ge3A_232 : vector<16xi32>
        %lt3A_234 = arith.constant 5120 : i32
        %lt3A_235 = vector.broadcast %lt3A_234 : i32 to vector<16xi32>
        %lt3A_236 = arith.cmpi slt, %sub3A_230, %lt3A_235 : vector<16xi32>
        %and3A_237 = arith.andi %ge3A_233, %lt3A_236 : vector<16xi1>
        %jit3A_238 = arith.constant 5120 : i32
        %broadcast_in_dim3A_239 = vector.broadcast %jit3A_238 : i32 to vector<16xi32>
        %select_n3A_240 = arith.select %and3A_237, %sub3A_230, %broadcast_in_dim3A_239 : vector<16xi1>, vector<16xi32>
        %swap3A_241 = arith.constant 64 : index
        %swap3A_242 = tpu.vector_load %arg7[%swap3A_241] {strides = array<i32>} : memref<80xi32, #tpu.memory_space<vmem>>, vector<16xi32>,
        %swap3A_243 = vector.shape_cast %swap3A_242 : vector<16xi32> to vector<16xi32>
        %swap3A_244 = vector.shape_cast %select_n3A_240 : vector<16xi32> to vector<16xi32>
        tpu.vector_store %arg7[%swap3A_241], %swap3A_244 {strides = array<i32>} : memref<80xi32, #tpu.memory_space<vmem>>, vector<16xi32>,
        "tpu.region"() ({
          %run_scoped3A = tpu.sem_alloc : memref<!tpu.dma_semaphore, #tpu.memory_space<semaphore_mem>>
          %dma_start3A_245 = arith.constant 0 : i32
          %dma_start3A_246 = arith.constant 0 : i32
          %dma_start3A_247 = tpu.memref_slice %arg4[%dma_start3A_245, %dma_start3A_246] : memref<5248x128xf32, #tpu.memory_space<vmem_shared>> -> memref<5248x128xf32, #tpu.memory_space<vmem_shared>>
          tpu.enqueue_indirect_dma source(%arg8 : memref<80x128xf32, #tpu.memory_space<vmem>>) target(%dma_start3A_247 : memref<5248x128xf32, #tpu.memory_space<vmem_shared>>) offsets(%arg7 : memref<80xi32, #tpu.memory_space<vmem>>) semaphore(%run_scoped3A : memref<!tpu.dma_semaphore, #tpu.memory_space<semaphore_mem>>) {add = true}
          %dma_wait3A_248 = arith.constant 0 : i32
          %dma_wait3A_249 = arith.constant 0 : i32
          %dma_wait3A_250 = tpu.memref_slice %arg4[%dma_wait3A_248, %dma_wait3A_249] : memref<5248x128xf32, #tpu.memory_space<vmem_shared>> -> memref<5248x128xf32, #tpu.memory_space<vmem_shared>>
          tpu.wait_indirect_dma semaphore(%run_scoped3A : memref<!tpu.dma_semaphore, #tpu.memory_space<semaphore_mem>>) src(%arg8 : memref<80x128xf32, #tpu.memory_space<vmem>>) dst(%dma_wait3A_250 : memref<5248x128xf32, #tpu.memory_space<vmem_shared>>)
          tpu.yield
        }) : () -> ()
      } else {
      }
      %scan3A_153 = arith.constant 0 : i32
      scf.yield %scan3A_153 : i32
    }
    %scan3A_43 = arith.constant 62 : i32
    %add3A_44 = arith.constant 9920 : i32
    %add3A_45 = arith.addi %mul3A_31, %add3A_44 : i32
    %dma_wait3A = tpu.memref_slice %arg2[%add3A_45] : memref<160000xi32, #tpu.memory_space<hbm>> -> memref<80xi32, #tpu.memory_space<hbm>>
    %dma_wait3A_46 = tpu.memref_slice %arg2[%add3A_45] : memref<160000xi32, #tpu.memory_space<hbm>> -> memref<80xi32, #tpu.memory_space<hbm>>
    tpu.wait_dma2 semaphore(%arg10 : memref<!tpu.dma_semaphore, #tpu.memory_space<semaphore_mem>>) src(%dma_wait3A_46 : memref<80xi32, #tpu.memory_space<hbm>>) dst(%arg5 : memref<80xi32, #tpu.memory_space<vmem>>)
    %get3A = arith.constant 0 : index
    %get3A_47 = tpu.vector_load %arg5[%get3A] {strides = array<i32>} : memref<80xi32, #tpu.memory_space<vmem>>, vector<16xi32>,
    %get3A_48 = vector.shape_cast %get3A_47 : vector<16xi32> to vector<16xi32>
    %slice3A = vector.extract_strided_slice %get3A_48 {offsets = [0], sizes = [1], strides = [1]} : vector<16xi32> to vector<1xi32>
    %squeeze3A = vector.extract %slice3A[0] : i32 from vector<1xi32>
    %get3A_49 = arith.constant 64 : index
    %get3A_50 = tpu.vector_load %arg5[%get3A_49] {strides = array<i32>} : memref<80xi32, #tpu.memory_space<vmem>>, vector<16xi32>,
    %get3A_51 = vector.shape_cast %get3A_50 : vector<16xi32> to vector<16xi32>
    %slice3A_52 = vector.extract_strided_slice %get3A_51 {offsets = [15], sizes = [1], strides = [1]} : vector<16xi32> to vector<1xi32>
    %squeeze3A_53 = vector.extract %slice3A_52[0] : i32 from vector<1xi32>
    %lt3A = arith.cmpi slt, %squeeze3A, %add3A_33 : i32
    %ge3A = arith.cmpi sge, %squeeze3A_53, %mul3A_0 : i32
    %and3A = arith.andi %lt3A, %ge3A : i1
    %convert_element_type3A = arith.extui %and3A : i1 to i32
    %cond3A = arith.constant 0 : i32
    %cond3A_54 = arith.cmpi ne, %convert_element_type3A, %cond3A : i32
    scf.if %cond3A_54 {
      %get3A_91 = arith.constant 0 : index
      %get3A_92 = tpu.vector_load %arg5[%get3A_91] {strides = array<i32>} : memref<80xi32, #tpu.memory_space<vmem>>, vector<16xi32>,
      %get3A_93 = vector.shape_cast %get3A_92 : vector<16xi32> to vector<16xi32>
      %sub3A = vector.broadcast %mul3A_0 : i32 to vector<16xi32>
      %sub3A_94 = arith.subi %get3A_93, %sub3A : vector<16xi32>
      %ge3A_95 = arith.constant 0 : i32
      %ge3A_96 = vector.broadcast %ge3A_95 : i32 to vector<16xi32>
      %ge3A_97 = arith.cmpi sge, %sub3A_94, %ge3A_96 : vector<16xi32>
      %lt3A_98 = arith.constant 5120 : i32
      %lt3A_99 = vector.broadcast %lt3A_98 : i32 to vector<16xi32>
      %lt3A_100 = arith.cmpi slt, %sub3A_94, %lt3A_99 : vector<16xi32>
      %and3A_101 = arith.andi %ge3A_97, %lt3A_100 : vector<16xi1>
      %jit3A = arith.constant 5120 : i32
      %broadcast_in_dim3A_102 = vector.broadcast %jit3A : i32 to vector<16xi32>
      %select_n3A = arith.select %and3A_101, %sub3A_94, %broadcast_in_dim3A_102 : vector<16xi1>, vector<16xi32>
      %swap3A = arith.constant 0 : index
      %swap3A_103 = tpu.vector_load %arg7[%swap3A] {strides = array<i32>} : memref<80xi32, #tpu.memory_space<vmem>>, vector<16xi32>,
      %swap3A_104 = vector.shape_cast %swap3A_103 : vector<16xi32> to vector<16xi32>
      %swap3A_105 = vector.shape_cast %select_n3A : vector<16xi32> to vector<16xi32>
      tpu.vector_store %arg7[%swap3A], %swap3A_105 {strides = array<i32>} : memref<80xi32, #tpu.memory_space<vmem>>, vector<16xi32>,
      %get3A_106 = arith.constant 16 : index
      %get3A_107 = tpu.vector_load %arg5[%get3A_106] {strides = array<i32>} : memref<80xi32, #tpu.memory_space<vmem>>, vector<16xi32>,
      %get3A_108 = vector.shape_cast %get3A_107 : vector<16xi32> to vector<16xi32>
      %sub3A_109 = vector.broadcast %mul3A_0 : i32 to vector<16xi32>
      %sub3A_110 = arith.subi %get3A_108, %sub3A_109 : vector<16xi32>
      %ge3A_111 = arith.constant 0 : i32
      %ge3A_112 = vector.broadcast %ge3A_111 : i32 to vector<16xi32>
      %ge3A_113 = arith.cmpi sge, %sub3A_110, %ge3A_112 : vector<16xi32>
      %lt3A_114 = arith.constant 5120 : i32
      %lt3A_115 = vector.broadcast %lt3A_114 : i32 to vector<16xi32>
      %lt3A_116 = arith.cmpi slt, %sub3A_110, %lt3A_115 : vector<16xi32>
      %and3A_117 = arith.andi %ge3A_113, %lt3A_116 : vector<16xi1>
      %jit3A_118 = arith.constant 5120 : i32
      %broadcast_in_dim3A_119 = vector.broadcast %jit3A_118 : i32 to vector<16xi32>
      %select_n3A_120 = arith.select %and3A_117, %sub3A_110, %broadcast_in_dim3A_119 : vector<16xi1>, vector<16xi32>
      %swap3A_121 = arith.constant 16 : index
      %swap3A_122 = tpu.vector_load %arg7[%swap3A_121] {strides = array<i32>} : memref<80xi32, #tpu.memory_space<vmem>>, vector<16xi32>,
      %swap3A_123 = vector.shape_cast %swap3A_122 : vector<16xi32> to vector<16xi32>
      %swap3A_124 = vector.shape_cast %select_n3A_120 : vector<16xi32> to vector<16xi32>
      tpu.vector_store %arg7[%swap3A_121], %swap3A_124 {strides = array<i32>} : memref<80xi32, #tpu.memory_space<vmem>>, vector<16xi32>,
      %get3A_125 = arith.constant 32 : index
      %get3A_126 = tpu.vector_load %arg5[%get3A_125] {strides = array<i32>} : memref<80xi32, #tpu.memory_space<vmem>>, vector<16xi32>,
      %get3A_127 = vector.shape_cast %get3A_126 : vector<16xi32> to vector<16xi32>
      %sub3A_128 = vector.broadcast %mul3A_0 : i32 to vector<16xi32>
      %sub3A_129 = arith.subi %get3A_127, %sub3A_128 : vector<16xi32>
      %ge3A_130 = arith.constant 0 : i32
      %ge3A_131 = vector.broadcast %ge3A_130 : i32 to vector<16xi32>
      %ge3A_132 = arith.cmpi sge, %sub3A_129, %ge3A_131 : vector<16xi32>
      %lt3A_133 = arith.constant 5120 : i32
      %lt3A_134 = vector.broadcast %lt3A_133 : i32 to vector<16xi32>
      %lt3A_135 = arith.cmpi slt, %sub3A_129, %lt3A_134 : vector<16xi32>
      %and3A_136 = arith.andi %ge3A_132, %lt3A_135 : vector<16xi1>
      %jit3A_137 = arith.constant 5120 : i32
      %broadcast_in_dim3A_138 = vector.broadcast %jit3A_137 : i32 to vector<16xi32>
      %select_n3A_139 = arith.select %and3A_136, %sub3A_129, %broadcast_in_dim3A_138 : vector<16xi1>, vector<16xi32>
      %swap3A_140 = arith.constant 32 : index
      %swap3A_141 = tpu.vector_load %arg7[%swap3A_140] {strides = array<i32>} : memref<80xi32, #tpu.memory_space<vmem>>, vector<16xi32>,
      %swap3A_142 = vector.shape_cast %swap3A_141 : vector<16xi32> to vector<16xi32>
      %swap3A_143 = vector.shape_cast %select_n3A_139 : vector<16xi32> to vector<16xi32>
      tpu.vector_store %arg7[%swap3A_140], %swap3A_143 {strides = array<i32>} : memref<80xi32, #tpu.memory_space<vmem>>, vector<16xi32>,
      %get3A_144 = arith.constant 48 : index
      %get3A_145 = tpu.vector_load %arg5[%get3A_144] {strides = array<i32>} : memref<80xi32, #tpu.memory_space<vmem>>, vector<16xi32>,
      %get3A_146 = vector.shape_cast %get3A_145 : vector<16xi32> to vector<16xi32>
      %sub3A_147 = vector.broadcast %mul3A_0 : i32 to vector<16xi32>
      %sub3A_148 = arith.subi %get3A_146, %sub3A_147 : vector<16xi32>
      %ge3A_149 = arith.constant 0 : i32
      %ge3A_150 = vector.broadcast %ge3A_149 : i32 to vector<16xi32>
      %ge3A_151 = arith.cmpi sge, %sub3A_148, %ge3A_150 : vector<16xi32>
      %lt3A_152 = arith.constant 5120 : i32
      %lt3A_153 = vector.broadcast %lt3A_152 : i32 to vector<16xi32>
      %lt3A_154 = arith.cmpi slt, %sub3A_148, %lt3A_153 : vector<16xi32>
      %and3A_155 = arith.andi %ge3A_151, %lt3A_154 : vector<16xi1>
      %jit3A_156 = arith.constant 5120 : i32
      %broadcast_in_dim3A_157 = vector.broadcast %jit3A_156 : i32 to vector<16xi32>
      %select_n3A_158 = arith.select %and3A_155, %sub3A_148, %broadcast_in_dim3A_157 : vector<16xi1>, vector<16xi32>
      %swap3A_159 = arith.constant 48 : index
      %swap3A_160 = tpu.vector_load %arg7[%swap3A_159] {strides = array<i32>} : memref<80xi32, #tpu.memory_space<vmem>>, vector<16xi32>,
      %swap3A_161 = vector.shape_cast %swap3A_160 : vector<16xi32> to vector<16xi32>
      %swap3A_162 = vector.shape_cast %select_n3A_158 : vector<16xi32> to vector<16xi32>
      tpu.vector_store %arg7[%swap3A_159], %swap3A_162 {strides = array<i32>} : memref<80xi32, #tpu.memory_space<vmem>>, vector<16xi32>,
      %get3A_163 = arith.constant 64 : index
      %get3A_164 = tpu.vector_load %arg5[%get3A_163] {strides = array<i32>} : memref<80xi32, #tpu.memory_space<vmem>>, vector<16xi32>,
      %get3A_165 = vector.shape_cast %get3A_164 : vector<16xi32> to vector<16xi32>
      %sub3A_166 = vector.broadcast %mul3A_0 : i32 to vector<16xi32>
      %sub3A_167 = arith.subi %get3A_165, %sub3A_166 : vector<16xi32>
      %ge3A_168 = arith.constant 0 : i32
      %ge3A_169 = vector.broadcast %ge3A_168 : i32 to vector<16xi32>
      %ge3A_170 = arith.cmpi sge, %sub3A_167, %ge3A_169 : vector<16xi32>
      %lt3A_171 = arith.constant 5120 : i32
      %lt3A_172 = vector.broadcast %lt3A_171 : i32 to vector<16xi32>
      %lt3A_173 = arith.cmpi slt, %sub3A_167, %lt3A_172 : vector<16xi32>
      %and3A_174 = arith.andi %ge3A_170, %lt3A_173 : vector<16xi1>
      %jit3A_175 = arith.constant 5120 : i32
      %broadcast_in_dim3A_176 = vector.broadcast %jit3A_175 : i32 to vector<16xi32>
      %select_n3A_177 = arith.select %and3A_174, %sub3A_167, %broadcast_in_dim3A_176 : vector<16xi1>, vector<16xi32>
      %swap3A_178 = arith.constant 64 : index
      %swap3A_179 = tpu.vector_load %arg7[%swap3A_178] {strides = array<i32>} : memref<80xi32, #tpu.memory_space<vmem>>, vector<16xi32>,
      %swap3A_180 = vector.shape_cast %swap3A_179 : vector<16xi32> to vector<16xi32>
      %swap3A_181 = vector.shape_cast %select_n3A_177 : vector<16xi32> to vector<16xi32>
      tpu.vector_store %arg7[%swap3A_178], %swap3A_181 {strides = array<i32>} : memref<80xi32, #tpu.memory_space<vmem>>, vector<16xi32>,
      "tpu.region"() ({
        %run_scoped3A = tpu.sem_alloc : memref<!tpu.dma_semaphore, #tpu.memory_space<semaphore_mem>>
        %dma_start3A_182 = arith.constant 0 : i32
        %dma_start3A_183 = arith.constant 0 : i32
        %dma_start3A_184 = tpu.memref_slice %arg4[%dma_start3A_182, %dma_start3A_183] : memref<5248x128xf32, #tpu.memory_space<vmem_shared>> -> memref<5248x128xf32, #tpu.memory_space<vmem_shared>>
        tpu.enqueue_indirect_dma source(%arg8 : memref<80x128xf32, #tpu.memory_space<vmem>>) target(%dma_start3A_184 : memref<5248x128xf32, #tpu.memory_space<vmem_shared>>) offsets(%arg7 : memref<80xi32, #tpu.memory_space<vmem>>) semaphore(%run_scoped3A : memref<!tpu.dma_semaphore, #tpu.memory_space<semaphore_mem>>) {add = true}
        %dma_wait3A_185 = arith.constant 0 : i32
        %dma_wait3A_186 = arith.constant 0 : i32
        %dma_wait3A_187 = tpu.memref_slice %arg4[%dma_wait3A_185, %dma_wait3A_186] : memref<5248x128xf32, #tpu.memory_space<vmem_shared>> -> memref<5248x128xf32, #tpu.memory_space<vmem_shared>>
        tpu.wait_indirect_dma semaphore(%run_scoped3A : memref<!tpu.dma_semaphore, #tpu.memory_space<semaphore_mem>>) src(%arg8 : memref<80x128xf32, #tpu.memory_space<vmem>>) dst(%dma_wait3A_187 : memref<5248x128xf32, #tpu.memory_space<vmem_shared>>)
        tpu.yield
      }) : () -> ()
    } else {
    }
    %barrier3A_55 = arith.constant 0 : index
    tpu.barrier barrier_id(%barrier3A_55)
    %mul3A_56 = arith.constant 5120 : i32
    %mul3A_57 = arith.muli %arg0, %mul3A_56 : i32
    %mul3A_58 = arith.constant 320 : i32
    %mul3A_59 = arith.muli %arg1, %mul3A_58 : i32
    %add3A_60 = arith.addi %mul3A_57, %mul3A_59 : i32
    %mul3A_61 = arith.constant 320 : i32
    %mul3A_62 = arith.muli %arg1, %mul3A_61 : i32
    %add3A_63 = arith.constant 0 : i32
    %add3A_64 = arith.addi %mul3A_62, %add3A_63 : i32
    "tpu.region"() ({
      %run_scoped3A = tpu.sem_alloc : memref<!tpu.dma_semaphore, #tpu.memory_space<semaphore_mem>>
      %dma_start3A_91 = arith.constant 0 : i32
      %dma_start3A_92 = tpu.memref_slice %arg4[%add3A_64, %dma_start3A_91] : memref<5248x128xf32, #tpu.memory_space<vmem_shared>> -> memref<64x128xf32, #tpu.memory_space<vmem_shared>>
      %dma_start3A_93 = arith.constant 0 : i32
      %dma_start3A_94 = tpu.memref_slice %arg4[%add3A_64, %dma_start3A_93] : memref<5248x128xf32, #tpu.memory_space<vmem_shared>> -> memref<64x128xf32, #tpu.memory_space<vmem_shared>>
      tpu.enqueue_dma source(%dma_start3A_94 : memref<64x128xf32, #tpu.memory_space<vmem_shared>>) target(%arg9 : memref<64x128xf32, #tpu.memory_space<vmem>>) target_semaphore(%run_scoped3A : memref<!tpu.dma_semaphore, #tpu.memory_space<semaphore_mem>>)
      %dma_wait3A_95 = arith.constant 0 : i32
      %dma_wait3A_96 = tpu.memref_slice %arg4[%add3A_64, %dma_wait3A_95] : memref<5248x128xf32, #tpu.memory_space<vmem_shared>> -> memref<64x128xf32, #tpu.memory_space<vmem_shared>>
      %dma_wait3A_97 = arith.constant 0 : i32
      %dma_wait3A_98 = tpu.memref_slice %arg4[%add3A_64, %dma_wait3A_97] : memref<5248x128xf32, #tpu.memory_space<vmem_shared>> -> memref<64x128xf32, #tpu.memory_space<vmem_shared>>
      tpu.wait_dma2 semaphore(%run_scoped3A : memref<!tpu.dma_semaphore, #tpu.memory_space<semaphore_mem>>) src(%dma_wait3A_98 : memref<64x128xf32, #tpu.memory_space<vmem_shared>>) dst(%arg9 : memref<64x128xf32, #tpu.memory_space<vmem>>)
      tpu.yield
    }) : () -> ()
    %add3A_65 = arith.constant 0 : i32
    %add3A_66 = arith.addi %add3A_60, %add3A_65 : i32
    "tpu.region"() ({
      %run_scoped3A = tpu.sem_alloc : memref<!tpu.dma_semaphore, #tpu.memory_space<semaphore_mem>>
      %dma_start3A_91 = arith.constant 0 : i32
      %dma_start3A_92 = tpu.memref_slice %arg3[%add3A_66, %dma_start3A_91] : memref<10240x128xf32, #tpu.memory_space<hbm>> -> memref<64x128xf32, #tpu.memory_space<hbm>>
      %dma_start3A_93 = arith.constant 0 : i32
      %dma_start3A_94 = tpu.memref_slice %arg3[%add3A_66, %dma_start3A_93] : memref<10240x128xf32, #tpu.memory_space<hbm>> -> memref<64x128xf32, #tpu.memory_space<hbm>>
      tpu.enqueue_dma source(%arg9 : memref<64x128xf32, #tpu.memory_space<vmem>>) target(%dma_start3A_94 : memref<64x128xf32, #tpu.memory_space<hbm>>) target_semaphore(%run_scoped3A : memref<!tpu.dma_semaphore, #tpu.memory_space<semaphore_mem>>)
      %dma_wait3A_95 = arith.constant 0 : i32
      %dma_wait3A_96 = tpu.memref_slice %arg3[%add3A_66, %dma_wait3A_95] : memref<10240x128xf32, #tpu.memory_space<hbm>> -> memref<64x128xf32, #tpu.memory_space<hbm>>
      %dma_wait3A_97 = arith.constant 0 : i32
      %dma_wait3A_98 = tpu.memref_slice %arg3[%add3A_66, %dma_wait3A_97] : memref<10240x128xf32, #tpu.memory_space<hbm>> -> memref<64x128xf32, #tpu.memory_space<hbm>>
      tpu.wait_dma2 semaphore(%run_scoped3A : memref<!tpu.dma_semaphore, #tpu.memory_space<semaphore_mem>>) src(%arg9 : memref<64x128xf32, #tpu.memory_space<vmem>>) dst(%dma_wait3A_98 : memref<64x128xf32, #tpu.memory_space<hbm>>)
      tpu.yield
    }) : () -> ()
    %mul3A_67 = arith.constant 320 : i32
    %mul3A_68 = arith.muli %arg1, %mul3A_67 : i32
    %add3A_69 = arith.constant 64 : i32
    %add3A_70 = arith.addi %mul3A_68, %add3A_69 : i32
    "tpu.region"() ({
      %run_scoped3A = tpu.sem_alloc : memref<!tpu.dma_semaphore, #tpu.memory_space<semaphore_mem>>
      %dma_start3A_91 = arith.constant 0 : i32
      %dma_start3A_92 = tpu.memref_slice %arg4[%add3A_70, %dma_start3A_91] : memref<5248x128xf32, #tpu.memory_space<vmem_shared>> -> memref<64x128xf32, #tpu.memory_space<vmem_shared>>
      %dma_start3A_93 = arith.constant 0 : i32
      %dma_start3A_94 = tpu.memref_slice %arg4[%add3A_70, %dma_start3A_93] : memref<5248x128xf32, #tpu.memory_space<vmem_shared>> -> memref<64x128xf32, #tpu.memory_space<vmem_shared>>
      tpu.enqueue_dma source(%dma_start3A_94 : memref<64x128xf32, #tpu.memory_space<vmem_shared>>) target(%arg9 : memref<64x128xf32, #tpu.memory_space<vmem>>) target_semaphore(%run_scoped3A : memref<!tpu.dma_semaphore, #tpu.memory_space<semaphore_mem>>)
      %dma_wait3A_95 = arith.constant 0 : i32
      %dma_wait3A_96 = tpu.memref_slice %arg4[%add3A_70, %dma_wait3A_95] : memref<5248x128xf32, #tpu.memory_space<vmem_shared>> -> memref<64x128xf32, #tpu.memory_space<vmem_shared>>
      %dma_wait3A_97 = arith.constant 0 : i32
      %dma_wait3A_98 = tpu.memref_slice %arg4[%add3A_70, %dma_wait3A_97] : memref<5248x128xf32, #tpu.memory_space<vmem_shared>> -> memref<64x128xf32, #tpu.memory_space<vmem_shared>>
      tpu.wait_dma2 semaphore(%run_scoped3A : memref<!tpu.dma_semaphore, #tpu.memory_space<semaphore_mem>>) src(%dma_wait3A_98 : memref<64x128xf32, #tpu.memory_space<vmem_shared>>) dst(%arg9 : memref<64x128xf32, #tpu.memory_space<vmem>>)
      tpu.yield
    }) : () -> ()
    %add3A_71 = arith.constant 64 : i32
    %add3A_72 = arith.addi %add3A_60, %add3A_71 : i32
    "tpu.region"() ({
      %run_scoped3A = tpu.sem_alloc : memref<!tpu.dma_semaphore, #tpu.memory_space<semaphore_mem>>
      %dma_start3A_91 = arith.constant 0 : i32
      %dma_start3A_92 = tpu.memref_slice %arg3[%add3A_72, %dma_start3A_91] : memref<10240x128xf32, #tpu.memory_space<hbm>> -> memref<64x128xf32, #tpu.memory_space<hbm>>
      %dma_start3A_93 = arith.constant 0 : i32
      %dma_start3A_94 = tpu.memref_slice %arg3[%add3A_72, %dma_start3A_93] : memref<10240x128xf32, #tpu.memory_space<hbm>> -> memref<64x128xf32, #tpu.memory_space<hbm>>
      tpu.enqueue_dma source(%arg9 : memref<64x128xf32, #tpu.memory_space<vmem>>) target(%dma_start3A_94 : memref<64x128xf32, #tpu.memory_space<hbm>>) target_semaphore(%run_scoped3A : memref<!tpu.dma_semaphore, #tpu.memory_space<semaphore_mem>>)
      %dma_wait3A_95 = arith.constant 0 : i32
      %dma_wait3A_96 = tpu.memref_slice %arg3[%add3A_72, %dma_wait3A_95] : memref<10240x128xf32, #tpu.memory_space<hbm>> -> memref<64x128xf32, #tpu.memory_space<hbm>>
      %dma_wait3A_97 = arith.constant 0 : i32
      %dma_wait3A_98 = tpu.memref_slice %arg3[%add3A_72, %dma_wait3A_97] : memref<10240x128xf32, #tpu.memory_space<hbm>> -> memref<64x128xf32, #tpu.memory_space<hbm>>
      tpu.wait_dma2 semaphore(%run_scoped3A : memref<!tpu.dma_semaphore, #tpu.memory_space<semaphore_mem>>) src(%arg9 : memref<64x128xf32, #tpu.memory_space<vmem>>) dst(%dma_wait3A_98 : memref<64x128xf32, #tpu.memory_space<hbm>>)
      tpu.yield
    }) : () -> ()
    %mul3A_73 = arith.constant 320 : i32
    %mul3A_74 = arith.muli %arg1, %mul3A_73 : i32
    %add3A_75 = arith.constant 128 : i32
    %add3A_76 = arith.addi %mul3A_74, %add3A_75 : i32
    "tpu.region"() ({
      %run_scoped3A = tpu.sem_alloc : memref<!tpu.dma_semaphore, #tpu.memory_space<semaphore_mem>>
      %dma_start3A_91 = arith.constant 0 : i32
      %dma_start3A_92 = tpu.memref_slice %arg4[%add3A_76, %dma_start3A_91] : memref<5248x128xf32, #tpu.memory_space<vmem_shared>> -> memref<64x128xf32, #tpu.memory_space<vmem_shared>>
      %dma_start3A_93 = arith.constant 0 : i32
      %dma_start3A_94 = tpu.memref_slice %arg4[%add3A_76, %dma_start3A_93] : memref<5248x128xf32, #tpu.memory_space<vmem_shared>> -> memref<64x128xf32, #tpu.memory_space<vmem_shared>>
      tpu.enqueue_dma source(%dma_start3A_94 : memref<64x128xf32, #tpu.memory_space<vmem_shared>>) target(%arg9 : memref<64x128xf32, #tpu.memory_space<vmem>>) target_semaphore(%run_scoped3A : memref<!tpu.dma_semaphore, #tpu.memory_space<semaphore_mem>>)
      %dma_wait3A_95 = arith.constant 0 : i32
      %dma_wait3A_96 = tpu.memref_slice %arg4[%add3A_76, %dma_wait3A_95] : memref<5248x128xf32, #tpu.memory_space<vmem_shared>> -> memref<64x128xf32, #tpu.memory_space<vmem_shared>>
      %dma_wait3A_97 = arith.constant 0 : i32
      %dma_wait3A_98 = tpu.memref_slice %arg4[%add3A_76, %dma_wait3A_97] : memref<5248x128xf32, #tpu.memory_space<vmem_shared>> -> memref<64x128xf32, #tpu.memory_space<vmem_shared>>
      tpu.wait_dma2 semaphore(%run_scoped3A : memref<!tpu.dma_semaphore, #tpu.memory_space<semaphore_mem>>) src(%dma_wait3A_98 : memref<64x128xf32, #tpu.memory_space<vmem_shared>>) dst(%arg9 : memref<64x128xf32, #tpu.memory_space<vmem>>)
      tpu.yield
    }) : () -> ()
    %add3A_77 = arith.constant 128 : i32
    %add3A_78 = arith.addi %add3A_60, %add3A_77 : i32
    "tpu.region"() ({
      %run_scoped3A = tpu.sem_alloc : memref<!tpu.dma_semaphore, #tpu.memory_space<semaphore_mem>>
      %dma_start3A_91 = arith.constant 0 : i32
      %dma_start3A_92 = tpu.memref_slice %arg3[%add3A_78, %dma_start3A_91] : memref<10240x128xf32, #tpu.memory_space<hbm>> -> memref<64x128xf32, #tpu.memory_space<hbm>>
      %dma_start3A_93 = arith.constant 0 : i32
      %dma_start3A_94 = tpu.memref_slice %arg3[%add3A_78, %dma_start3A_93] : memref<10240x128xf32, #tpu.memory_space<hbm>> -> memref<64x128xf32, #tpu.memory_space<hbm>>
      tpu.enqueue_dma source(%arg9 : memref<64x128xf32, #tpu.memory_space<vmem>>) target(%dma_start3A_94 : memref<64x128xf32, #tpu.memory_space<hbm>>) target_semaphore(%run_scoped3A : memref<!tpu.dma_semaphore, #tpu.memory_space<semaphore_mem>>)
      %dma_wait3A_95 = arith.constant 0 : i32
      %dma_wait3A_96 = tpu.memref_slice %arg3[%add3A_78, %dma_wait3A_95] : memref<10240x128xf32, #tpu.memory_space<hbm>> -> memref<64x128xf32, #tpu.memory_space<hbm>>
      %dma_wait3A_97 = arith.constant 0 : i32
      %dma_wait3A_98 = tpu.memref_slice %arg3[%add3A_78, %dma_wait3A_97] : memref<10240x128xf32, #tpu.memory_space<hbm>> -> memref<64x128xf32, #tpu.memory_space<hbm>>
      tpu.wait_dma2 semaphore(%run_scoped3A : memref<!tpu.dma_semaphore, #tpu.memory_space<semaphore_mem>>) src(%arg9 : memref<64x128xf32, #tpu.memory_space<vmem>>) dst(%dma_wait3A_98 : memref<64x128xf32, #tpu.memory_space<hbm>>)
      tpu.yield
    }) : () -> ()
    %mul3A_79 = arith.constant 320 : i32
    %mul3A_80 = arith.muli %arg1, %mul3A_79 : i32
    %add3A_81 = arith.constant 192 : i32
    %add3A_82 = arith.addi %mul3A_80, %add3A_81 : i32
    "tpu.region"() ({
      %run_scoped3A = tpu.sem_alloc : memref<!tpu.dma_semaphore, #tpu.memory_space<semaphore_mem>>
      %dma_start3A_91 = arith.constant 0 : i32
      %dma_start3A_92 = tpu.memref_slice %arg4[%add3A_82, %dma_start3A_91] : memref<5248x128xf32, #tpu.memory_space<vmem_shared>> -> memref<64x128xf32, #tpu.memory_space<vmem_shared>>
      %dma_start3A_93 = arith.constant 0 : i32
      %dma_start3A_94 = tpu.memref_slice %arg4[%add3A_82, %dma_start3A_93] : memref<5248x128xf32, #tpu.memory_space<vmem_shared>> -> memref<64x128xf32, #tpu.memory_space<vmem_shared>>
      tpu.enqueue_dma source(%dma_start3A_94 : memref<64x128xf32, #tpu.memory_space<vmem_shared>>) target(%arg9 : memref<64x128xf32, #tpu.memory_space<vmem>>) target_semaphore(%run_scoped3A : memref<!tpu.dma_semaphore, #tpu.memory_space<semaphore_mem>>)
      %dma_wait3A_95 = arith.constant 0 : i32
      %dma_wait3A_96 = tpu.memref_slice %arg4[%add3A_82, %dma_wait3A_95] : memref<5248x128xf32, #tpu.memory_space<vmem_shared>> -> memref<64x128xf32, #tpu.memory_space<vmem_shared>>
      %dma_wait3A_97 = arith.constant 0 : i32
      %dma_wait3A_98 = tpu.memref_slice %arg4[%add3A_82, %dma_wait3A_97] : memref<5248x128xf32, #tpu.memory_space<vmem_shared>> -> memref<64x128xf32, #tpu.memory_space<vmem_shared>>
      tpu.wait_dma2 semaphore(%run_scoped3A : memref<!tpu.dma_semaphore, #tpu.memory_space<semaphore_mem>>) src(%dma_wait3A_98 : memref<64x128xf32, #tpu.memory_space<vmem_shared>>) dst(%arg9 : memref<64x128xf32, #tpu.memory_space<vmem>>)
      tpu.yield
    }) : () -> ()
    %add3A_83 = arith.constant 192 : i32
    %add3A_84 = arith.addi %add3A_60, %add3A_83 : i32
    "tpu.region"() ({
      %run_scoped3A = tpu.sem_alloc : memref<!tpu.dma_semaphore, #tpu.memory_space<semaphore_mem>>
      %dma_start3A_91 = arith.constant 0 : i32
      %dma_start3A_92 = tpu.memref_slice %arg3[%add3A_84, %dma_start3A_91] : memref<10240x128xf32, #tpu.memory_space<hbm>> -> memref<64x128xf32, #tpu.memory_space<hbm>>
      %dma_start3A_93 = arith.constant 0 : i32
      %dma_start3A_94 = tpu.memref_slice %arg3[%add3A_84, %dma_start3A_93] : memref<10240x128xf32, #tpu.memory_space<hbm>> -> memref<64x128xf32, #tpu.memory_space<hbm>>
      tpu.enqueue_dma source(%arg9 : memref<64x128xf32, #tpu.memory_space<vmem>>) target(%dma_start3A_94 : memref<64x128xf32, #tpu.memory_space<hbm>>) target_semaphore(%run_scoped3A : memref<!tpu.dma_semaphore, #tpu.memory_space<semaphore_mem>>)
      %dma_wait3A_95 = arith.constant 0 : i32
      %dma_wait3A_96 = tpu.memref_slice %arg3[%add3A_84, %dma_wait3A_95] : memref<10240x128xf32, #tpu.memory_space<hbm>> -> memref<64x128xf32, #tpu.memory_space<hbm>>
      %dma_wait3A_97 = arith.constant 0 : i32
      %dma_wait3A_98 = tpu.memref_slice %arg3[%add3A_84, %dma_wait3A_97] : memref<10240x128xf32, #tpu.memory_space<hbm>> -> memref<64x128xf32, #tpu.memory_space<hbm>>
      tpu.wait_dma2 semaphore(%run_scoped3A : memref<!tpu.dma_semaphore, #tpu.memory_space<semaphore_mem>>) src(%arg9 : memref<64x128xf32, #tpu.memory_space<vmem>>) dst(%dma_wait3A_98 : memref<64x128xf32, #tpu.memory_space<hbm>>)
      tpu.yield
    }) : () -> ()
    %mul3A_85 = arith.constant 320 : i32
    %mul3A_86 = arith.muli %arg1, %mul3A_85 : i32
    %add3A_87 = arith.constant 256 : i32
    %add3A_88 = arith.addi %mul3A_86, %add3A_87 : i32
    "tpu.region"() ({
      %run_scoped3A = tpu.sem_alloc : memref<!tpu.dma_semaphore, #tpu.memory_space<semaphore_mem>>
      %dma_start3A_91 = arith.constant 0 : i32
      %dma_start3A_92 = tpu.memref_slice %arg4[%add3A_88, %dma_start3A_91] : memref<5248x128xf32, #tpu.memory_space<vmem_shared>> -> memref<64x128xf32, #tpu.memory_space<vmem_shared>>
      %dma_start3A_93 = arith.constant 0 : i32
      %dma_start3A_94 = tpu.memref_slice %arg4[%add3A_88, %dma_start3A_93] : memref<5248x128xf32, #tpu.memory_space<vmem_shared>> -> memref<64x128xf32, #tpu.memory_space<vmem_shared>>
      tpu.enqueue_dma source(%dma_start3A_94 : memref<64x128xf32, #tpu.memory_space<vmem_shared>>) target(%arg9 : memref<64x128xf32, #tpu.memory_space<vmem>>) target_semaphore(%run_scoped3A : memref<!tpu.dma_semaphore, #tpu.memory_space<semaphore_mem>>)
      %dma_wait3A_95 = arith.constant 0 : i32
      %dma_wait3A_96 = tpu.memref_slice %arg4[%add3A_88, %dma_wait3A_95] : memref<5248x128xf32, #tpu.memory_space<vmem_shared>> -> memref<64x128xf32, #tpu.memory_space<vmem_shared>>
      %dma_wait3A_97 = arith.constant 0 : i32
      %dma_wait3A_98 = tpu.memref_slice %arg4[%add3A_88, %dma_wait3A_97] : memref<5248x128xf32, #tpu.memory_space<vmem_shared>> -> memref<64x128xf32, #tpu.memory_space<vmem_shared>>
      tpu.wait_dma2 semaphore(%run_scoped3A : memref<!tpu.dma_semaphore, #tpu.memory_space<semaphore_mem>>) src(%dma_wait3A_98 : memref<64x128xf32, #tpu.memory_space<vmem_shared>>) dst(%arg9 : memref<64x128xf32, #tpu.memory_space<vmem>>)
      tpu.yield
    }) : () -> ()
    %add3A_89 = arith.constant 256 : i32
    %add3A_90 = arith.addi %add3A_60, %add3A_89 : i32
    "tpu.region"() ({
      %run_scoped3A = tpu.sem_alloc : memref<!tpu.dma_semaphore, #tpu.memory_space<semaphore_mem>>
      %dma_start3A_91 = arith.constant 0 : i32
      %dma_start3A_92 = tpu.memref_slice %arg3[%add3A_90, %dma_start3A_91] : memref<10240x128xf32, #tpu.memory_space<hbm>> -> memref<64x128xf32, #tpu.memory_space<hbm>>
      %dma_start3A_93 = arith.constant 0 : i32
      %dma_start3A_94 = tpu.memref_slice %arg3[%add3A_90, %dma_start3A_93] : memref<10240x128xf32, #tpu.memory_space<hbm>> -> memref<64x128xf32, #tpu.memory_space<hbm>>
      tpu.enqueue_dma source(%arg9 : memref<64x128xf32, #tpu.memory_space<vmem>>) target(%dma_start3A_94 : memref<64x128xf32, #tpu.memory_space<hbm>>) target_semaphore(%run_scoped3A : memref<!tpu.dma_semaphore, #tpu.memory_space<semaphore_mem>>)
      %dma_wait3A_95 = arith.constant 0 : i32
      %dma_wait3A_96 = tpu.memref_slice %arg3[%add3A_90, %dma_wait3A_95] : memref<10240x128xf32, #tpu.memory_space<hbm>> -> memref<64x128xf32, #tpu.memory_space<hbm>>
      %dma_wait3A_97 = arith.constant 0 : i32
      %dma_wait3A_98 = tpu.memref_slice %arg3[%add3A_90, %dma_wait3A_97] : memref<10240x128xf32, #tpu.memory_space<hbm>> -> memref<64x128xf32, #tpu.memory_space<hbm>>
      tpu.wait_dma2 semaphore(%run_scoped3A : memref<!tpu.dma_semaphore, #tpu.memory_space<semaphore_mem>>) src(%arg9 : memref<64x128xf32, #tpu.memory_space<vmem>>) dst(%dma_wait3A_98 : memref<64x128xf32, #tpu.memory_space<hbm>>)
      tpu.yield
    }) : () -> ()
    return
  }
}

</mosaic_0001>

<sc_bundles>
// kernel: kernel.4.cloned.1.call-start
scs
__scs_entry_jumppad:
0x0: {  	(pc) =	sbr.rel $0x88, $3  }
0x1: {  	(tag) =	ssettag $0x0;
	lr =	simm.s32 $0x1  }
0x2: {  	[smem:$0x3F9F] =	sst lr;
	_ =	strace $0xD0000000  }
0x3: {  	_ = 	snop  }
0x4: {  	_ = 	snop  }
0x5: {  	_ = 	snop  }
0x6: {  	_ = 	snop  }
0x7: {  	_ = 	snop  }
__scs_overlays_trampoline_lowered:
0x8: {  	[smem:$0x3FAE] =	sst s0  }
0x9: {  	[smem:$0x3FAF] =	sst s1  }
0xa: {  	[smem:$0x3FB0] =	sst s2  }
0xb: {  	[smem:$0x3FB1] =	sst s3  }
0xc: {  	[smem:$0x3FB2] =	sst s4  }
0xd: {  	[smem:$0x3FB3] =	sst s5  }
0xe: {  	[smem:$0x3FB4] =	sst s6  }
0xf: {  	[smem:$0x3FB5] =	sst s7  }
0x10: {  	[smem:$0x3FB6] =	sst s8  }
0x11: {  	[smem:$0x3FB7] =	sst s9;
	s0 =	simm.s32 @!p0 $0x0  }
0x12: {  	s1 =	sld [smem:$0x3F9D];
	s0 =	simm.s32 @p0 $0x1  }
0x13: {  	[smem:$0x3FB8] =	sst s0;
	s0 =	simm.s32 @!p1 $0x0  }
0x14: {  	s2 =	sld [smem:$0x3F9C];
	s0 =	simm.s32 @p1 $0x1  }
0x15: {  	[smem:$0x3FB9] =	sst s0;
	s0 =	simm.s32 @!p2 $0x0  }
0x16: {  	s3 =	sld [smem:$0x3FDB];
	s0 =	simm.s32 @p2 $0x1  }
0x17: {  	s4 =	simm.s32 $0x1BF5;
	[smem:$0x3FBB] =	sst s0  }
0x18: {  	s0 =	sld [smem:$0x3F9E];
	_ =	swait.ge [sflag:s4], $0x0  }
0x19: {  	s7 =	sld [smem:$0x3F9F]  }
0x1a: {  	s8 =	sadd.s32 $0xFFFFE003, lr  }
0x1b: {  	s9 =	sadd.s32 $0xFFFFFEF7, lr;
	s5 =	simm.s32 $0xFFFFFFFF;
	p2 =	slt.u32 s8, $0xFFFFF086  }
0x1c: {  	p1 =	slt.u32 s9, $0xF7A;
	s5 =	simm.s32 @!p2 $0x0  }
0x1d: {  	s5 =	simm.s32 @p1 $0x1;
	p0 =	seq.s32 s7, s2  }
0x1e: {  	s7 =	smul.u32 @!p0 $0xF7A, s2;
	p2 =	seq.s32 @!p0 s5, $0x0  }
0x1f: {  	s9 =	smul.u32 $0xF7A, s1;
	s8 =	simm.s32 @!p0 $0x1BF5;
	p2 =	por !p2, p0  }
0x20: {  	[sflag:s8] =	ssyncset.s32 @!p0 $0xFFFFF086;
	s6 =	sadd.s32 @!p0 s3, s7;
	s7 =	simm.s32 @!p0 $0x108  }
0x21: {  	s3 =	sadd.s32 s3, s9;
	s6 =	sadd.s32 @!p0 $0x88, s6;
	s7 =	simm.s32 @p2 $0x1082  }
0x22: {  	[simem:s7], [sflag:s8] =	dma.local @!p0 [hbm:s6], $0xF7A  }
0x23: {  	s9 =	sor.u32 $0xD0000000, s2;
	s6 =	simm.s32 $0x108;
	_ =	swait.ge @!p0 [sflag:s8], $0x0  }
0x24: {  	s3 =	sadd.s32 $0x88, s3;
	s6 =	simm.s32 @!p1 $0x1082;
	[sflag:s4] =	ssyncset.s32 $0xFFFFF086  }
0x25: {  	[simem:s6], [sflag:s4] =	dma.local [hbm:s3], $0xF7A  }
0x26: {  	[smem:$0x3F9F] =	sst s1;
	(tag) =	ssettag s2;
	_ =	strace s9  }
0x27: {  	s1 =	sld [smem:$0x3FAF]  }
0x28: {  	s2 =	sld [smem:$0x3FB0]  }
0x29: {  	s4 =	sld [smem:$0x3FB2]  }
0x2a: {  	p0 =	seq.s32 s5, $0x0;
	s5 =	sld [smem:$0x3FB3]  }
0x2b: {  	s6 =	sld [smem:$0x3FB4]  }
0x2c: {  	s7 =	sld [smem:$0x3FB5]  }
0x2d: {  	s3 =	simm.s32 $0x108;
	s8 =	sld [smem:$0x3FB6]  }
0x2e: {  	s3 =	simm.s32 @!p0 $0x1082;
	s9 =	sld [smem:$0x3FB7]  }
0x2f: {  	lr =	sadd.s32 s0, s3;
	s0 =	sld [smem:$0x3FAE]  }
0x30: {  	s3 =	sld [smem:$0x3FB1]  }
0x31: {  	[smem:$0x3FBA] =	sst s10  }
0x32: {  	s10 =	sld [smem:$0x3FB8];
	_ =	sdelay $0x3  }
0x33: {  	p0 =	seq.s32 s10, $0x1;
	s10 =	sld [smem:$0x3FBA];
	_ =	sdelay $0x3  }
0x34: {  	[smem:$0x3FBA] =	sst s10  }
0x35: {  	s10 =	sld [smem:$0x3FB9];
	_ =	sdelay $0x3  }
0x36: {  	p1 =	seq.s32 s10, $0x1;
	s10 =	sld [smem:$0x3FBA];
	_ =	sdelay $0x3  }
0x37: {  	[smem:$0x3FBA] =	sst s10  }
0x38: {  	s10 =	sld [smem:$0x3FBB]  }
0x39: {  	_ = 	snop;
	(pc) =	sbr.ind lr, $3  }
0x3a: {  	_ = 	snop  }
0x3b: {  	_ = 	snop  }
0x3c: {  	p2 =	seq.s32 s10, $0x1;
	s10 =	sld [smem:$0x3FBA]  }
0x3d: {  	_ =	shalt  }
0x3e: {  	_ =	shalt  }
0x3f: {  	_ =	shalt  }
0x40: {  	_ =	shalt  }
0x41: {  	_ =	shalt  }
0x42: {  	_ =	shalt  }
0x43: {  	_ =	shalt  }
0x44: {  	_ =	shalt  }
0x45: {  	_ =	shalt  }
0x46: {  	_ =	shalt  }
0x47: {  	_ =	shalt  }
0x48: {  	_ =	shalt  }
0x49: {  	_ =	shalt  }
0x4a: {  	_ =	shalt  }
0x4b: {  	_ =	shalt  }
0x4c: {  	_ =	shalt  }
0x4d: {  	_ =	shalt  }
0x4e: {  	_ =	shalt  }
0x4f: {  	_ =	shalt  }
0x50: {  	_ =	shalt  }
0x51: {  	_ =	shalt  }
0x52: {  	_ =	shalt  }
0x53: {  	_ =	shalt  }
0x54: {  	_ =	shalt  }
0x55: {  	_ =	shalt  }
0x56: {  	_ =	shalt  }
0x57: {  	_ =	shalt  }
0x58: {  	_ =	shalt  }
0x59: {  	_ =	shalt  }
0x5a: {  	_ =	shalt  }
0x5b: {  	_ =	shalt  }
0x5c: {  	_ =	shalt  }
0x5d: {  	_ =	shalt  }
0x5e: {  	_ =	shalt  }
0x5f: {  	_ =	shalt  }
0x60: {  	_ =	shalt  }
0x61: {  	_ =	shalt  }
0x62: {  	_ =	shalt  }
0x63: {  	_ =	shalt  }
0x64: {  	_ =	shalt  }
0x65: {  	_ =	shalt  }
0x66: {  	_ =	shalt  }
0x67: {  	_ =	shalt  }
0x68: {  	_ =	shalt  }
0x69: {  	_ =	shalt  }
0x6a: {  	_ =	shalt  }
0x6b: {  	_ =	shalt  }
0x6c: {  	_ =	shalt  }
0x6d: {  	_ =	shalt  }
0x6e: {  	_ =	shalt  }
0x6f: {  	_ =	shalt  }
0x70: {  	_ =	shalt  }
0x71: {  	_ =	shalt  }
0x72: {  	_ =	shalt  }
0x73: {  	_ =	shalt  }
0x74: {  	_ =	shalt  }
0x75: {  	_ =	shalt  }
0x76: {  	_ =	shalt  }
0x77: {  	_ =	shalt  }
0x78: {  	_ =	shalt  }
0x79: {  	_ =	shalt  }
0x7a: {  	_ =	shalt  }
0x7b: {  	_ =	shalt  }
0x7c: {  	_ =	shalt  }
0x7d: {  	_ =	shalt  }
0x7e: {  	_ =	shalt  }
0x7f: {  	_ =	shalt  }
0x80: {  	_ =	shalt  }
0x81: {  	_ =	shalt  }
0x82: {  	_ =	shalt  }
0x83: {  	_ =	shalt  }
0x84: {  	_ =	shalt  }
0x85: {  	_ =	shalt  }
0x86: {  	_ =	shalt  }
0x87: {  	_ =	shalt  }
.Lfunc_end0:
.L_simem_size_0:
called_computation_lowered:
.L_overlay_start_0:
0x88: {  	s2 =	sld [smem:$0x3FD9]  }
0x89: {  	s3 =	sld [smem:$0x3FFE];
	_ =	sdelay $0x1  }
0x8a: {  	s1 =	srdreg.scid  }
0x8b: {  	s0 =	sand.u32 $0x1, s1  }
0x8c: {  	s18 =	sshll.u32 s0, $0xA;
	s2 =	sadd.s32 s3, s2  }
0x8d: {  	s2 =	sadd.s32 s2, s18  }
0x8e: {  	[smem:$0x3FC6] =	sst s2  }
0x8f: {  	_ = 	snop  }
0x90: {  	s2 =	sld [smem:$0x3FC8]  }
0x91: {  	s19 =	sld [smem:$0x3FD0];
	(tm) =	ssettm $0x1  }
0x92: {  	s4 =	sld [smem:$0x3FFB];
	_ =	sdelay $0x3  }
0x93: {  	_ =	strace s4  }
0x94: {  	s4 =	sld [smem:$0x3FFC];
	_ =	sdelay $0x3  }
0x95: {  	_ =	strace s4  }
0x96: {  	s4 =	sld [smem:$0x3FFD];
	_ =	sdelay $0x3  }
0x97: {  	_ =	strace s4  }
0x98: {  	_ =	strace $0x8FFFFFFF  }
0x99: {  	s20 =	sld [smem:$0x3FDB];
	_ =	sdelay $0x1  }
0x9a: {  	s5 =	simm.s32 $_scs_section_size  }
0x9b: {  	s6 =	simm.s32 $_size__tile_overlayer_lowered;
	s7 =	simm.s32 $_tile_overlayer_lowered  }
0x9c: {  	s23 =	simm.s32 $0x1BFF;
	s22 =	sshll.u32 s7, $0x1;
	s4 =	sadd.s32 s5, s20  }
0x9d: {  	s8 =	simm.s32 $0x0;
	s21 =	sshll.u32 s6, $0x1;
	s6 =	sadd.s32 s22, s4  }
0x9e: {  	[timem:s8], [sflag:s23] =	dma.local [hbm:s6], s21  }
0x9f: {  	_ =	swait.ge [sflag:s23], s21  }
0xa0: {  	s5 =	ssub.s32 $0x0, s21;
	[sflag:s23] =	ssyncset.done $0x0  }
0xa1: {  	[sflag:s23] =	ssyncadd.s32 s5;
	_ =	sdelay $0x1  }
0xa2: {  	s24 =	simm.s32 $0x1B8B  }
0xa3: {  	_ =	swait.ge [sflag:s24], $0x1  }
0xa4: {  	[sflag:s24] =	ssyncset.done $0x0  }
0xa5: {  	s25 =	simm.s32 $0x1B8E;
	[sflag:s24] =	ssyncadd.s32 $0xFFFFFFFF  }
0xa6: {  	s26 =	simm.s32 $execute0_lowered;
	[smem:$0x3FD2] =	sst s25  }
0xa7: {  	s5 =	sshll.u32 s26, $0x1;
	_ =	strace $0x80000046;
	[dreg:$0x1] =	wrdreg $0xFFFFFFFF  }
0xa8: {  	s28 =	simm.s32 $_size_execute0_lowered;
	s4 =	sadd.s32 s4, s5;
	[dreg:$0x0] =	wrdreg $0x0  }
0xa9: {  	s5 =	sshll.u32 s28, $0x1;
	[dreg:$0x2] =	wrdreg s4  }
0xaa: {  	[dreg:$0x3] =	wrdreg s5  }
0xab: {  	[dreg:$0x4] =	wrdreg $0xC0  }
0xac: {  	_ =	task [dreg:s8], $0x5FFFF  }
0xad: {  	[dreg:$0x1] =	wrdreg $0xFFFFFFFF  }
0xae: {  	[dreg:$0x0] =	wrdreg $0x60  }
0xaf: {  	[dreg:$0x2] =	wrdreg s2  }
0xb0: {  	[dreg:$0x3] =	wrdreg s19  }
0xb1: {  	[dreg:$0x4] =	wrdreg $0x0  }
0xb2: {  	[dreg:$0x5] =	wrdreg $0x9  }
0xb3: {  	_ =	task.clear_ibuf [dreg:s8], $0x6FFFF;
	_ =	strace $0x90000046  }
0xb4: {  	s29 =	simm.s32 $0x9;
	_ =	strace $0x80000048  }
0xb5: {  	_ =	swait.ge [sflag:s29], $0x1  }
0xb6: {  	[sflag:s29] =	ssyncadd.s32 $0xFFFFFFFF  }
0xb7: {  	_ =	strace $0x90000048  }
0xb8: {  	_ =	sfence  }
0xb9: {  	s30 =	sld [smem:$0x0];
	_ =	sdelay $0x2  }
0xba: {  	s31 =	sshll.u32 s1, $0xD;
	s1 =	sshrl.u32 s1, $0x2  }
0xbb: {  	s3 =	sand.u32 $0x4000, s31;
	s1 =	sadd.s32 s1, s30  }
0xbc: {  	s0 =	sor.u32 s3, s0;
	s1 =	sshll.u32 s1, $0x11  }
0xbd: {  	s0 =	sor.u32 s1, s0  }
0xbe: {  	s0 =	sadd.s32 $0x8F2B, s0  }
0xbf: {  	[sflag:s0] =	ssyncadd.remote.s32 $0x1  }
0xc0: {  	_ =	sfence.sel $0xFFFF  }
0xc1: {  	[dreg:$0x0] =	wrdreg $0xFFFFFFFF;
	(pc) =	sbr.abs _section_cstart, $3  }
0xc2: {  	[dreg:$0x1] =	wrdreg $0xFFFFFFFF  }
0xc3: {  	_ =	task.clear_ibuf [dreg:s8], $0x2FFFF;
	_ =	strace $0x9FFFFFFF  }
0xc4: {  	(tm) =	ssettm $0x7FFFFFFF  }
0xc5: {  	_ =	shalt  }
tec
execute0_lowered:
.L_overlay_start_1:
0x0: {  	(tag) =	ssettag $0x1  }
0x1: {  	s0 =	rddreg [dreg:$0x0]  }
0x2: {  	s1 =	rddreg [dreg:$0x1]  }
0x3: {  	s2 =	rddreg [dreg:$0x2];
	s8 =	stileid.u32  }
0x4: {  	s3 =	simm.s32 $0x0;
	s4 =	srdreg.scid;
	s5 =	smul.u32 $0x29000, s8  }
0x5: {  	s28 =	simm.s32 $0xA400;
	s29 =	simm.s32 $0xA480;
	s12 =	smul.u32 $0x2710, s8  }
0x6: {  	s30 =	simm.s32 $0x1;
	s31 =	simm.s32 $0x2;
	s13 =	smul.u32 $0x140, s8  }
0x7: {  	[smem:$0x7FF] =	sst s3;
	s4 =	sand.u32 $0x1, s4;
	s14 =	smul.u32 $0x28000, s8  }
0x8: {  	s26 =	smul.u32 $0x4E2, s8;
	_ =	strace $0x80000047;
	s6 =	ssub.s32 $0x2, s4  }
0x9: {  	s4 =	smul.u32 $0x1400, s4;
	s7 =	sshrl.u32 s6, $0x1;
	s5 =	sshrl.u32 s5, $0x2  }
0xa: {  	s12 =	sshrl.u32 s12, $0x3;
	s14 =	sshrl.u32 s14, $0x2;
	s5 =	sadd.s32 s5, s2  }
0xb: {  	s6 =	ssub.s32 s6, s7;
	s11 =	sadd.s32 $0x1400, s4;
	s21 =	sadd.s32 $0x2000, s5  }
0xc: {  	s13 =	sadd.s32 s13, s4;
	s22 =	sadd.s32 $0x4000, s5;
	[dreg:$0x4] =	wrdreg s21  }
0xd: {  	s12 =	sadd.s32 s0, s12;
	s23 =	sadd.s32 $0x6000, s5;
	[dreg:$0x5] =	wrdreg s22  }
0xe: {  	s24 =	sadd.s32 $0x8000, s5;
	s25 =	sadd.s32 $0xA000, s5;
	[dreg:$0x6] =	wrdreg s23  }
0xf: {  	s15 =	sshll.u32 s13, $0x4;
	s13 =	sadd.s32 s14, s2;
	[dreg:$0x7] =	wrdreg s24  }
0x10: {  	[dreg:$0x8] =	wrdreg s25;
	s14 =	sadd.s32 s1, s15;
	s15 =	sadd.s32 $0x2000, s13  }
0x11: {  	s17 =	sadd.s32 $0x4000, s13;
	s19 =	sadd.s32 $0x6000, s13;
	s21 =	sadd.s32 $0x8000, s13  }
0x12: {  	s23 =	smax.u32 s6, $0x1;
	s24 =	sadd.s32 s26, s0;
	s25 =	simm.s32 $0xCD80  }
0x13: {  	s26 =	simm.s32 $0x3;
	s0 =	simm.s32 $0x0;
	s16 =	sadd.s32 $0x400, s14  }
0x14: {  	v1 =	vimm.f32 $1.000000000e+00;
	v2 =	vimm.f32 $0.0e+00;
	v0 =	vmov s4;
	s18 =	sadd.s32 $0x800, s14;
	s20 =	sadd.s32 $0xC00, s14;
	s22 =	sadd.s32 $0x1000, s14  }
.LBB2_1:
0x15: {  	s1 =	simm.s32 $0x70;
	s6 =	simm.s32 $0x3C0  }
.LBB2_2:
0x16: {  	p0 =	sne.s32 s6, $0x9FC0;
	[tilespmem:s1+$0xA580] =	vst v1  }
0x17: {  	[tilespmem:s1+$0xA510] =	vst v1  }
0x18: {  	[tilespmem:s1+$0xA520] =	vst v1  }
.Ltmp0:
0x19: {  	[tilespmem:s1+$0xA530] =	vst v1;
	(pc) =	sbr.rel @p0 .LBB2_2-.Ltmp0, $4  }
0x1a: {  	[tilespmem:s1+$0xA540] =	vst v1  }
0x1b: {  	[tilespmem:s1+$0xA550] =	vst v1  }
0x1c: {  	[tilespmem:s1+$0xA560] =	vst v1  }
0x1d: {  	[tilespmem:s1+$0xA570] =	vst v1;
	s1 =	sshra.s32 s6, $0x2;
	s6 =	sadd.s32 $0x200, s6  }
0x1e: {  	[tilespmem:s1+$0xA580] =	vst v1  }
0x1f: {  	[tilespmem:s1+$0xA510] =	vst v1  }
0x20: {  	[tilespmem:s1+$0xA520] =	vst v1  }
0x21: {  	[tilespmem:s1+$0xA530] =	vst v1  }
0x22: {  	[tilespmem:s1+$0xA540] =	vst v1  }
0x23: {  	[tilespmem:s1+$0xA550] =	vst v1  }
0x24: {  	[tilespmem:s1+$0xA560] =	vst v1  }
0x25: {  	[tilespmem:s1+$0xA570] =	vst v1;
	s1 =	simm.s32 $0x0;
	s6 =	simm.s32 $0x200  }
.LBB2_4:
0x26: {  	p0 =	sne.s32 s6, $0x7E00;
	[tilespmem:s1+$0xCDF0] =	vst v2  }
0x27: {  	[tilespmem:s1+$0xCD80] =	vst v2  }
0x28: {  	[tilespmem:s1+$0xCD90] =	vst v2  }
.Ltmp1:
0x29: {  	[tilespmem:s1+$0xCDA0] =	vst v2;
	(pc) =	sbr.rel @p0 .LBB2_4-.Ltmp1, $4  }
0x2a: {  	[tilespmem:s1+$0xCDB0] =	vst v2  }
0x2b: {  	[tilespmem:s1+$0xCDC0] =	vst v2  }
0x2c: {  	[tilespmem:s1+$0xCDD0] =	vst v2  }
0x2d: {  	[tilespmem:s1+$0xCDE0] =	vst v2;
	s1 =	sshra.s32 s6, $0x2;
	s6 =	sadd.s32 $0x200, s6  }
0x2e: {  	[tilespmem:s1+$0xCDF0] =	vst v2  }
0x2f: {  	[tilespmem:s1+$0xCD80] =	vst v2  }
0x30: {  	[tilespmem:s1+$0xCD90] =	vst v2  }
0x31: {  	[tilespmem:s1+$0xCDA0] =	vst v2  }
0x32: {  	[tilespmem:s1+$0xCDB0] =	vst v2  }
0x33: {  	[tilespmem:s1+$0xCDC0] =	vst v2  }
0x34: {  	[tilespmem:s1+$0xCDD0] =	vst v2  }
0x35: {  	[tilespmem:s1+$0xCDE0] =	vst v2  }
0x36: {  	[spmem:s5] =	stream.linear.scatter [tilespmem:s25], [sflag:$0x3], $0x2000, $0x38;
	[tilespmem:$0xED80] =	vst v63  }
0x37: {  	_ =	swait.ge [sflag:s26], $0x2000  }
0x38: {  	[sflag:s26] =	ssyncset.done $0x0  }
0x39: {  	s10 =	rddreg [dreg:$0x4];
	[sflag:s26] =	ssyncadd.s32 $0xFFFFE000  }
0x3a: {  	[spmem:s10] =	stream.linear.scatter [tilespmem:s25], [sflag:$0x3], $0x2000, $0x38;
	[tilespmem:$0xED80] =	vst v63  }
0x3b: {  	_ =	swait.ge [sflag:s26], $0x2000  }
0x3c: {  	[sflag:s26] =	ssyncset.done $0x0  }
0x3d: {  	s6 =	rddreg [dreg:$0x5];
	[sflag:s26] =	ssyncadd.s32 $0xFFFFE000  }
0x3e: {  	[spmem:s6] =	stream.linear.scatter [tilespmem:s25], [sflag:$0x3], $0x2000, $0x38;
	[tilespmem:$0xED80] =	vst v63  }
0x3f: {  	_ =	swait.ge [sflag:s26], $0x2000  }
0x40: {  	[sflag:s26] =	ssyncset.done $0x0  }
0x41: {  	s7 =	rddreg [dreg:$0x6];
	[sflag:s26] =	ssyncadd.s32 $0xFFFFE000  }
0x42: {  	[spmem:s7] =	stream.linear.scatter [tilespmem:s25], [sflag:$0x3], $0x2000, $0x38;
	[tilespmem:$0xED80] =	vst v63  }
0x43: {  	_ =	swait.ge [sflag:s26], $0x2000  }
0x44: {  	[sflag:s26] =	ssyncset.done $0x0  }
0x45: {  	s8 =	rddreg [dreg:$0x7];
	[sflag:s26] =	ssyncadd.s32 $0xFFFFE000  }
0x46: {  	[spmem:s8] =	stream.linear.scatter [tilespmem:s25], [sflag:$0x3], $0x2000, $0x38;
	[tilespmem:$0xED80] =	vst v63  }
0x47: {  	_ =	swait.ge [sflag:s26], $0x2000  }
0x48: {  	[sflag:s26] =	ssyncset.done $0x0  }
0x49: {  	s9 =	rddreg [dreg:$0x8];
	[sflag:s26] =	ssyncadd.s32 $0xFFFFE000  }
0x4a: {  	[spmem:s9] =	stream.linear.scatter [tilespmem:s25], [sflag:$0x3], $0x400, $0x38;
	[tilespmem:$0xED80] =	vst v63  }
0x4b: {  	_ =	swait.ge [sflag:s26], $0x400  }
0x4c: {  	[sflag:s26] =	ssyncset.done $0x0  }
0x4d: {  	[sflag:s26] =	ssyncadd.s32 $0xFFFFFC00  }
0x4e: {  	s10 =	sadd.s32 $0xFFFFFB28, s24;
	[bflag:$0x0] =	sbarrier.arrive $0xFFFF  }
0x4f: {  	[tilespmem:s28], [sflag:$0x1] =	stream.linear.gather [hbm4b:s12+s3], $0x50, $0x38;
	[tilespmem:$0xED80] =	vst v63  }
0x50: {  	s6 =	sadd.s32 $0x4E2, s10  }
0x51: {  	[tilespmem:s29], [sflag:$0x2] =	stream.linear.gather [hbm4b:s6+s3], $0x50, $0x38;
	[tilespmem:$0xED80] =	vst v63  }
0x52: {  	_ =	swait.ge [sflag:s30], $0x50  }
0x53: {  	[sflag:s30] =	ssyncset.done $0x0  }
0x54: {  	[sflag:s30] =	ssyncadd.s32 $0xFFFFFFB0  }
0x55: {  	v3 =	vld [tilespmem:$0xA400]  }
0x56: {  	v4 =	vld [tilespmem:$0xA440];
	_ =	sdelay $0x3  }
0x57: {  	(v2sf) =	vpush v3, $0x0  }
0x58: {  	(v2sf) =	vpush v4, $0xF;
	_ =	sdelay $0xd  }
0x59: {  	s9 =	spop (v2sf)  }
0x5a: {  	p0 =	sge.s32 s9, s11;
	s6 =	spop (v2sf)  }
0x5b: {  	p1 =	slt.s32 @!p0 s6, s4  }
0x5c: {  	p0 =	por p1, p0  }
0x5d: {  	v4 =	vld @!p0 [tilespmem:$0xA440]  }
0x5e: {  	v5 =	vld @!p0 [tilespmem:$0xA420]  }
0x5f: {  	v6 =	vld @!p0 [tilespmem:$0xA430]  }
0x60: {  	v7 =	vld @!p0 [tilespmem:$0xA410]  }
0x61: {  	v3 =	vsub.s32 @!p0 v3, v0  }
0x62: {  	v3 =	vmin.u32 @!p0 v3, $0x1400;
	v4 =	vsub.s32 @!p0 v4, v0  }
0x63: {  	[tilespmem:$0xA500] =	vst @!p0 v3;
	v3 =	vsub.s32 @!p0 v5, v0;
	v4 =	vmin.u32 @!p0 v4, $0x1400  }
0x64: {  	v5 =	vsub.s32 @!p0 v6, v0;
	v3 =	vmin.u32 @!p0 v3, $0x1400;
	[tilespmem:$0xA540] =	vst @!p0 v4  }
0x65: {  	v4 =	vsub.s32 @!p0 v7, v0;
	[tilespmem:$0xA520] =	vst @!p0 v3;
	v3 =	vmin.u32 @!p0 v5, $0x1400  }
0x66: {  	s6 =	simm.s32 @!p0 $0x4;
	v4 =	vmin.u32 @!p0 v4, $0x1400;
	[tilespmem:$0xA530] =	vst @!p0 v3  }
0x67: {  	s7 =	simm.s32 @!p0 $0x50;
	s8 =	simm.s32 @!p0 $0xA500;
	s9 =	simm.s32 @!p0 $0xA580;
	[tilespmem:$0xA510] =	vst @!p0 v4  }
0x68: {  	[spmem:s2] =	stream.indirect.scatter.add.f32 @!p0 [tilespmem:s9], [sflag:$0x4], $0x80, s8, s7, $0xb8;
	[tilespmem:$0xED80] =	vst v63  }
0x69: {  	_ =	swait.ge @!p0 [sflag:s6], $0x2800  }
0x6a: {  	[sflag:s6] =	ssyncset.done @!p0 $0x0  }
0x6b: {  	s1 =	sadd.s32 $0x4EC, s10;
	[sflag:s6] =	ssyncadd.s32 @!p0 $0xFFFFD800  }
0x6c: {  	[tilespmem:s28], [sflag:$0x1] =	stream.linear.gather [hbm4b:s1+s3], $0x50, $0x38;
	[tilespmem:$0xED80] =	vst v63  }
0x6d: {  	_ =	swait.ge [sflag:s31], $0x50  }
0x6e: {  	[sflag:s31] =	ssyncset.done $0x0  }
0x6f: {  	[sflag:s31] =	ssyncadd.s32 $0xFFFFFFB0  }
0x70: {  	v3 =	vld [tilespmem:$0xA480]  }
0x71: {  	v4 =	vld [tilespmem:$0xA4C0];
	_ =	sdelay $0x3  }
0x72: {  	(v2sf) =	vpush v3, $0x0  }
0x73: {  	(v2sf) =	vpush v4, $0xF;
	_ =	sdelay $0xd  }
0x74: {  	s10 =	spop (v2sf)  }
0x75: {  	p0 =	sge.s32 s10, s11;
	s1 =	spop (v2sf)  }
0x76: {  	p1 =	slt.s32 @!p0 s1, s4  }
0x77: {  	p1 =	por p1, p0  }
0x78: {  	v4 =	vld @!p1 [tilespmem:$0xA4C0]  }
0x79: {  	v3 =	vsub.s32 @!p1 v3, v0;
	v6 =	vld @!p1 [tilespmem:$0xA490]  }
0x7a: {  	v5 =	vld @!p1 [tilespmem:$0xA4B0];
	v3 =	vmin.u32 @!p1 v3, $0x1400  }
0x7b: {  	s1 =	simm.s32 $0xFFFFFB3C;
	[tilespmem:$0xA500] =	vst @!p1 v3;
	v3 =	vld @!p1 [tilespmem:$0xA4A0]  }
.LBB2_6:
0x7c: {  	s6 =	smov.u32 s1;
	s1 =	sadd.s32 $0x14, s1  }
0x7d: {  	p0 =	sne.s32 s1, $0x0;
	v4 =	vsub.s32 @!p1 v4, v0  }
0x7e: {  	v6 =	vsub.s32 @!p1 v6, v0;
	v4 =	vmin.u32 @!p1 v4, $0x1400  }
0x7f: {  	v6 =	vmin.u32 @!p1 v6, $0x1400;
	v5 =	vsub.s32 @!p1 v5, v0;
	[tilespmem:$0xA540] =	vst @!p1 v4  }
0x80: {  	[tilespmem:$0xA510] =	vst @!p1 v6;
	v3 =	vsub.s32 @!p1 v3, v0;
	v4 =	vmin.u32 @!p1 v5, $0x1400  }
0x81: {  	s7 =	simm.s32 @!p1 $0x50;
	s8 =	simm.s32 @!p1 $0xA500;
	s9 =	simm.s32 @!p1 $0xA580;
	v3 =	vmin.u32 @!p1 v3, $0x1400;
	[tilespmem:$0xA530] =	vst @!p1 v4  }
0x82: {  	s10 =	simm.s32 @!p1 $0x3;
	[tilespmem:$0xA520] =	vst @!p1 v3  }
0x83: {  	[spmem:s2] =	stream.indirect.scatter.add.f32 @!p1 [tilespmem:s9], [sflag:$0x3], $0x80, s8, s7, $0xb8;
	[tilespmem:$0xED80] =	vst v63  }
0x84: {  	_ =	swait.ge @!p1 [sflag:s10], $0x2800  }
0x85: {  	s6 =	sadd.s32 s6, s24;
	[sflag:s10] =	ssyncset.done @!p1 $0x0  }
0x86: {  	s7 =	sadd.s32 $0x4E2, s6;
	[sflag:s10] =	ssyncadd.s32 @!p1 $0xFFFFD800  }
0x87: {  	[tilespmem:s29], [sflag:$0x2] =	stream.linear.gather [hbm4b:s7+s3], $0x50, $0x38;
	[tilespmem:$0xED80] =	vst v63  }
0x88: {  	_ =	swait.ge [sflag:s30], $0x50  }
0x89: {  	[sflag:s30] =	ssyncset.done $0x0  }
0x8a: {  	[sflag:s30] =	ssyncadd.s32 $0xFFFFFFB0  }
0x8b: {  	v3 =	vld [tilespmem:$0xA400]  }
0x8c: {  	v4 =	vld [tilespmem:$0xA440];
	_ =	sdelay $0x3  }
0x8d: {  	(v2sf) =	vpush v3, $0x0  }
0x8e: {  	(v2sf) =	vpush v4, $0xF;
	_ =	sdelay $0xd  }
0x8f: {  	s7 =	spop (v2sf)  }
0x90: {  	p1 =	sge.s32 s7, s11;
	s7 =	spop (v2sf)  }
0x91: {  	p2 =	slt.s32 @!p1 s7, s4  }
0x92: {  	p1 =	por p2, p1  }
0x93: {  	v3 =	vsub.s32 @!p1 v3, v0;
	v4 =	vld @!p1 [tilespmem:$0xA440]  }
0x94: {  	v3 =	vmin.u32 @!p1 v3, $0x1400;
	v5 =	vld @!p1 [tilespmem:$0xA420]  }
0x95: {  	[tilespmem:$0xA500] =	vst @!p1 v3;
	v3 =	vld @!p1 [tilespmem:$0xA430]  }
0x96: {  	v6 =	vld @!p1 [tilespmem:$0xA410];
	_ =	sdelay $0x1  }
0x97: {  	v4 =	vsub.s32 @!p1 v4, v0  }
0x98: {  	v5 =	vsub.s32 @!p1 v5, v0;
	v4 =	vmin.u32 @!p1 v4, $0x1400  }
0x99: {  	v5 =	vmin.u32 @!p1 v5, $0x1400;
	v3 =	vsub.s32 @!p1 v3, v0;
	[tilespmem:$0xA540] =	vst @!p1 v4  }
0x9a: {  	v4 =	vsub.s32 @!p1 v6, v0;
	[tilespmem:$0xA520] =	vst @!p1 v5;
	v3 =	vmin.u32 @!p1 v3, $0x1400  }
0x9b: {  	s7 =	simm.s32 @!p1 $0x4;
	v4 =	vmin.u32 @!p1 v4, $0x1400;
	[tilespmem:$0xA530] =	vst @!p1 v3  }
0x9c: {  	s8 =	simm.s32 @!p1 $0x50;
	s9 =	simm.s32 @!p1 $0xA500;
	s10 =	simm.s32 @!p1 $0xA580;
	[tilespmem:$0xA510] =	vst @!p1 v4  }
0x9d: {  	[spmem:s2] =	stream.indirect.scatter.add.f32 @!p1 [tilespmem:s10], [sflag:$0x4], $0x80, s9, s8, $0xb8;
	[tilespmem:$0xED80] =	vst v63  }
0x9e: {  	_ =	swait.ge @!p1 [sflag:s7], $0x2800  }
0x9f: {  	[sflag:s7] =	ssyncset.done @!p1 $0x0  }
0xa0: {  	s6 =	sadd.s32 $0x4EC, s6;
	[sflag:s7] =	ssyncadd.s32 @!p1 $0xFFFFD800  }
0xa1: {  	[tilespmem:s28], [sflag:$0x1] =	stream.linear.gather [hbm4b:s6+s3], $0x50, $0x38;
	[tilespmem:$0xED80] =	vst v63  }
0xa2: {  	_ =	swait.ge [sflag:s31], $0x50  }
0xa3: {  	[sflag:s31] =	ssyncset.done $0x0  }
0xa4: {  	[sflag:s31] =	ssyncadd.s32 $0xFFFFFFB0  }
0xa5: {  	v3 =	vld [tilespmem:$0xA480]  }
0xa6: {  	v4 =	vld [tilespmem:$0xA4C0];
	_ =	sdelay $0x3  }
0xa7: {  	(v2sf) =	vpush v3, $0x0  }
0xa8: {  	(v2sf) =	vpush v4, $0xF;
	_ =	sdelay $0xd  }
0xa9: {  	s6 =	spop (v2sf)  }
0xaa: {  	p1 =	sge.s32 s6, s11;
	s6 =	spop (v2sf)  }
0xab: {  	p2 =	slt.s32 @!p1 s6, s4  }
.Ltmp2:
0xac: {  	p1 =	por p2, p1;
	(pc) =	sbr.rel @p0 .LBB2_6-.Ltmp2, $4  }
0xad: {  	v3 =	vsub.s32 @!p1 v3, v0;
	v4 =	vld @!p1 [tilespmem:$0xA4C0]  }
0xae: {  	v3 =	vmin.u32 @!p1 v3, $0x1400;
	v6 =	vld @!p1 [tilespmem:$0xA490]  }
0xaf: {  	[tilespmem:$0xA500] =	vst @!p1 v3;
	v5 =	vld @!p1 [tilespmem:$0xA4B0]  }
0xb0: {  	v3 =	vld @!p1 [tilespmem:$0xA4A0]  }
0xb1: {  	_ = 	snop  }
0xb2: {  	v4 =	vsub.s32 @!p1 v4, v0  }
0xb3: {  	v6 =	vsub.s32 @!p1 v6, v0;
	v4 =	vmin.u32 @!p1 v4, $0x1400  }
0xb4: {  	v6 =	vmin.u32 @!p1 v6, $0x1400;
	v5 =	vsub.s32 @!p1 v5, v0;
	[tilespmem:$0xA540] =	vst @!p1 v4  }
0xb5: {  	[tilespmem:$0xA510] =	vst @!p1 v6;
	v3 =	vsub.s32 @!p1 v3, v0;
	v4 =	vmin.u32 @!p1 v5, $0x1400  }
0xb6: {  	s1 =	simm.s32 @!p1 $0x50;
	v3 =	vmin.u32 @!p1 v3, $0x1400;
	[tilespmem:$0xA530] =	vst @!p1 v4  }
0xb7: {  	s6 =	simm.s32 @!p1 $0xA500;
	s7 =	simm.s32 @!p1 $0xA580;
	s8 =	simm.s32 @!p1 $0x3;
	[tilespmem:$0xA520] =	vst @!p1 v3  }
0xb8: {  	[spmem:s2] =	stream.indirect.scatter.add.f32 @!p1 [tilespmem:s7], [sflag:$0x3], $0x80, s6, s1, $0xb8;
	[tilespmem:$0xED80] =	vst v63  }
0xb9: {  	_ =	swait.ge @!p1 [sflag:s8], $0x2800  }
0xba: {  	[sflag:s8] =	ssyncset.done @!p1 $0x0  }
0xbb: {  	[sflag:s8] =	ssyncadd.s32 @!p1 $0xFFFFD800  }
0xbc: {  	_ =	swait.ge [sflag:s30], $0x50  }
0xbd: {  	[sflag:s30] =	ssyncset.done $0x0  }
0xbe: {  	[sflag:s30] =	ssyncadd.s32 $0xFFFFFFB0  }
0xbf: {  	v3 =	vld [tilespmem:$0xA400]  }
0xc0: {  	v63 =	vld [tilespmem:$0xA440];
	_ =	sdelay $0x3  }
0xc1: {  	(v2sf) =	vpush v3, $0x0  }
0xc2: {  	(v2sf) =	vpush v63, $0xF;
	_ =	sdelay $0xd  }
0xc3: {  	s10 =	spop (v2sf)  }
0xc4: {  	s6 =	spop (v2sf);
	p0 =	sge.s32 s10, s11  }
0xc5: {  	p1 =	slt.s32 @!p0 s6, s4  }
0xc6: {  	p0 =	por p1, p0  }
0xc7: {  	v4 =	vld @!p0 [tilespmem:$0xA410]  }
0xc8: {  	v5 =	vld @!p0 [tilespmem:$0xA420]  }
0xc9: {  	v6 =	vld @!p0 [tilespmem:$0xA430]  }
0xca: {  	v7 =	vld @!p0 [tilespmem:$0xA440]  }
0xcb: {  	v3 =	vsub.s32 @!p0 v3, v0  }
0xcc: {  	v3 =	vmin.u32 @!p0 v3, $0x1400;
	v4 =	vsub.s32 @!p0 v4, v0  }
0xcd: {  	[tilespmem:$0xA500] =	vst @!p0 v3;
	v3 =	vmin.u32 @!p0 v4, $0x1400;
	v4 =	vsub.s32 @!p0 v5, v0  }
0xce: {  	[tilespmem:$0xA510] =	vst @!p0 v3;
	v3 =	vmin.u32 @!p0 v4, $0x1400;
	v4 =	vsub.s32 @!p0 v6, v0  }
0xcf: {  	[tilespmem:$0xA520] =	vst @!p0 v3;
	v3 =	vmin.u32 @!p0 v4, $0x1400;
	v4 =	vsub.s32 @!p0 v7, v0  }
0xd0: {  	[tilespmem:$0xA530] =	vst @!p0 v3;
	v3 =	vmin.u32 @!p0 v4, $0x1400  }
0xd1: {  	s1 =	simm.s32 @!p0 $0x50;
	s6 =	simm.s32 @!p0 $0xA500;
	s7 =	simm.s32 @!p0 $0xA580;
	[tilespmem:$0xA540] =	vst @!p0 v3  }
0xd2: {  	[spmem:s2] =	stream.indirect.scatter.add.f32 @!p0 [tilespmem:s7], [sflag:$0x3], $0x80, s6, s1, $0xb8;
	[tilespmem:$0xED80] =	vst v63  }
0xd3: {  	s1 =	simm.s32 @!p0 $0x3  }
0xd4: {  	_ =	swait.ge @!p0 [sflag:s1], $0x2800  }
0xd5: {  	[sflag:s1] =	ssyncset.done @!p0 $0x0  }
0xd6: {  	[sflag:s1] =	ssyncadd.s32 @!p0 $0xFFFFD800  }
0xd7: {  	[bflag:$0x0] =	sbarrier.arrive $0xFFFF  }
0xd8: {  	[tilespmem:s25], [sflag:$0x3] =	stream.linear.gather [spmem:s13], $0x2000, $0x38;
	[tilespmem:$0xED80] =	vst v63  }
0xd9: {  	_ =	swait.ge [sflag:s26], $0x2000  }
0xda: {  	[sflag:s26] =	ssyncset.done $0x0  }
0xdb: {  	[sflag:s26] =	ssyncadd.s32 $0xFFFFE000  }
0xdc: {  	[hbm4b:s14+s3] =	stream.linear.scatter [tilespmem:s25], [sflag:$0x3], $0x2000, $0x38;
	[tilespmem:$0xED80] =	vst v63  }
0xdd: {  	_ =	swait.ge [sflag:s26], $0x2000  }
0xde: {  	[sflag:s26] =	ssyncset.done $0x0  }
0xdf: {  	[sflag:s26] =	ssyncadd.s32 $0xFFFFE000  }
0xe0: {  	[tilespmem:s25], [sflag:$0x3] =	stream.linear.gather [spmem:s15], $0x2000, $0x38;
	[tilespmem:$0xED80] =	vst v63  }
0xe1: {  	_ =	swait.ge [sflag:s26], $0x2000  }
0xe2: {  	[sflag:s26] =	ssyncset.done $0x0  }
0xe3: {  	[sflag:s26] =	ssyncadd.s32 $0xFFFFE000  }
0xe4: {  	[hbm4b:s16+s3] =	stream.linear.scatter [tilespmem:s25], [sflag:$0x3], $0x2000, $0x38;
	[tilespmem:$0xED80] =	vst v63  }
0xe5: {  	_ =	swait.ge [sflag:s26], $0x2000  }
0xe6: {  	[sflag:s26] =	ssyncset.done $0x0  }
0xe7: {  	[sflag:s26] =	ssyncadd.s32 $0xFFFFE000  }
0xe8: {  	[tilespmem:s25], [sflag:$0x3] =	stream.linear.gather [spmem:s17], $0x2000, $0x38;
	[tilespmem:$0xED80] =	vst v63  }
0xe9: {  	_ =	swait.ge [sflag:s26], $0x2000  }
0xea: {  	[sflag:s26] =	ssyncset.done $0x0  }
0xeb: {  	[sflag:s26] =	ssyncadd.s32 $0xFFFFE000  }
0xec: {  	[hbm4b:s18+s3] =	stream.linear.scatter [tilespmem:s25], [sflag:$0x3], $0x2000, $0x38;
	[tilespmem:$0xED80] =	vst v63  }
0xed: {  	_ =	swait.ge [sflag:s26], $0x2000  }
0xee: {  	[sflag:s26] =	ssyncset.done $0x0  }
0xef: {  	[sflag:s26] =	ssyncadd.s32 $0xFFFFE000  }
0xf0: {  	[tilespmem:s25], [sflag:$0x3] =	stream.linear.gather [spmem:s19], $0x2000, $0x38;
	[tilespmem:$0xED80] =	vst v63  }
0xf1: {  	_ =	swait.ge [sflag:s26], $0x2000  }
0xf2: {  	[sflag:s26] =	ssyncset.done $0x0  }
0xf3: {  	[sflag:s26] =	ssyncadd.s32 $0xFFFFE000  }
0xf4: {  	[hbm4b:s20+s3] =	stream.linear.scatter [tilespmem:s25], [sflag:$0x3], $0x2000, $0x38;
	[tilespmem:$0xED80] =	vst v63  }
0xf5: {  	_ =	swait.ge [sflag:s26], $0x2000  }
0xf6: {  	[sflag:s26] =	ssyncset.done $0x0  }
0xf7: {  	[sflag:s26] =	ssyncadd.s32 $0xFFFFE000  }
0xf8: {  	[tilespmem:s25], [sflag:$0x3] =	stream.linear.gather [spmem:s21], $0x2000, $0x38;
	[tilespmem:$0xED80] =	vst v63  }
0xf9: {  	s0 =	sadd.s32 $0x1, s0;
	_ =	swait.ge [sflag:s26], $0x2000  }
0xfa: {  	p0 =	sne.s32 s0, s23;
	[sflag:s26] =	ssyncset.done $0x0  }
.Ltmp3:
0xfb: {  	[sflag:s26] =	ssyncadd.s32 $0xFFFFE000;
	(pc) =	sbr.rel @p0 .LBB2_1-.Ltmp3, $4  }
0xfc: {  	[hbm4b:s22+s3] =	stream.linear.scatter [tilespmem:s25], [sflag:$0x3], $0x2000, $0x38;
	[tilespmem:$0xED80] =	vst v63  }
0xfd: {  	_ =	swait.ge [sflag:s26], $0x2000  }
0xfe: {  	[sflag:s26] =	ssyncset.done $0x0  }
0xff: {  	[sflag:s26] =	ssyncadd.s32 $0xFFFFE000  }
0x100: {  	_ =	sfence.sel $0x180000  }
0x101: {  	[bflag:$0x0] =	sbarrier.arrive $0xFFFF  }
0x102: {  	_ =	strace $0x90000047  }
0x103: {  	s0 =	stileid.u32;
	[bflag:$0x2] =	sbarrier.arrive $0xFFFF  }
0x104: {  	p0 =	sne.s32 s0, $0x0;
	s0 =	rddreg [dreg:$0x3]  }
0x105: {  	s0 =	sadd.s32 @!p0 $0x100000, s0  }
0x106: {  	[sflag:s0] =	ssyncadd.tile.s32 @!p0 $0x1;
	_ =	shalt  }
.Lfunc_end2:
_tile_overlayer_lowered:
.L_overlay_start_2:
0x107: {  	(tag) =	ssettag $0x2  }
0x108: {  	s0 =	rddreg [dreg:$0x0];
	s2 =	stileid.u32  }
0x109: {  	s1 =	rddreg [dreg:$0x1];
	p0 =	sne.s32 s2, $0x0  }
0x10a: {  	s3 =	rddreg [dreg:$0x2];
	[bflag:$0x3] =	sbarrier.arrive $0xFFFF;
	s2 =	simm.s32 @!p0 $0x1C03  }
0x10b: {  	[timem:s3], [sflag:s2] =	dma.local @!p0 [hbm:s0], s1  }
0x10c: {  	s0 =	simm.s32 @!p0 $0x3  }
0x10d: {  	_ =	swait.ge @!p0 [sflag:s0], s1  }
0x10e: {  	s1 =	ssub.s32 @!p0 $0x0, s1;
	[sflag:s0] =	ssyncset.done @!p0 $0x0  }
0x10f: {  	[sflag:s0] =	ssyncadd.s32 @!p0 s1  }
0x110: {  	[bflag:$0x3] =	sbarrier.arrive $0xFFFF  }
0x111: {  	_ =	shalt  }

// kernel: kernel.7.cloned.1.call-start
scs
__scs_entry_jumppad:
0x0: {  	(pc) =	sbr.rel $0x88, $3  }
0x1: {  	(tag) =	ssettag $0x0;
	lr =	simm.s32 $0x1  }
0x2: {  	[smem:$0x3F9F] =	sst lr;
	_ =	strace $0xD0000000  }
0x3: {  	_ = 	snop  }
0x4: {  	_ = 	snop  }
0x5: {  	_ = 	snop  }
0x6: {  	_ = 	snop  }
0x7: {  	_ = 	snop  }
__scs_overlays_trampoline_lowered:
0x8: {  	[smem:$0x3FAE] =	sst s0  }
0x9: {  	[smem:$0x3FAF] =	sst s1  }
0xa: {  	[smem:$0x3FB0] =	sst s2  }
0xb: {  	[smem:$0x3FB1] =	sst s3  }
0xc: {  	[smem:$0x3FB2] =	sst s4  }
0xd: {  	[smem:$0x3FB3] =	sst s5  }
0xe: {  	[smem:$0x3FB4] =	sst s6  }
0xf: {  	[smem:$0x3FB5] =	sst s7  }
0x10: {  	[smem:$0x3FB6] =	sst s8  }
0x11: {  	[smem:$0x3FB7] =	sst s9;
	s0 =	simm.s32 @!p0 $0x0  }
0x12: {  	s1 =	sld [smem:$0x3F9D];
	s0 =	simm.s32 @p0 $0x1  }
0x13: {  	[smem:$0x3FB8] =	sst s0;
	s0 =	simm.s32 @!p1 $0x0  }
0x14: {  	s2 =	sld [smem:$0x3F9C];
	s0 =	simm.s32 @p1 $0x1  }
0x15: {  	[smem:$0x3FB9] =	sst s0;
	s0 =	simm.s32 @!p2 $0x0  }
0x16: {  	s3 =	sld [smem:$0x3FDB];
	s0 =	simm.s32 @p2 $0x1  }
0x17: {  	s4 =	simm.s32 $0x1BF5;
	[smem:$0x3FBB] =	sst s0  }
0x18: {  	s0 =	sld [smem:$0x3F9E];
	_ =	swait.ge [sflag:s4], $0x0  }
0x19: {  	s7 =	sld [smem:$0x3F9F]  }
0x1a: {  	s8 =	sadd.s32 $0xFFFFE003, lr  }
0x1b: {  	s9 =	sadd.s32 $0xFFFFFEF7, lr;
	s5 =	simm.s32 $0xFFFFFFFF;
	p2 =	slt.u32 s8, $0xFFFFF086  }
0x1c: {  	p1 =	slt.u32 s9, $0xF7A;
	s5 =	simm.s32 @!p2 $0x0  }
0x1d: {  	s5 =	simm.s32 @p1 $0x1;
	p0 =	seq.s32 s7, s2  }
0x1e: {  	s7 =	smul.u32 @!p0 $0xF7A, s2;
	p2 =	seq.s32 @!p0 s5, $0x0  }
0x1f: {  	s9 =	smul.u32 $0xF7A, s1;
	s8 =	simm.s32 @!p0 $0x1BF5;
	p2 =	por !p2, p0  }
0x20: {  	[sflag:s8] =	ssyncset.s32 @!p0 $0xFFFFF086;
	s6 =	sadd.s32 @!p0 s3, s7;
	s7 =	simm.s32 @!p0 $0x108  }
0x21: {  	s3 =	sadd.s32 s3, s9;
	s6 =	sadd.s32 @!p0 $0x88, s6;
	s7 =	simm.s32 @p2 $0x1082  }
0x22: {  	[simem:s7], [sflag:s8] =	dma.local @!p0 [hbm:s6], $0xF7A  }
0x23: {  	s9 =	sor.u32 $0xD0000000, s2;
	s6 =	simm.s32 $0x108;
	_ =	swait.ge @!p0 [sflag:s8], $0x0  }
0x24: {  	s3 =	sadd.s32 $0x88, s3;
	s6 =	simm.s32 @!p1 $0x1082;
	[sflag:s4] =	ssyncset.s32 $0xFFFFF086  }
0x25: {  	[simem:s6], [sflag:s4] =	dma.local [hbm:s3], $0xF7A  }
0x26: {  	[smem:$0x3F9F] =	sst s1;
	(tag) =	ssettag s2;
	_ =	strace s9  }
0x27: {  	s1 =	sld [smem:$0x3FAF]  }
0x28: {  	s2 =	sld [smem:$0x3FB0]  }
0x29: {  	s4 =	sld [smem:$0x3FB2]  }
0x2a: {  	p0 =	seq.s32 s5, $0x0;
	s5 =	sld [smem:$0x3FB3]  }
0x2b: {  	s6 =	sld [smem:$0x3FB4]  }
0x2c: {  	s7 =	sld [smem:$0x3FB5]  }
0x2d: {  	s3 =	simm.s32 $0x108;
	s8 =	sld [smem:$0x3FB6]  }
0x2e: {  	s3 =	simm.s32 @!p0 $0x1082;
	s9 =	sld [smem:$0x3FB7]  }
0x2f: {  	lr =	sadd.s32 s0, s3;
	s0 =	sld [smem:$0x3FAE]  }
0x30: {  	s3 =	sld [smem:$0x3FB1]  }
0x31: {  	[smem:$0x3FBA] =	sst s10  }
0x32: {  	s10 =	sld [smem:$0x3FB8];
	_ =	sdelay $0x3  }
0x33: {  	p0 =	seq.s32 s10, $0x1;
	s10 =	sld [smem:$0x3FBA];
	_ =	sdelay $0x3  }
0x34: {  	[smem:$0x3FBA] =	sst s10  }
0x35: {  	s10 =	sld [smem:$0x3FB9];
	_ =	sdelay $0x3  }
0x36: {  	p1 =	seq.s32 s10, $0x1;
	s10 =	sld [smem:$0x3FBA];
	_ =	sdelay $0x3  }
0x37: {  	[smem:$0x3FBA] =	sst s10  }
0x38: {  	s10 =	sld [smem:$0x3FBB]  }
0x39: {  	_ = 	snop;
	(pc) =	sbr.ind lr, $3  }
0x3a: {  	_ = 	snop  }
0x3b: {  	_ = 	snop  }
0x3c: {  	p2 =	seq.s32 s10, $0x1;
	s10 =	sld [smem:$0x3FBA]  }
0x3d: {  	_ =	shalt  }
0x3e: {  	_ =	shalt  }
0x3f: {  	_ =	shalt  }
0x40: {  	_ =	shalt  }
0x41: {  	_ =	shalt  }
0x42: {  	_ =	shalt  }
0x43: {  	_ =	shalt  }
0x44: {  	_ =	shalt  }
0x45: {  	_ =	shalt  }
0x46: {  	_ =	shalt  }
0x47: {  	_ =	shalt  }
0x48: {  	_ =	shalt  }
0x49: {  	_ =	shalt  }
0x4a: {  	_ =	shalt  }
0x4b: {  	_ =	shalt  }
0x4c: {  	_ =	shalt  }
0x4d: {  	_ =	shalt  }
0x4e: {  	_ =	shalt  }
0x4f: {  	_ =	shalt  }
0x50: {  	_ =	shalt  }
0x51: {  	_ =	shalt  }
0x52: {  	_ =	shalt  }
0x53: {  	_ =	shalt  }
0x54: {  	_ =	shalt  }
0x55: {  	_ =	shalt  }
0x56: {  	_ =	shalt  }
0x57: {  	_ =	shalt  }
0x58: {  	_ =	shalt  }
0x59: {  	_ =	shalt  }
0x5a: {  	_ =	shalt  }
0x5b: {  	_ =	shalt  }
0x5c: {  	_ =	shalt  }
0x5d: {  	_ =	shalt  }
0x5e: {  	_ =	shalt  }
0x5f: {  	_ =	shalt  }
0x60: {  	_ =	shalt  }
0x61: {  	_ =	shalt  }
0x62: {  	_ =	shalt  }
0x63: {  	_ =	shalt  }
0x64: {  	_ =	shalt  }
0x65: {  	_ =	shalt  }
0x66: {  	_ =	shalt  }
0x67: {  	_ =	shalt  }
0x68: {  	_ =	shalt  }
0x69: {  	_ =	shalt  }
0x6a: {  	_ =	shalt  }
0x6b: {  	_ =	shalt  }
0x6c: {  	_ =	shalt  }
0x6d: {  	_ =	shalt  }
0x6e: {  	_ =	shalt  }
0x6f: {  	_ =	shalt  }
0x70: {  	_ =	shalt  }
0x71: {  	_ =	shalt  }
0x72: {  	_ =	shalt  }
0x73: {  	_ =	shalt  }
0x74: {  	_ =	shalt  }
0x75: {  	_ =	shalt  }
0x76: {  	_ =	shalt  }
0x77: {  	_ =	shalt  }
0x78: {  	_ =	shalt  }
0x79: {  	_ =	shalt  }
0x7a: {  	_ =	shalt  }
0x7b: {  	_ =	shalt  }
0x7c: {  	_ =	shalt  }
0x7d: {  	_ =	shalt  }
0x7e: {  	_ =	shalt  }
0x7f: {  	_ =	shalt  }
0x80: {  	_ =	shalt  }
0x81: {  	_ =	shalt  }
0x82: {  	_ =	shalt  }
0x83: {  	_ =	shalt  }
0x84: {  	_ =	shalt  }
0x85: {  	_ =	shalt  }
0x86: {  	_ =	shalt  }
0x87: {  	_ =	shalt  }
.Lfunc_end0:
.L_simem_size_0:
called_computation.1_lowered:
.L_overlay_start_0:
0x88: {  	s2 =	sld [smem:$0x3FD9]  }
0x89: {  	s3 =	sld [smem:$0x3FFE];
	_ =	sdelay $0x1  }
0x8a: {  	s1 =	srdreg.scid  }
0x8b: {  	s0 =	sand.u32 $0x1, s1  }
0x8c: {  	s17 =	sshll.u32 s0, $0xA;
	s2 =	sadd.s32 s3, s2  }
0x8d: {  	s2 =	sadd.s32 s2, s17  }
0x8e: {  	[smem:$0x3FC6] =	sst s2  }
0x8f: {  	_ = 	snop  }
0x90: {  	s2 =	sld [smem:$0x3FC9]  }
0x91: {  	s18 =	sld [smem:$0x3FC8]  }
0x92: {  	s4 =	sld [smem:$0x3FD0];
	(tm) =	ssettm $0x1  }
0x93: {  	s5 =	sld [smem:$0x3FFB];
	_ =	sdelay $0x3  }
0x94: {  	_ =	strace s5  }
0x95: {  	s5 =	sld [smem:$0x3FFC];
	_ =	sdelay $0x3  }
0x96: {  	_ =	strace s5  }
0x97: {  	s5 =	sld [smem:$0x3FFD];
	_ =	sdelay $0x3  }
0x98: {  	_ =	strace s5  }
0x99: {  	_ =	strace $0x8FFFFFFF  }
0x9a: {  	s19 =	sld [smem:$0x3FDB];
	_ =	sdelay $0x1  }
0x9b: {  	s6 =	simm.s32 $_scs_section_size  }
0x9c: {  	s7 =	simm.s32 $_size__tile_overlayer_lowered;
	s8 =	simm.s32 $_tile_overlayer_lowered  }
0x9d: {  	s22 =	simm.s32 $0x1BFF;
	s21 =	sshll.u32 s8, $0x1;
	s5 =	sadd.s32 s6, s19  }
0x9e: {  	s9 =	simm.s32 $0x0;
	s20 =	sshll.u32 s7, $0x1;
	s7 =	sadd.s32 s21, s5  }
0x9f: {  	[timem:s9], [sflag:s22] =	dma.local [hbm:s7], s20  }
0xa0: {  	_ =	swait.ge [sflag:s22], s20  }
0xa1: {  	s6 =	ssub.s32 $0x0, s20;
	[sflag:s22] =	ssyncset.done $0x0  }
0xa2: {  	[sflag:s22] =	ssyncadd.s32 s6;
	_ =	sdelay $0x1  }
0xa3: {  	s23 =	simm.s32 $0x1B8B  }
0xa4: {  	_ =	swait.ge [sflag:s23], $0x1  }
0xa5: {  	[sflag:s23] =	ssyncset.done $0x0  }
0xa6: {  	s25 =	simm.s32 $0x1B8E;
	s24 =	sld [smem:$0x3FFE];
	[sflag:s23] =	ssyncadd.s32 $0xFFFFFFFF  }
0xa7: {  	s26 =	simm.s32 $execute0_lowered;
	[smem:$0x3FD2] =	sst s25  }
0xa8: {  	s7 =	sshll.u32 s26, $0x1;
	_ =	strace $0x80000049;
	[dreg:$0x1] =	wrdreg $0xFFFFFFFF  }
0xa9: {  	s28 =	simm.s32 $_size_execute0_lowered;
	s5 =	sadd.s32 s5, s7;
	[dreg:$0x0] =	wrdreg $0x0  }
0xaa: {  	s7 =	sshll.u32 s28, $0x1;
	[dreg:$0x2] =	wrdreg s5  }
0xab: {  	[dreg:$0x3] =	wrdreg s7  }
0xac: {  	[dreg:$0x4] =	wrdreg $0xC0  }
0xad: {  	_ =	task [dreg:s9], $0x5FFFF  }
0xae: {  	[dreg:$0x1] =	wrdreg $0xFFFFFFFF  }
0xaf: {  	[dreg:$0x0] =	wrdreg $0x60  }
0xb0: {  	[dreg:$0x2] =	wrdreg s2  }
0xb1: {  	[dreg:$0x3] =	wrdreg s18  }
0xb2: {  	[dreg:$0x4] =	wrdreg s4  }
0xb3: {  	[dreg:$0x5] =	wrdreg s24  }
0xb4: {  	[dreg:$0x6] =	wrdreg $0x0  }
0xb5: {  	[dreg:$0x7] =	wrdreg $0x9  }
0xb6: {  	_ =	task.clear_ibuf [dreg:s9], $0x8FFFF;
	_ =	strace $0x90000049  }
0xb7: {  	s29 =	simm.s32 $0x9;
	_ =	strace $0x8000004B  }
0xb8: {  	_ =	swait.ge [sflag:s29], $0x1  }
0xb9: {  	[sflag:s29] =	ssyncadd.s32 $0xFFFFFFFF  }
0xba: {  	_ =	strace $0x9000004B  }
0xbb: {  	_ =	sfence  }
0xbc: {  	s30 =	sld [smem:$0x0];
	_ =	sdelay $0x2  }
0xbd: {  	s31 =	sshll.u32 s1, $0xD;
	s1 =	sshrl.u32 s1, $0x2  }
0xbe: {  	s3 =	sand.u32 $0x4000, s31;
	s1 =	sadd.s32 s1, s30  }
0xbf: {  	s0 =	sor.u32 s3, s0;
	s1 =	sshll.u32 s1, $0x11  }
0xc0: {  	s0 =	sor.u32 s1, s0  }
0xc1: {  	s0 =	sadd.s32 $0x8F2B, s0  }
0xc2: {  	[sflag:s0] =	ssyncadd.remote.s32 $0x1  }
0xc3: {  	_ =	sfence.sel $0xFFFF  }
0xc4: {  	[dreg:$0x0] =	wrdreg $0xFFFFFFFF;
	(pc) =	sbr.abs _section_cstart, $3  }
0xc5: {  	[dreg:$0x1] =	wrdreg $0xFFFFFFFF  }
0xc6: {  	_ =	task.clear_ibuf [dreg:s9], $0x2FFFF;
	_ =	strace $0x9FFFFFFF  }
0xc7: {  	(tm) =	ssettm $0x7FFFFFFF  }
tec
execute0_lowered:
.L_overlay_start_1:
0x0: {  	(tag) =	ssettag $0x1  }
0x1: {  	s1 =	rddreg [dreg:$0x0]  }
0x2: {  	s0 =	rddreg [dreg:$0x1]  }
0x3: {  	s2 =	rddreg [dreg:$0x2]  }
0x4: {  	s3 =	rddreg [dreg:$0x3]  }
0x5: {  	s4 =	rddreg [dreg:$0x4];
	s13 =	stileid.u32  }
0x6: {  	s5 =	simm.s32 $0x0;
	s6 =	srdreg.scid;
	s8 =	smul.u32 $0x50000, s13  }
0x7: {  	s29 =	simm.s32 $0x0;
	[smem:$0x7FF] =	sst s5;
	s18 =	smul.u32 $0x271000, s13  }
0x8: {  	s7 =	sand.u32 $0x1, s6;
	s6 =	sadd.s32 $0x800, s3;
	s10 =	smul.u32 $0x2710, s13  }
0x9: {  	s15 =	sshll.u32 s13, $0x4;
	s28 =	sshll.u32 s13, $0x8;
	_ =	strace $0x8000004A  }
0xa: {  	s9 =	ssub.s32 $0x2, s7;
	s30 =	sor.u32 $0x2700, s15;
	s11 =	sor.u32 $0x2600, s15  }
0xb: {  	s17 =	sshrl.u32 s9, $0x1;
	s8 =	sshrl.u32 s8, $0x2;
	s24 =	sshrl.u32 s10, $0x3  }
0xc: {  	s31 =	sshll.u32 s30, $0x4;
	s12 =	sshll.u32 s11, $0x8;
	s11 =	sshll.u32 s11, $0x7  }
0xd: {  	s10 =	sshll.u32 s30, $0x7;
	s14 =	sadd.s32 s8, s4;
	s8 =	sadd.s32 s0, s24  }
0xe: {  	s3 =	ssub.s32 s9, s17;
	s9 =	sshll.u32 s7, $0xA;
	[dreg:$0xb] =	wrdreg s8  }
0xf: {  	s17 =	sshll.u32 s30, $0x8;
	s19 =	sadd.s32 $0x2000, s14;
	[dreg:$0x6] =	wrdreg s14  }
0x10: {  	s20 =	sadd.s32 $0x4000, s14;
	s21 =	sadd.s32 $0x6000, s14;
	[dreg:$0x7] =	wrdreg s19  }
0x11: {  	s22 =	sor.u32 s9, s18;
	s23 =	sadd.s32 $0x8000, s14;
	[dreg:$0x8] =	wrdreg s20  }
0x12: {  	s8 =	sadd.s32 s2, s28;
	s12 =	sor.u32 s9, s12;
	[dreg:$0x9] =	wrdreg s21  }
0x13: {  	s18 =	smul.u32 $0x4E2, s13;
	s3 =	smax.u32 s3, $0x1;
	[dreg:$0xa] =	wrdreg s23  }
0x14: {  	s24 =	sadd.s32 $0xA000, s14;
	s28 =	sadd.s32 $0xE000, s14;
	[dreg:$0xd] =	wrdreg s8  }
0x15: {  	s30 =	sadd.s32 $0x10000, s14;
	s25 =	sshrl.u32 s22, $0x3;
	[dreg:$0x13] =	wrdreg s3  }
0x16: {  	s8 =	sadd.s32 s2, s31;
	s16 =	sshrl.u32 s12, $0x3;
	[dreg:$0x16] =	wrdreg s24  }
0x17: {  	s19 =	sadd.s32 s10, s4;
	s21 =	sadd.s32 $0x5000, s22;
	[dreg:$0x18] =	wrdreg s28  }
0x18: {  	s22 =	sadd.s32 $0xA000, s22;
	[dreg:$0x19] =	wrdreg s30;
	s31 =	sadd.s32 $0x12000, s14  }
0x19: {  	s3 =	sor.u32 $0x10, s13;
	s10 =	simm.s32 $0x3;
	[dreg:$0xe] =	wrdreg s8  }
0x1a: {  	s12 =	simm.s32 $0x400;
	s26 =	sadd.s32 s1, s25;
	[dreg:$0x11] =	wrdreg s19  }
0x1b: {  	s8 =	sadd.s32 s11, s4;
	s11 =	sor.u32 s9, s17;
	[dreg:$0x14] =	wrdreg s22  }
0x1c: {  	s0 =	sadd.s32 s18, s0;
	s23 =	sshrl.u32 s21, $0x3;
	[dreg:$0x1a] =	wrdreg s31  }
0x1d: {  	s17 =	simm.s32 $0x14080;
	s18 =	simm.s32 $0x16900;
	[dreg:$0xc] =	wrdreg s26  }
0x1e: {  	s19 =	simm.s32 $0x50;
	s22 =	simm.s32 $0x1C100;
	[dreg:$0xf] =	wrdreg s8  }
0x1f: {  	s8 =	sadd.s32 s6, s16;
	s20 =	sshrl.u32 s11, $0x3;
	s0 =	sadd.s32 $0x14, s0  }
0x20: {  	s25 =	sadd.s32 s23, s1;
	s26 =	sadd.s32 $0xC000, s14;
	[dreg:$0x10] =	wrdreg s8  }
0x21: {  	s11 =	simm.s32 $0x14000;
	s14 =	simm.s32 $0x14100;
	[dreg:$0x15] =	wrdreg s0  }
0x22: {  	s16 =	simm.s32 $0x1;
	s8 =	sadd.s32 s6, s20;
	[dreg:$0x17] =	wrdreg s26  }
0x23: {  	s0 =	sor.u32 $0x20, s13;
	s13 =	simm.s32 $0x800;
	s20 =	simm.s32 $0x2  }
0x24: {  	v0 =	vimm.f32 $0.0e+00;
	s26 =	simm.s32 $0x1B100;
	[dreg:$0x12] =	wrdreg s8;
	s8 =	simm.s32 $0x0  }
.LBB2_1:
0x25: {  	[dreg:$0x1b] =	wrdreg s8;
	s7 =	simm.s32 $0x0;
	s8 =	simm.s32 $0x200  }
.LBB2_2:
0x26: {  	p0 =	sne.s32 s8, $0x7E00;
	[tilespmem:s7+$0x19170] =	vst v0  }
0x27: {  	[tilespmem:s7+$0x19100] =	vst v0  }
0x28: {  	[tilespmem:s7+$0x19110] =	vst v0  }
.Ltmp0:
0x29: {  	[tilespmem:s7+$0x19120] =	vst v0;
	(pc) =	sbr.rel @p0 .LBB2_2-.Ltmp0, $4  }
0x2a: {  	[tilespmem:s7+$0x19130] =	vst v0  }
0x2b: {  	[tilespmem:s7+$0x19140] =	vst v0  }
0x2c: {  	[tilespmem:s7+$0x19150] =	vst v0  }
0x2d: {  	[tilespmem:s7+$0x19160] =	vst v0;
	s7 =	sshra.s32 s8, $0x2;
	s8 =	sadd.s32 $0x200, s8  }
0x2e: {  	[tilespmem:s7+$0x19170] =	vst v0  }
0x2f: {  	[tilespmem:s7+$0x19100] =	vst v0  }
0x30: {  	[tilespmem:s7+$0x19110] =	vst v0  }
0x31: {  	[tilespmem:s7+$0x19120] =	vst v0  }
0x32: {  	[tilespmem:s7+$0x19130] =	vst v0  }
0x33: {  	[tilespmem:s7+$0x19140] =	vst v0  }
0x34: {  	[tilespmem:s7+$0x19150] =	vst v0  }
0x35: {  	[tilespmem:s7+$0x19160] =	vst v0;
	s24 =	rddreg [dreg:$0x6];
	s8 =	simm.s32 $0x19100  }
0x36: {  	[spmem:s24] =	stream.linear.scatter [tilespmem:s8], [sflag:$0x3], $0x2000, $0x38;
	[tilespmem:$0x1C900] =	vst v63  }
0x37: {  	_ =	swait.ge [sflag:s10], $0x2000  }
0x38: {  	[sflag:s10] =	ssyncset.done $0x0  }
0x39: {  	s28 =	rddreg [dreg:$0x7];
	[sflag:s10] =	ssyncadd.s32 $0xFFFFE000  }
0x3a: {  	[spmem:s28] =	stream.linear.scatter [tilespmem:s8], [sflag:$0x3], $0x2000, $0x38;
	[tilespmem:$0x1C900] =	vst v63  }
0x3b: {  	_ =	swait.ge [sflag:s10], $0x2000  }
0x3c: {  	[sflag:s10] =	ssyncset.done $0x0  }
0x3d: {  	s30 =	rddreg [dreg:$0x8];
	[sflag:s10] =	ssyncadd.s32 $0xFFFFE000  }
0x3e: {  	[spmem:s30] =	stream.linear.scatter [tilespmem:s8], [sflag:$0x3], $0x2000, $0x38;
	[tilespmem:$0x1C900] =	vst v63  }
0x3f: {  	_ =	swait.ge [sflag:s10], $0x2000  }
0x40: {  	[sflag:s10] =	ssyncset.done $0x0  }
0x41: {  	s31 =	rddreg [dreg:$0x9];
	[sflag:s10] =	ssyncadd.s32 $0xFFFFE000  }
0x42: {  	[spmem:s31] =	stream.linear.scatter [tilespmem:s8], [sflag:$0x3], $0x2000, $0x38;
	[tilespmem:$0x1C900] =	vst v63  }
0x43: {  	_ =	swait.ge [sflag:s10], $0x2000  }
0x44: {  	[sflag:s10] =	ssyncset.done $0x0  }
0x45: {  	s21 =	rddreg [dreg:$0xa];
	[sflag:s10] =	ssyncadd.s32 $0xFFFFE000  }
0x46: {  	[spmem:s21] =	stream.linear.scatter [tilespmem:s8], [sflag:$0x3], $0x2000, $0x38;
	[tilespmem:$0x1C900] =	vst v63  }
0x47: {  	_ =	swait.ge [sflag:s10], $0x2000  }
0x48: {  	[sflag:s10] =	ssyncset.done $0x0  }
0x49: {  	s23 =	rddreg [dreg:$0x16];
	[sflag:s10] =	ssyncadd.s32 $0xFFFFE000  }
0x4a: {  	[spmem:s23] =	stream.linear.scatter [tilespmem:s8], [sflag:$0x3], $0x2000, $0x38;
	[tilespmem:$0x1C900] =	vst v63  }
0x4b: {  	_ =	swait.ge [sflag:s10], $0x2000  }
0x4c: {  	[sflag:s10] =	ssyncset.done $0x0  }
0x4d: {  	s24 =	rddreg [dreg:$0x17];
	[sflag:s10] =	ssyncadd.s32 $0xFFFFE000  }
0x4e: {  	[spmem:s24] =	stream.linear.scatter [tilespmem:s8], [sflag:$0x3], $0x2000, $0x38;
	[tilespmem:$0x1C900] =	vst v63  }
0x4f: {  	_ =	swait.ge [sflag:s10], $0x2000  }
0x50: {  	[sflag:s10] =	ssyncset.done $0x0  }
0x51: {  	s28 =	rddreg [dreg:$0x18];
	[sflag:s10] =	ssyncadd.s32 $0xFFFFE000  }
0x52: {  	[spmem:s28] =	stream.linear.scatter [tilespmem:s8], [sflag:$0x3], $0x2000, $0x38;
	[tilespmem:$0x1C900] =	vst v63  }
0x53: {  	_ =	swait.ge [sflag:s10], $0x2000  }
0x54: {  	[sflag:s10] =	ssyncset.done $0x0  }
0x55: {  	s30 =	rddreg [dreg:$0x19];
	[sflag:s10] =	ssyncadd.s32 $0xFFFFE000  }
0x56: {  	[spmem:s30] =	stream.linear.scatter [tilespmem:s8], [sflag:$0x3], $0x2000, $0x38;
	[tilespmem:$0x1C900] =	vst v63  }
0x57: {  	_ =	swait.ge [sflag:s10], $0x2000  }
0x58: {  	[sflag:s10] =	ssyncset.done $0x0  }
0x59: {  	s31 =	rddreg [dreg:$0x1a];
	[sflag:s10] =	ssyncadd.s32 $0xFFFFE000  }
0x5a: {  	[spmem:s31] =	stream.linear.scatter [tilespmem:s8], [sflag:$0x3], $0x2000, $0x38;
	[tilespmem:$0x1C900] =	vst v63  }
0x5b: {  	_ =	swait.ge [sflag:s10], $0x2000  }
0x5c: {  	[sflag:s10] =	ssyncset.done $0x0  }
0x5d: {  	[sflag:s10] =	ssyncadd.s32 $0xFFFFE000  }
0x5e: {  	[bflag:$0x0] =	sbarrier.arrive $0xFFFF  }
0x5f: {  	s21 =	simm.s32 $0x0;
	s23 =	rddreg [dreg:$0xb]  }
0x60: {  	[tilespmem:s11], [sflag:$0x1] =	stream.linear.gather [hbm4b:s23+s21], $0x50, $0x38;
	[tilespmem:$0x1C900] =	vst v63  }
0x61: {  	s24 =	rddreg [dreg:$0xc]  }
0x62: {  	[tilespmem:s14], [sflag:$0x1] =	stream.strided.gather [hbm4b:s24+s12], $0x2800, s13, s12, $0x38;
	[tilespmem:$0x1C900] =	vst v63  }
0x63: {  	_ =	swait.ge [sflag:s16], $0x50  }
0x64: {  	[sflag:s16] =	ssyncset.done $0x0  }
0x65: {  	[sflag:s16] =	ssyncadd.s32 $0xFFFFFFB0  }
0x66: {  	_ =	swait.ge [sflag:s16], $0x2800  }
0x67: {  	[sflag:s16] =	ssyncset.done $0x0;
	s23 =	rddreg [dreg:$0x15]  }
0x68: {  	[sflag:s16] =	ssyncadd.s32 $0xFFFFD800;
	s28 =	sadd.s32 $0xFFFFFFF6, s23  }
0x69: {  	[tilespmem:s17], [sflag:$0x2] =	stream.linear.gather [hbm4b:s28+s5], $0x50, $0x38;
	[tilespmem:$0x1C900] =	vst v63  }
0x6a: {  	s30 =	sadd.s32 $0x0, s25  }
0x6b: {  	[tilespmem:s18], [sflag:$0x2] =	stream.strided.gather [hbm4b:s30+s12], $0x2800, s13, s12, $0x38;
	[tilespmem:$0x1C900] =	vst v63  }
0x6c: {  	_ = 	snop  }
0x6d: {  	[spmem:s4] =	stream.indirect.scatter.add.f32 [tilespmem:s14], [sflag:$0x3], $0x80, s11, s19, $0xb8;
	[tilespmem:$0x1C900] =	vst v63  }
0x6e: {  	_ =	swait.ge [sflag:s10], $0x2800  }
0x6f: {  	[sflag:s10] =	ssyncset.done $0x0  }
0x70: {  	[sflag:s10] =	ssyncadd.s32 $0xFFFFD800  }
0x71: {  	_ =	swait.ge [sflag:s20], $0x50  }
0x72: {  	[sflag:s20] =	ssyncset.done $0x0  }
0x73: {  	[sflag:s20] =	ssyncadd.s32 $0xFFFFFFB0  }
0x74: {  	_ =	swait.ge [sflag:s20], $0x2800  }
0x75: {  	[sflag:s20] =	ssyncset.done $0x0;
	s8 =	rddreg [dreg:$0x14]  }
0x76: {  	[sflag:s20] =	ssyncadd.s32 $0xFFFFD800;
	s31 =	sshrl.u32 s8, $0x3  }
0x77: {  	[tilespmem:s11], [sflag:$0x1] =	stream.linear.gather [hbm4b:s23+s5], $0x50, $0x38;
	[tilespmem:$0x1C900] =	vst v63  }
0x78: {  	s7 =	sadd.s32 s1, s31  }
0x79: {  	[tilespmem:s14], [sflag:$0x1] =	stream.strided.gather [hbm4b:s7+s12], $0x2800, s13, s12, $0x38;
	[tilespmem:$0x1C900] =	vst v63  }
0x7a: {  	_ = 	snop  }
0x7b: {  	[spmem:s4] =	stream.indirect.scatter.add.f32 [tilespmem:s18], [sflag:$0x3], $0x80, s17, s19, $0xb8;
	[tilespmem:$0x1C900] =	vst v63  }
0x7c: {  	_ =	swait.ge [sflag:s10], $0x2800  }
0x7d: {  	s7 =	simm.s32 $0x1400;
	[sflag:s10] =	ssyncset.done $0x0  }
.LBB2_4:
0x7e: {  	[sflag:s10] =	ssyncadd.s32 $0xFFFFD800;
	s8 =	sadd.s32 $0xA000, s8;
	s23 =	sadd.s32 $0x14, s23  }
0x7f: {  	p0 =	sne.s32 s7, $0x4C400;
	s24 =	smov.u32 s7;
	s7 =	sadd.s32 $0x1400, s7  }
0x80: {  	_ =	swait.ge [sflag:s16], $0x50  }
0x81: {  	[sflag:s16] =	ssyncset.done $0x0  }
0x82: {  	[sflag:s16] =	ssyncadd.s32 $0xFFFFFFB0  }
0x83: {  	_ =	swait.ge [sflag:s16], $0x2800  }
0x84: {  	[sflag:s16] =	ssyncset.done $0x0  }
0x85: {  	s28 =	sadd.s32 $0xFFFFFFF6, s23;
	[sflag:s16] =	ssyncadd.s32 $0xFFFFD800  }
0x86: {  	[tilespmem:s17], [sflag:$0x2] =	stream.linear.gather [hbm4b:s28+s5], $0x50, $0x38;
	[tilespmem:$0x1C900] =	vst v63  }
0x87: {  	s24 =	sadd.s32 s24, s25  }
0x88: {  	[tilespmem:s18], [sflag:$0x2] =	stream.strided.gather [hbm4b:s24+s12], $0x2800, s13, s12, $0x38;
	[tilespmem:$0x1C900] =	vst v63  }
0x89: {  	_ = 	snop  }
0x8a: {  	[spmem:s4] =	stream.indirect.scatter.add.f32 [tilespmem:s14], [sflag:$0x3], $0x80, s11, s19, $0xb8;
	[tilespmem:$0x1C900] =	vst v63  }
0x8b: {  	_ =	swait.ge [sflag:s10], $0x2800  }
0x8c: {  	[sflag:s10] =	ssyncset.done $0x0  }
0x8d: {  	[sflag:s10] =	ssyncadd.s32 $0xFFFFD800  }
0x8e: {  	_ =	swait.ge [sflag:s20], $0x50  }
0x8f: {  	[sflag:s20] =	ssyncset.done $0x0  }
0x90: {  	[sflag:s20] =	ssyncadd.s32 $0xFFFFFFB0  }
0x91: {  	_ =	swait.ge [sflag:s20], $0x2800  }
0x92: {  	[sflag:s20] =	ssyncset.done $0x0  }
0x93: {  	s24 =	sshrl.u32 s8, $0x3;
	[sflag:s20] =	ssyncadd.s32 $0xFFFFD800  }
0x94: {  	[tilespmem:s11], [sflag:$0x1] =	stream.linear.gather [hbm4b:s23+s5], $0x50, $0x38;
	[tilespmem:$0x1C900] =	vst v63  }
0x95: {  	s24 =	sadd.s32 s1, s24  }
0x96: {  	[tilespmem:s14], [sflag:$0x1] =	stream.strided.gather [hbm4b:s24+s12], $0x2800, s13, s12, $0x38;
	[tilespmem:$0x1C900] =	vst v63  }
.Ltmp1:
0x97: {  	_ = 	snop;
	(pc) =	sbr.rel @p0 .LBB2_4-.Ltmp1, $4  }
0x98: {  	_ = 	snop  }
0x99: {  	[spmem:s4] =	stream.indirect.scatter.add.f32 [tilespmem:s18], [sflag:$0x3], $0x80, s17, s19, $0xb8;
	[tilespmem:$0x1C900] =	vst v63  }
0x9a: {  	_ =	swait.ge [sflag:s10], $0x2800  }
0x9b: {  	[sflag:s10] =	ssyncset.done $0x0  }
0x9c: {  	[sflag:s10] =	ssyncadd.s32 $0xFFFFD800  }
0x9d: {  	_ =	swait.ge [sflag:s16], $0x50  }
0x9e: {  	[sflag:s16] =	ssyncset.done $0x0  }
0x9f: {  	[sflag:s16] =	ssyncadd.s32 $0xFFFFFFB0  }
0xa0: {  	_ =	swait.ge [sflag:s16], $0x2800  }
0xa1: {  	[sflag:s16] =	ssyncset.done $0x0  }
0xa2: {  	[sflag:s16] =	ssyncadd.s32 $0xFFFFD800  }
0xa3: {  	[spmem:s4] =	stream.indirect.scatter.add.f32 [tilespmem:s14], [sflag:$0x3], $0x80, s11, s19, $0xb8;
	[tilespmem:$0x1C900] =	vst v63  }
0xa4: {  	_ =	swait.ge [sflag:s10], $0x2800  }
0xa5: {  	[sflag:s10] =	ssyncset.done $0x0  }
0xa6: {  	[sflag:s10] =	ssyncadd.s32 $0xFFFFD800  }
0xa7: {  	[bflag:$0x0] =	sbarrier.arrive $0xFFFF  }
0xa8: {  	s8 =	simm.s32 $0x1B900;
	s30 =	simm.s32 $0x0;
	s7 =	rddreg [dreg:$0xd]  }
0xa9: {  	[tilespmem:s8], [sflag:$0x1] =	stream.linear.gather [hbm4b:s7+s29], $0x800, $0x38;
	[tilespmem:$0x1C900] =	vst v63  }
.LBB2_6:
0xaa: {  	s7 =	sshll.u32 s30, $0x5  }
0xab: {  	s31 =	sor.u32 s3, s7  }
0xac: {  	s24 =	sshll.u32 s30, $0x9;
	s8 =	sshll.u32 s31, $0x8  }
0xad: {  	s23 =	sor.u32 s15, s24;
	s8 =	sadd.s32 s2, s8  }
0xae: {  	[tilespmem:s22], [sflag:$0x2] =	stream.linear.gather [hbm4b:s8+s29], $0x800, $0x38;
	[tilespmem:$0x1C900] =	vst v63  }
0xaf: {  	s8 =	sshll.u32 s23, $0x7  }
0xb0: {  	s8 =	sand.u32 $0x3FFF7F80, s8  }
0xb1: {  	s8 =	sadd.s32 s8, s4  }
0xb2: {  	[tilespmem:s26], [sflag:$0x3] =	stream.linear.gather [spmem:s8], $0x800, $0x38;
	[tilespmem:$0x1C900] =	vst v63  }
0xb3: {  	_ =	swait.ge [sflag:s10], $0x800  }
0xb4: {  	[sflag:s10] =	ssyncset.done $0x0  }
0xb5: {  	[sflag:s10] =	ssyncadd.s32 $0xFFFFF800  }
0xb6: {  	_ =	swait.ge [sflag:s16], $0x800  }
0xb7: {  	[sflag:s16] =	ssyncset.done $0x0  }
0xb8: {  	s8 =	simm.s32 $0x0;
	[sflag:s16] =	ssyncadd.s32 $0xFFFFF800  }
0xb9: {  	v1 =	vld [tilespmem:s8+$0x1B900];
	_ =	sdelay $0x4  }
0xba: {  	v1 =	vmax.f32 v1, $1.000000000e+00  }
0xbb: {  	s24 =	simm.s32 $0x80;
	(erf) = vrcp.f32 v1  }
0xbc: {  	v1 =	vld [tilespmem:s24+$0x1B900];
	_ =	sdelay $0x2  }
0xbd: {  	v6 =	vld [tilespmem:s8+$0x1B100]  }
0xbe: {  	v7 =	vld [tilespmem:s8+$0x1B110]  }
0xbf: {  	v5 =	vld [tilespmem:s8+$0x1B120];
	v1 =	vmax.f32 v1, $1.000000000e+00  }
0xc0: {  	v3 =	vld [tilespmem:s8+$0x1B130]  }
0xc1: {  	v4 =	vld [tilespmem:s8+$0x1B140]  }
0xc2: {  	v2 =	vld [tilespmem:s8+$0x1B150];
	(erf) = vrcp.f32 v1;
	v1 =	vpop (erf)  }
0xc3: {  	s28 =	simm.s32 $0x400;
	v8 =	vmul.f32 v6, v1;
	v7 =	vmul.f32 v7, v1;
	v6 =	vld [tilespmem:s8+$0x1B160]  }
.LBB2_7:
0xc4: {  	s21 =	sshra.s32 s28, $0x2;
	p0 =	sne.s32 s28, $0x1E00;
	s28 =	sadd.s32 $0x200, s28;
	v5 =	vmul.f32 v5, v1;
	v9 =	vld [tilespmem:s8+$0x1B170]  }
0xc5: {  	v10 =	vld [tilespmem:s21+$0x1B900];
	[tilespmem:s8+$0x1B100] =	vst v8;
	v3 =	vmul.f32 v3, v1  }
0xc6: {  	v8 =	vld [tilespmem:s24+$0x1B100];
	[tilespmem:s8+$0x1B110] =	vst v7;
	v4 =	vmul.f32 v4, v1  }
0xc7: {  	v7 =	vld [tilespmem:s24+$0x1B110];
	[tilespmem:s8+$0x1B120] =	vst v5;
	v2 =	vmul.f32 v2, v1  }
.Ltmp2:
0xc8: {  	v5 =	vld [tilespmem:s24+$0x1B120];
	[tilespmem:s8+$0x1B130] =	vst v3;
	v6 =	vmul.f32 v6, v1;
	(pc) =	sbr.rel @p0 .LBB2_7-.Ltmp2, $4  }
0xc9: {  	v3 =	vld [tilespmem:s24+$0x1B130];
	[tilespmem:s8+$0x1B140] =	vst v4;
	v9 =	vmul.f32 v9, v1  }
0xca: {  	v10 =	vmax.f32 v10, $1.000000000e+00;
	v4 =	vld [tilespmem:s24+$0x1B140];
	[tilespmem:s8+$0x1B150] =	vst v2  }
0xcb: {  	(erf) = vrcp.f32 v10;
	v2 =	vld [tilespmem:s24+$0x1B150];
	v1 =	vpop (erf);
	[tilespmem:s8+$0x1B160] =	vst v6  }
0xcc: {  	v8 =	vmul.f32 v8, v1;
	v7 =	vmul.f32 v7, v1;
	v6 =	vld [tilespmem:s24+$0x1B160];
	[tilespmem:s8+$0x1B170] =	vst v9;
	s8 =	smov.u32 s24;
	s24 =	smov.u32 s21  }
0xcd: {  	_ =	sdelay $0x1  }
0xce: {  	v9 =	vld [tilespmem:s8+$0x1B170];
	v5 =	vmul.f32 v5, v1;
	[tilespmem:s8+$0x1B100] =	vst v8  }
0xcf: {  	v3 =	vmul.f32 v3, v1;
	v8 =	vld [tilespmem:s24+$0x1B100];
	[tilespmem:s8+$0x1B110] =	vst v7  }
0xd0: {  	v4 =	vmul.f32 v4, v1;
	v7 =	vld [tilespmem:s24+$0x1B110];
	[tilespmem:s8+$0x1B120] =	vst v5;
	v6 =	vmul.f32 v6, v1  }
0xd1: {  	v2 =	vmul.f32 v2, v1;
	v5 =	vld [tilespmem:s24+$0x1B120];
	[tilespmem:s8+$0x1B130] =	vst v3  }
0xd2: {  	v3 =	vld [tilespmem:s24+$0x1B130];
	[tilespmem:s8+$0x1B140] =	vst v4  }
0xd3: {  	v4 =	vld [tilespmem:s24+$0x1B140];
	[tilespmem:s8+$0x1B150] =	vst v2  }
0xd4: {  	v1 =	vmul.f32 v9, v1;
	v2 =	vld [tilespmem:s24+$0x1B150];
	[tilespmem:s8+$0x1B160] =	vst v6;
	v6 =	vpop (erf)  }
0xd5: {  	v8 =	vmul.f32 v8, v6  }
0xd6: {  	v9 =	vld [tilespmem:s24+$0x1B160];
	[tilespmem:s8+$0x1B170] =	vst v1;
	v1 =	vmul.f32 v7, v6  }
0xd7: {  	v7 =	vld [tilespmem:s24+$0x1B170];
	v5 =	vmul.f32 v5, v6;
	[tilespmem:s24+$0x1B100] =	vst v8  }
0xd8: {  	v3 =	vmul.f32 v3, v6;
	[tilespmem:s24+$0x1B110] =	vst v1  }
0xd9: {  	v1 =	vmul.f32 v4, v6;
	[tilespmem:s24+$0x1B120] =	vst v5  }
0xda: {  	v2 =	vmul.f32 v2, v6;
	[tilespmem:s24+$0x1B130] =	vst v3  }
0xdb: {  	s23 =	sshll.u32 s23, $0x8;
	v3 =	vmul.f32 v9, v6;
	[tilespmem:s24+$0x1B140] =	vst v1  }
0xdc: {  	s8 =	sor.u32 s9, s23;
	v1 =	vmul.f32 v7, v6;
	[tilespmem:s24+$0x1B150] =	vst v2  }
0xdd: {  	s8 =	sshrl.u32 s8, $0x3;
	[tilespmem:s24+$0x1B160] =	vst v3  }
0xde: {  	s8 =	sadd.s32 s6, s8;
	[tilespmem:s24+$0x1B170] =	vst v1  }
0xdf: {  	[hbm4b:s8+s12] =	stream.strided.scatter [tilespmem:s26], [sflag:$0x3], $0x800, s13, s12, $0x38;
	[tilespmem:$0x1C900] =	vst v63  }
0xe0: {  	s7 =	sadd.s32 s0, s7;
	s21 =	simm.s32 $0x1B900;
	_ =	swait.ge [sflag:s10], $0x800  }
0xe1: {  	s28 =	sshll.u32 s31, $0xB;
	s7 =	sshll.u32 s7, $0x8;
	[sflag:s10] =	ssyncset.done $0x0  }
0xe2: {  	s7 =	sadd.s32 s2, s7;
	s24 =	simm.s32 $0x0;
	[sflag:s10] =	ssyncadd.s32 $0xFFFFF800  }
0xe3: {  	[tilespmem:s21], [sflag:$0x1] =	stream.linear.gather [hbm4b:s7+s24], $0x800, $0x38;
	[tilespmem:$0x1C900] =	vst v63  }
0xe4: {  	s7 =	sand.u32 $0x3FFFF800, s28  }
0xe5: {  	s7 =	sadd.s32 s7, s4  }
0xe6: {  	[tilespmem:s26], [sflag:$0x3] =	stream.linear.gather [spmem:s7], $0x800, $0x38;
	[tilespmem:$0x1C900] =	vst v63  }
0xe7: {  	_ =	swait.ge [sflag:s10], $0x800  }
0xe8: {  	[sflag:s10] =	ssyncset.done $0x0  }
0xe9: {  	[sflag:s10] =	ssyncadd.s32 $0xFFFFF800  }
0xea: {  	_ =	swait.ge [sflag:s20], $0x800  }
0xeb: {  	[sflag:s20] =	ssyncset.done $0x0  }
0xec: {  	s8 =	simm.s32 $0x0;
	[sflag:s20] =	ssyncadd.s32 $0xFFFFF800  }
0xed: {  	v1 =	vld [tilespmem:s8+$0x1C100];
	_ =	sdelay $0x4  }
0xee: {  	v1 =	vmax.f32 v1, $1.000000000e+00  }
0xef: {  	s7 =	simm.s32 $0x80;
	(erf) = vrcp.f32 v1  }
0xf0: {  	v1 =	vld [tilespmem:s7+$0x1C100];
	_ =	sdelay $0x2  }
0xf1: {  	v6 =	vld [tilespmem:s8+$0x1B100]  }
0xf2: {  	v7 =	vld [tilespmem:s8+$0x1B110]  }
0xf3: {  	v5 =	vld [tilespmem:s8+$0x1B120];
	v1 =	vmax.f32 v1, $1.000000000e+00  }
0xf4: {  	v3 =	vld [tilespmem:s8+$0x1B130]  }
0xf5: {  	v4 =	vld [tilespmem:s8+$0x1B140]  }
0xf6: {  	v2 =	vld [tilespmem:s8+$0x1B150];
	(erf) = vrcp.f32 v1;
	v1 =	vpop (erf)  }
0xf7: {  	s23 =	simm.s32 $0x400;
	v8 =	vmul.f32 v6, v1;
	v7 =	vmul.f32 v7, v1;
	v6 =	vld [tilespmem:s8+$0x1B160]  }
.LBB2_9:
0xf8: {  	s21 =	sshra.s32 s23, $0x2;
	p0 =	sne.s32 s23, $0x1E00;
	s23 =	sadd.s32 $0x200, s23;
	v5 =	vmul.f32 v5, v1;
	v9 =	vld [tilespmem:s8+$0x1B170]  }
0xf9: {  	v10 =	vld [tilespmem:s21+$0x1C100];
	[tilespmem:s8+$0x1B100] =	vst v8;
	v3 =	vmul.f32 v3, v1  }
0xfa: {  	v8 =	vld [tilespmem:s7+$0x1B100];
	[tilespmem:s8+$0x1B110] =	vst v7;
	v4 =	vmul.f32 v4, v1  }
0xfb: {  	v7 =	vld [tilespmem:s7+$0x1B110];
	[tilespmem:s8+$0x1B120] =	vst v5;
	v2 =	vmul.f32 v2, v1  }
.Ltmp3:
0xfc: {  	v5 =	vld [tilespmem:s7+$0x1B120];
	[tilespmem:s8+$0x1B130] =	vst v3;
	v6 =	vmul.f32 v6, v1;
	(pc) =	sbr.rel @p0 .LBB2_9-.Ltmp3, $4  }
0xfd: {  	v3 =	vld [tilespmem:s7+$0x1B130];
	[tilespmem:s8+$0x1B140] =	vst v4;
	v9 =	vmul.f32 v9, v1  }
0xfe: {  	v10 =	vmax.f32 v10, $1.000000000e+00;
	v4 =	vld [tilespmem:s7+$0x1B140];
	[tilespmem:s8+$0x1B150] =	vst v2  }
0xff: {  	(erf) = vrcp.f32 v10;
	v2 =	vld [tilespmem:s7+$0x1B150];
	v1 =	vpop (erf);
	[tilespmem:s8+$0x1B160] =	vst v6  }
0x100: {  	v8 =	vmul.f32 v8, v1;
	v7 =	vmul.f32 v7, v1;
	v6 =	vld [tilespmem:s7+$0x1B160];
	[tilespmem:s8+$0x1B170] =	vst v9;
	s8 =	smov.u32 s7;
	s7 =	smov.u32 s21  }
0x101: {  	_ =	sdelay $0x1  }
0x102: {  	v9 =	vld [tilespmem:s8+$0x1B170];
	v5 =	vmul.f32 v5, v1;
	[tilespmem:s8+$0x1B100] =	vst v8  }
0x103: {  	v3 =	vmul.f32 v3, v1;
	v8 =	vld [tilespmem:s7+$0x1B100];
	[tilespmem:s8+$0x1B110] =	vst v7  }
0x104: {  	v4 =	vmul.f32 v4, v1;
	v7 =	vld [tilespmem:s7+$0x1B110];
	[tilespmem:s8+$0x1B120] =	vst v5  }
0x105: {  	v2 =	vmul.f32 v2, v1;
	v5 =	vld [tilespmem:s7+$0x1B120];
	[tilespmem:s8+$0x1B130] =	vst v3  }
0x106: {  	v6 =	vmul.f32 v6, v1;
	v3 =	vld [tilespmem:s7+$0x1B130];
	[tilespmem:s8+$0x1B140] =	vst v4  }
0x107: {  	v1 =	vmul.f32 v9, v1;
	v4 =	vld [tilespmem:s7+$0x1B140];
	[tilespmem:s8+$0x1B150] =	vst v2;
	v61 =	vpop (erf)  }
0x108: {  	v2 =	vld [tilespmem:s7+$0x1B150];
	[tilespmem:s8+$0x1B160] =	vst v6;
	v8 =	vmul.f32 v8, v61  }
0x109: {  	v62 =	vld [tilespmem:s7+$0x1B160];
	[tilespmem:s8+$0x1B170] =	vst v1;
	v1 =	vmul.f32 v7, v61  }
0x10a: {  	v63 =	vld [tilespmem:s7+$0x1B170];
	v5 =	vmul.f32 v5, v61;
	[tilespmem:s7+$0x1B100] =	vst v8  }
0x10b: {  	v3 =	vmul.f32 v3, v61;
	[tilespmem:s7+$0x1B110] =	vst v1  }
0x10c: {  	v1 =	vmul.f32 v4, v61;
	[tilespmem:s7+$0x1B120] =	vst v5  }
0x10d: {  	v2 =	vmul.f32 v2, v61;
	[tilespmem:s7+$0x1B130] =	vst v3  }
0x10e: {  	s28 =	sshll.u32 s31, $0xC;
	v3 =	vmul.f32 v62, v61;
	[tilespmem:s7+$0x1B140] =	vst v1  }
0x10f: {  	s30 =	sadd.s32 $0x1, s30;
	s8 =	sor.u32 s9, s28;
	v1 =	vmul.f32 v63, v61;
	[tilespmem:s7+$0x1B150] =	vst v2  }
0x110: {  	p0 =	sne.s32 s30, $0x13;
	s8 =	sshrl.u32 s8, $0x3;
	[tilespmem:s7+$0x1B160] =	vst v3  }
.Ltmp4:
0x111: {  	s31 =	sadd.s32 s6, s8;
	[tilespmem:s7+$0x1B170] =	vst v1;
	(pc) =	sbr.rel @p0 .LBB2_6-.Ltmp4, $4  }
0x112: {  	[hbm4b:s31+s12] =	stream.strided.scatter [tilespmem:s26], [sflag:$0x3], $0x800, s13, s12, $0x38;
	[tilespmem:$0x1C900] =	vst v63  }
0x113: {  	_ =	swait.ge [sflag:s10], $0x800  }
0x114: {  	[sflag:s10] =	ssyncset.done $0x0  }
0x115: {  	[sflag:s10] =	ssyncadd.s32 $0xFFFFF800  }
0x116: {  	s7 =	simm.s32 $0x0;
	s8 =	rddreg [dreg:$0xe]  }
0x117: {  	[tilespmem:s22], [sflag:$0x2] =	stream.linear.gather [hbm4b:s8+s7], $0x800, $0x38;
	[tilespmem:$0x1C900] =	vst v63  }
0x118: {  	s31 =	rddreg [dreg:$0xf]  }
0x119: {  	[tilespmem:s26], [sflag:$0x3] =	stream.linear.gather [spmem:s31], $0x800, $0x38;
	[tilespmem:$0x1C900] =	vst v63  }
0x11a: {  	_ =	swait.ge [sflag:s10], $0x800  }
0x11b: {  	[sflag:s10] =	ssyncset.done $0x0  }
0x11c: {  	[sflag:s10] =	ssyncadd.s32 $0xFFFFF800  }
0x11d: {  	_ =	swait.ge [sflag:s16], $0x800  }
0x11e: {  	[sflag:s16] =	ssyncset.done $0x0  }
0x11f: {  	s8 =	simm.s32 $0x0;
	[sflag:s16] =	ssyncadd.s32 $0xFFFFF800  }
0x120: {  	v1 =	vld [tilespmem:s8+$0x1B900];
	_ =	sdelay $0x4  }
0x121: {  	v1 =	vmax.f32 v1, $1.000000000e+00  }
0x122: {  	s7 =	simm.s32 $0x80;
	(erf) = vrcp.f32 v1  }
0x123: {  	v1 =	vld [tilespmem:s7+$0x1B900];
	_ =	sdelay $0x2  }
0x124: {  	v6 =	vld [tilespmem:s8+$0x1B100]  }
0x125: {  	v7 =	vld [tilespmem:s8+$0x1B110]  }
0x126: {  	v5 =	vld [tilespmem:s8+$0x1B120];
	v1 =	vmax.f32 v1, $1.000000000e+00  }
0x127: {  	v3 =	vld [tilespmem:s8+$0x1B130]  }
0x128: {  	v4 =	vld [tilespmem:s8+$0x1B140]  }
0x129: {  	v2 =	vld [tilespmem:s8+$0x1B150];
	(erf) = vrcp.f32 v1;
	v1 =	vpop (erf)  }
0x12a: {  	s23 =	simm.s32 $0x400;
	v8 =	vmul.f32 v6, v1;
	v7 =	vmul.f32 v7, v1;
	v6 =	vld [tilespmem:s8+$0x1B160]  }
.LBB2_12:
0x12b: {  	s21 =	sshra.s32 s23, $0x2;
	p0 =	sne.s32 s23, $0x1E00;
	s23 =	sadd.s32 $0x200, s23;
	v5 =	vmul.f32 v5, v1;
	v9 =	vld [tilespmem:s8+$0x1B170]  }
0x12c: {  	v10 =	vld [tilespmem:s21+$0x1B900];
	[tilespmem:s8+$0x1B100] =	vst v8;
	v3 =	vmul.f32 v3, v1  }
0x12d: {  	v8 =	vld [tilespmem:s7+$0x1B100];
	[tilespmem:s8+$0x1B110] =	vst v7;
	v4 =	vmul.f32 v4, v1  }
0x12e: {  	v7 =	vld [tilespmem:s7+$0x1B110];
	[tilespmem:s8+$0x1B120] =	vst v5;
	v2 =	vmul.f32 v2, v1  }
.Ltmp5:
0x12f: {  	v5 =	vld [tilespmem:s7+$0x1B120];
	[tilespmem:s8+$0x1B130] =	vst v3;
	v6 =	vmul.f32 v6, v1;
	(pc) =	sbr.rel @p0 .LBB2_12-.Ltmp5, $4  }
0x130: {  	v3 =	vld [tilespmem:s7+$0x1B130];
	[tilespmem:s8+$0x1B140] =	vst v4;
	v9 =	vmul.f32 v9, v1  }
0x131: {  	v10 =	vmax.f32 v10, $1.000000000e+00;
	v4 =	vld [tilespmem:s7+$0x1B140];
	[tilespmem:s8+$0x1B150] =	vst v2  }
0x132: {  	(erf) = vrcp.f32 v10;
	v2 =	vld [tilespmem:s7+$0x1B150];
	v1 =	vpop (erf);
	[tilespmem:s8+$0x1B160] =	vst v6  }
0x133: {  	v8 =	vmul.f32 v8, v1;
	v7 =	vmul.f32 v7, v1;
	v6 =	vld [tilespmem:s7+$0x1B160];
	[tilespmem:s8+$0x1B170] =	vst v9;
	s8 =	smov.u32 s7;
	s7 =	smov.u32 s21  }
0x134: {  	_ =	sdelay $0x1  }
0x135: {  	v9 =	vld [tilespmem:s8+$0x1B170];
	v5 =	vmul.f32 v5, v1;
	[tilespmem:s8+$0x1B100] =	vst v8  }
0x136: {  	v3 =	vmul.f32 v3, v1;
	v8 =	vld [tilespmem:s7+$0x1B100];
	[tilespmem:s8+$0x1B110] =	vst v7  }
0x137: {  	v4 =	vmul.f32 v4, v1;
	v7 =	vld [tilespmem:s7+$0x1B110];
	[tilespmem:s8+$0x1B120] =	vst v5;
	v6 =	vmul.f32 v6, v1  }
0x138: {  	v2 =	vmul.f32 v2, v1;
	v5 =	vld [tilespmem:s7+$0x1B120];
	[tilespmem:s8+$0x1B130] =	vst v3  }
0x139: {  	v3 =	vld [tilespmem:s7+$0x1B130];
	[tilespmem:s8+$0x1B140] =	vst v4  }
0x13a: {  	v4 =	vld [tilespmem:s7+$0x1B140];
	[tilespmem:s8+$0x1B150] =	vst v2  }
0x13b: {  	v1 =	vmul.f32 v9, v1;
	v2 =	vld [tilespmem:s7+$0x1B150];
	[tilespmem:s8+$0x1B160] =	vst v6;
	v6 =	vpop (erf)  }
0x13c: {  	v8 =	vmul.f32 v8, v6  }
0x13d: {  	v9 =	vld [tilespmem:s7+$0x1B160];
	[tilespmem:s8+$0x1B170] =	vst v1;
	v1 =	vmul.f32 v7, v6  }
0x13e: {  	v7 =	vld [tilespmem:s7+$0x1B170];
	v5 =	vmul.f32 v5, v6;
	[tilespmem:s7+$0x1B100] =	vst v8  }
0x13f: {  	v3 =	vmul.f32 v3, v6;
	[tilespmem:s7+$0x1B110] =	vst v1  }
0x140: {  	v1 =	vmul.f32 v4, v6;
	[tilespmem:s7+$0x1B120] =	vst v5  }
0x141: {  	v2 =	vmul.f32 v2, v6;
	[tilespmem:s7+$0x1B130] =	vst v3  }
0x142: {  	v3 =	vmul.f32 v9, v6;
	[tilespmem:s7+$0x1B140] =	vst v1  }
0x143: {  	v1 =	vmul.f32 v7, v6;
	[tilespmem:s7+$0x1B150] =	vst v2  }
0x144: {  	[tilespmem:s7+$0x1B160] =	vst v3  }
0x145: {  	s30 =	rddreg [dreg:$0x10];
	[tilespmem:s7+$0x1B170] =	vst v1  }
0x146: {  	[hbm4b:s30+s12] =	stream.strided.scatter [tilespmem:s26], [sflag:$0x3], $0x800, s13, s12, $0x38;
	[tilespmem:$0x1C900] =	vst v63  }
0x147: {  	_ =	swait.ge [sflag:s10], $0x800  }
0x148: {  	[sflag:s10] =	ssyncset.done $0x0  }
0x149: {  	s31 =	rddreg [dreg:$0x11];
	[sflag:s10] =	ssyncadd.s32 $0xFFFFF800  }
0x14a: {  	[tilespmem:s26], [sflag:$0x3] =	stream.linear.gather [spmem:s31], $0x800, $0x38;
	[tilespmem:$0x1C900] =	vst v63  }
0x14b: {  	_ =	swait.ge [sflag:s10], $0x800  }
0x14c: {  	[sflag:s10] =	ssyncset.done $0x0  }
0x14d: {  	[sflag:s10] =	ssyncadd.s32 $0xFFFFF800  }
0x14e: {  	_ =	swait.ge [sflag:s20], $0x800  }
0x14f: {  	[sflag:s20] =	ssyncset.done $0x0  }
0x150: {  	s8 =	simm.s32 $0x0;
	[sflag:s20] =	ssyncadd.s32 $0xFFFFF800  }
0x151: {  	v1 =	vld [tilespmem:s8+$0x1C100];
	_ =	sdelay $0x4  }
0x152: {  	v1 =	vmax.f32 v1, $1.000000000e+00  }
0x153: {  	s7 =	simm.s32 $0x80;
	(erf) = vrcp.f32 v1  }
0x154: {  	v1 =	vld [tilespmem:s7+$0x1C100];
	_ =	sdelay $0x2  }
0x155: {  	v6 =	vld [tilespmem:s8+$0x1B100]  }
0x156: {  	v7 =	vld [tilespmem:s8+$0x1B110]  }
0x157: {  	v5 =	vld [tilespmem:s8+$0x1B120];
	v1 =	vmax.f32 v1, $1.000000000e+00  }
0x158: {  	v3 =	vld [tilespmem:s8+$0x1B130]  }
0x159: {  	v4 =	vld [tilespmem:s8+$0x1B140]  }
0x15a: {  	v2 =	vld [tilespmem:s8+$0x1B150];
	(erf) = vrcp.f32 v1;
	v1 =	vpop (erf)  }
0x15b: {  	s23 =	simm.s32 $0x400;
	v8 =	vmul.f32 v6, v1;
	v7 =	vmul.f32 v7, v1;
	v6 =	vld [tilespmem:s8+$0x1B160]  }
.LBB2_14:
0x15c: {  	s21 =	sshra.s32 s23, $0x2;
	p0 =	sne.s32 s23, $0x1E00;
	s23 =	sadd.s32 $0x200, s23;
	v5 =	vmul.f32 v5, v1;
	v9 =	vld [tilespmem:s8+$0x1B170]  }
0x15d: {  	v10 =	vld [tilespmem:s21+$0x1C100];
	[tilespmem:s8+$0x1B100] =	vst v8;
	v3 =	vmul.f32 v3, v1  }
0x15e: {  	v8 =	vld [tilespmem:s7+$0x1B100];
	[tilespmem:s8+$0x1B110] =	vst v7;
	v4 =	vmul.f32 v4, v1  }
0x15f: {  	v7 =	vld [tilespmem:s7+$0x1B110];
	[tilespmem:s8+$0x1B120] =	vst v5;
	v2 =	vmul.f32 v2, v1  }
.Ltmp6:
0x160: {  	v5 =	vld [tilespmem:s7+$0x1B120];
	[tilespmem:s8+$0x1B130] =	vst v3;
	v6 =	vmul.f32 v6, v1;
	(pc) =	sbr.rel @p0 .LBB2_14-.Ltmp6, $4  }
0x161: {  	v3 =	vld [tilespmem:s7+$0x1B130];
	[tilespmem:s8+$0x1B140] =	vst v4;
	v9 =	vmul.f32 v9, v1  }
0x162: {  	v10 =	vmax.f32 v10, $1.000000000e+00;
	v4 =	vld [tilespmem:s7+$0x1B140];
	[tilespmem:s8+$0x1B150] =	vst v2  }
0x163: {  	(erf) = vrcp.f32 v10;
	v2 =	vld [tilespmem:s7+$0x1B150];
	v1 =	vpop (erf);
	[tilespmem:s8+$0x1B160] =	vst v6  }
0x164: {  	v8 =	vmul.f32 v8, v1;
	v7 =	vmul.f32 v7, v1;
	v6 =	vld [tilespmem:s7+$0x1B160];
	[tilespmem:s8+$0x1B170] =	vst v9;
	s8 =	smov.u32 s7;
	s7 =	smov.u32 s21  }
0x165: {  	_ =	sdelay $0x1  }
0x166: {  	v9 =	vld [tilespmem:s8+$0x1B170];
	v5 =	vmul.f32 v5, v1;
	[tilespmem:s8+$0x1B100] =	vst v8  }
0x167: {  	v3 =	vmul.f32 v3, v1;
	v8 =	vld [tilespmem:s7+$0x1B100];
	[tilespmem:s8+$0x1B110] =	vst v7  }
0x168: {  	v4 =	vmul.f32 v4, v1;
	v7 =	vld [tilespmem:s7+$0x1B110];
	[tilespmem:s8+$0x1B120] =	vst v5  }
0x169: {  	v2 =	vmul.f32 v2, v1;
	v5 =	vld [tilespmem:s7+$0x1B120];
	[tilespmem:s8+$0x1B130] =	vst v3  }
0x16a: {  	v6 =	vmul.f32 v6, v1;
	v3 =	vld [tilespmem:s7+$0x1B130];
	[tilespmem:s8+$0x1B140] =	vst v4  }
0x16b: {  	v1 =	vmul.f32 v9, v1;
	v4 =	vld [tilespmem:s7+$0x1B140];
	[tilespmem:s8+$0x1B150] =	vst v2;
	v61 =	vpop (erf)  }
0x16c: {  	v2 =	vld [tilespmem:s7+$0x1B150];
	[tilespmem:s8+$0x1B160] =	vst v6;
	v8 =	vmul.f32 v8, v61  }
0x16d: {  	v62 =	vld [tilespmem:s7+$0x1B160];
	[tilespmem:s8+$0x1B170] =	vst v1;
	v1 =	vmul.f32 v7, v61  }
0x16e: {  	v63 =	vld [tilespmem:s7+$0x1B170];
	v5 =	vmul.f32 v5, v61;
	[tilespmem:s7+$0x1B100] =	vst v8  }
0x16f: {  	v3 =	vmul.f32 v3, v61;
	[tilespmem:s7+$0x1B110] =	vst v1  }
0x170: {  	v1 =	vmul.f32 v4, v61;
	[tilespmem:s7+$0x1B120] =	vst v5  }
0x171: {  	v2 =	vmul.f32 v2, v61;
	[tilespmem:s7+$0x1B130] =	vst v3  }
0x172: {  	v3 =	vmul.f32 v62, v61;
	[tilespmem:s7+$0x1B140] =	vst v1  }
0x173: {  	v1 =	vmul.f32 v63, v61;
	[tilespmem:s7+$0x1B150] =	vst v2  }
0x174: {  	[tilespmem:s7+$0x1B160] =	vst v3  }
0x175: {  	s28 =	rddreg [dreg:$0x12];
	[tilespmem:s7+$0x1B170] =	vst v1  }
0x176: {  	[hbm4b:s28+s12] =	stream.strided.scatter [tilespmem:s26], [sflag:$0x3], $0x800, s13, s12, $0x38;
	[tilespmem:$0x1C900] =	vst v63  }
0x177: {  	_ =	swait.ge [sflag:s10], $0x800  }
0x178: {  	s30 =	rddreg [dreg:$0x1b]  }
0x179: {  	s31 =	rddreg [dreg:$0x13];
	s8 =	sadd.s32 $0x1, s30  }
0x17a: {  	p0 =	sne.s32 s8, s31  }
.Ltmp7:
0x17b: {  	_ = 	snop;
	(pc) =	sbr.rel @p0 .LBB2_1-.Ltmp7, $3  }
0x17c: {  	_ =	sdelay $0x1  }
0x17d: {  	[sflag:s10] =	ssyncset.done $0x0  }
0x17e: {  	[sflag:s10] =	ssyncadd.s32 $0xFFFFF800  }
0x17f: {  	_ =	sfence.sel $0x180000  }
0x180: {  	[bflag:$0x0] =	sbarrier.arrive $0xFFFF  }
0x181: {  	_ =	strace $0x9000004A  }
0x182: {  	s0 =	stileid.u32;
	[bflag:$0x2] =	sbarrier.arrive $0xFFFF  }
0x183: {  	p0 =	sne.s32 s0, $0x0;
	s0 =	rddreg [dreg:$0x5]  }
0x184: {  	s0 =	sadd.s32 @!p0 $0x100000, s0  }
0x185: {  	[sflag:s0] =	ssyncadd.tile.s32 @!p0 $0x1;
	_ =	shalt  }
.Lfunc_end2:
_tile_overlayer_lowered:
.L_overlay_start_2:
0x186: {  	(tag) =	ssettag $0x2  }
0x187: {  	s0 =	rddreg [dreg:$0x0];
	s2 =	stileid.u32  }
0x188: {  	s1 =	rddreg [dreg:$0x1];
	p0 =	sne.s32 s2, $0x0  }
0x189: {  	s3 =	rddreg [dreg:$0x2];
	[bflag:$0x3] =	sbarrier.arrive $0xFFFF;
	s2 =	simm.s32 @!p0 $0x1C03  }
0x18a: {  	[timem:s3], [sflag:s2] =	dma.local @!p0 [hbm:s0], s1  }
0x18b: {  	s0 =	simm.s32 @!p0 $0x3  }
0x18c: {  	_ =	swait.ge @!p0 [sflag:s0], s1  }
0x18d: {  	s1 =	ssub.s32 @!p0 $0x0, s1;
	[sflag:s0] =	ssyncset.done @!p0 $0x0  }
0x18e: {  	[sflag:s0] =	ssyncadd.s32 @!p0 s1  }
0x18f: {  	[bflag:$0x3] =	sbarrier.arrive $0xFFFF  }
0x190: {  	_ =	shalt  }

</sc_bundles>
